<compile_context>
chip_gen: v7x
topology: tpu7x:2x2x1
jax: 0.10.2.dev20260603
libtpu: 0.0.44.dev20260713+nightly
codegen_flags: <defaults>
</compile_context>

<pallas_src>
import jax
import jax.numpy as jnp
from jax import lax
from jax.experimental import pallas as pl
from jax.experimental.pallas import tpu as pltpu
from jax.experimental.pallas import tpu_sc as plsc

N = 10000
E = 320000
D = 128
H = 64
DP = 144

NC = 2
NS = 16
NW = NC * NS
EPW = E // NW
K = 80
NCH = EPW // K
RPS = N // NS
PB = 15


def _leaky(x):
    return jnp.where(x > 0, x, 0.01 * x)


def _table_body(feat_ref, src_ref, rel_ref, dst_ref,
                w1, b1, w2, b2, w3, b3, out_ref, pidx_ref):
    x = feat_ref[...]
    h = _leaky(jnp.dot(x, w1[...], preferred_element_type=jnp.float32) + b1[...])
    h = _leaky(jnp.dot(h, w2[...], preferred_element_type=jnp.float32) + b2[...])
    g = jnp.dot(h, w3[...], preferred_element_type=jnp.float32) + b3[...]
    rows = out_ref.shape[1]
    pad = jnp.where(
        lax.broadcasted_iota(jnp.int32, (rows, DP - D), 1) == 0, 1.0, 0.0
    ).astype(jnp.float32)
    out_ref[0, :, 0:D] = x
    out_ref[0, :, D:DP] = pad
    out_ref[1, :, 0:D] = g
    out_ref[1, :, D:DP] = pad
    @pl.when(pl.program_id(0) == 0)
    def _pack():
        cidx = src_ref[...] + rel_ref[...] * N
        pidx_ref[...] = cidx * (2 ** PB) + dst_ref[...]


def _build_table(feat, src, rel, dst, Wi1, bi1, Wi2, bi2, Wi3, bi3):
    grid = 5
    rows = N // grid
    return pl.pallas_call(
        _table_body,
        grid=(grid,),
        in_specs=[
            pl.BlockSpec((rows, D), lambda i: (i, 0)),
            pl.BlockSpec(src.shape, lambda i: (0, 0)),
            pl.BlockSpec(src.shape, lambda i: (0, 0)),
            pl.BlockSpec(src.shape, lambda i: (0, 0)),
            pl.BlockSpec(Wi1.shape, lambda i: (0, 0)),
            pl.BlockSpec(bi1.shape, lambda i: (0, 0)),
            pl.BlockSpec(Wi2.shape, lambda i: (0, 0)),
            pl.BlockSpec(bi2.shape, lambda i: (0, 0)),
            pl.BlockSpec(Wi3.shape, lambda i: (0, 0)),
            pl.BlockSpec(bi3.shape, lambda i: (0, 0)),
        ],
        out_specs=[
            pl.BlockSpec((2, rows, DP), lambda i: (0, i, 0)),
            pl.BlockSpec(src.shape, lambda i: (0, 0)),
        ],
        out_shape=[
            jax.ShapeDtypeStruct((2, N, DP), jnp.float32),
            jax.ShapeDtypeStruct(src.shape, jnp.int32),
        ],
    )(feat, src, rel, dst, Wi1, bi1, Wi2, bi2, Wi3, bi3)


NB = 3
NT = (NCH // NB)


def _sc_body(tab, pidx, out, acc,
             p0, p1, p2, c0, c1, c2, d0, d1, d2, r0, r1, r2,
             sI0, sI1, sI2, sG0, sG1, sG2, sS0, sS1, sS2):
    c = lax.axis_index("c")
    s = lax.axis_index("s")
    w = s * NC + c
    pb = [p0, p1, p2]
    cb = [c0, c1, c2]
    db = [d0, d1, d2]
    rows = [r0, r1, r2]
    semI = [sI0, sI1, sI2]
    semG = [sG0, sG1, sG2]
    semS = [sS0, sS1, sS2]

    def _unpack(x):
        for g in range(K // 16):
            sl = pl.ds(g * 16, 16)
            p = pb[x][sl]
            cb[x][sl] = lax.shift_right_logical(p, PB)
            db[x][sl] = lax.bitwise_and(p, 2 ** PB - 1)

    def _startI(x, j):
        pltpu.make_async_copy(pidx.at[w, j], pb[x], semI[x]).start()

    def _startG(x):
        h = K // 2
        pltpu.make_async_copy(tab.at[cb[x].at[pl.ds(0, h)]],
                              rows[x].at[pl.ds(0, h)], semG[x]).start()
        pltpu.make_async_copy(tab.at[cb[x].at[pl.ds(h, h)]],
                              rows[x].at[pl.ds(h, h)], semG[x]).start()

    def _waitG(x):
        h = K // 2
        pltpu.make_async_copy(tab.at[cb[x].at[pl.ds(0, h)]],
                              rows[x].at[pl.ds(0, h)], semG[x]).wait()
        pltpu.make_async_copy(tab.at[cb[x].at[pl.ds(h, h)]],
                              rows[x].at[pl.ds(h, h)], semG[x]).wait()

    rem = RPS % K
    nzh = RPS // K + (1 if rem else 0)

    for x in range(NB):
        _startI(x, x)

    @pl.loop(0, K)
    def _zero(i):
        for j in range(DP // 16):
            r2[i, pl.ds(j * 16, 16)] = jnp.zeros((16,), jnp.float32)

    for t in range(RPS // K):
        pltpu.make_async_copy(r2, acc.at[pl.ds(s * RPS + t * K, K)],
                              sS0).start()
    if rem:
        pltpu.make_async_copy(r2.at[pl.ds(0, rem)],
                              acc.at[pl.ds(s * RPS + (RPS // K) * K, rem)],
                              sS0).start()

    for x in range(NB - 1):
        pltpu.make_async_copy(pidx.at[w, x], pb[x], semI[x]).wait()
        _unpack(x)
        _startG(x)

    for t in range(RPS // K):
        pltpu.make_async_copy(r2, acc.at[pl.ds(s * RPS + t * K, K)],
                              sS0).wait()
    if rem:
        pltpu.make_async_copy(r2.at[pl.ds(0, rem)],
                              acc.at[pl.ds(s * RPS + (RPS // K) * K, rem)],
                              sS0).wait()

    pltpu.make_async_copy(pidx.at[w, NB - 1], pb[NB - 1], semI[NB - 1]).wait()
    _unpack(NB - 1)
    _startG(NB - 1)

    plsc.subcore_barrier()

    @pl.loop(0, NT)
    def _round(t):
        j0 = t * NB
        for x in range(NB):
            _waitG(x)
            pltpu.async_copy(rows[x], acc.at[db[x]], semS[x], add=True)
            jn = j0 + x + NB

            @pl.when(jn < NCH)
            def _prefetch():
                _startI(x, jn)

        for x in range(NB):
            pltpu.make_async_copy(rows[x], acc.at[db[x]], semS[x]).wait()
            jn = j0 + x + NB

            @pl.when(jn < NCH)
            def _next():
                pltpu.make_async_copy(pidx.at[w, jn], pb[x], semI[x]).wait()
                _unpack(x)
                _startG(x)

    for x in range(NCH - NB * NT):
        _waitG(x)
        pltpu.async_copy(rows[x], acc.at[db[x]], semS[x], add=True)
    for x in range(NCH - NB * NT):
        pltpu.make_async_copy(rows[x], acc.at[db[x]], semS[x]).wait()

    plsc.subcore_barrier()

    def _wslice(h):
        n = rem if (rem and h == nzh - 1) else K
        return pl.ds(s * RPS + h * K, n), pl.ds(c * N + s * RPS + h * K, n)

    def _fill(h):
        a_sl, _ = _wslice(h)
        n = rem if (rem and h == nzh - 1) else K
        return pltpu.make_async_copy(acc.at[a_sl], rows[h % NB].at[pl.ds(0, n)],
                                     semG[h % NB])

    def _drainw(h):
        _, o_sl = _wslice(h)
        n = rem if (rem and h == nzh - 1) else K
        return pltpu.make_async_copy(rows[h % NB].at[pl.ds(0, n)], out.at[o_sl],
                                     semS[h % NB])

    for h in range(nzh):
        if h >= NB:
            _drainw(h - NB).wait()
        _fill(h).start()
        if h >= 1:
            _fill(h - 1).wait()
            _drainw(h - 1).start()
    _fill(nzh - 1).wait()
    _drainw(nzh - 1).start()
    for h in range(max(nzh - NB, 0), nzh):
        _drainw(h).wait()


def _sc_scatter(table2n, pidx3d):
    mesh = plsc.VectorSubcoreMesh(core_axis_name="c", subcore_axis_name="s")
    f = pl.kernel(
        _sc_body,
        out_type=jax.ShapeDtypeStruct((NC * N, DP), jnp.float32),
        mesh=mesh,
        scratch_types=(
            [pltpu.VMEM_SHARED((N, DP), jnp.float32)]
            + [pltpu.VMEM((K,), jnp.int32) for _ in range(3 * NB)]
            + [pltpu.VMEM((K, DP), jnp.float32) for _ in range(NB)]
            + [pltpu.SemaphoreType.DMA for _ in range(3 * NB)]
        ),
        compiler_params=pltpu.CompilerParams(use_tc_tiling_on_sc=False),
    )
    return f(table2n, pidx3d)


def _final_body(acc_ref, w1, b1, w2, b2, w3, b3, out_ref):
    sacc = acc_ref[0] + acc_ref[1]
    deg = lax.slice(sacc, (0, D), (sacc.shape[0], D + 1))
    neigh = sacc[:, 0:D] / jnp.maximum(deg, 1.0)
    h = _leaky(jnp.dot(neigh, w1[...], preferred_element_type=jnp.float32) + b1[...])
    h = _leaky(jnp.dot(h, w2[...], preferred_element_type=jnp.float32) + b2[...])
    out_ref[...] = jnp.dot(h, w3[...], preferred_element_type=jnp.float32) + b3[...]


def _finalize(acc, Wa1, ba1, Wa2, ba2, Wa3, ba3):
    grid = 5
    rows = N // grid
    return pl.pallas_call(
        _final_body,
        grid=(grid,),
        in_specs=[
            pl.BlockSpec((2, rows, DP), lambda i: (0, i, 0)),
            pl.BlockSpec(Wa1.shape, lambda i: (0, 0)),
            pl.BlockSpec(ba1.shape, lambda i: (0, 0)),
            pl.BlockSpec(Wa2.shape, lambda i: (0, 0)),
            pl.BlockSpec(ba2.shape, lambda i: (0, 0)),
            pl.BlockSpec(Wa3.shape, lambda i: (0, 0)),
            pl.BlockSpec(ba3.shape, lambda i: (0, 0)),
        ],
        out_specs=pl.BlockSpec((rows, D), lambda i: (i, 0)),
        out_shape=jax.ShapeDtypeStruct((N, D), jnp.float32),
    )(acc, Wa1, ba1, Wa2, ba2, Wa3, ba3)


def kernel(act_flag, feat, edge_index, edge_r,
           Wi1, bi1, Wi2, bi2, Wi3, bi3, Wa1, ba1, Wa2, ba2, Wa3, ba3):
    src = edge_index[0].astype(jnp.int32).reshape(E // D, D)
    rel = edge_r.astype(jnp.int32).reshape(E // D, D)
    dst = edge_index[1].astype(jnp.int32).reshape(E // D, D)

    table, pidx = _build_table(feat, src, rel, dst,
                               Wi1, bi1.reshape(1, H), Wi2, bi2.reshape(1, H),
                               Wi3, bi3.reshape(1, D))
    acc = _sc_scatter(table.reshape(2 * N, DP),
                      pidx.reshape(NW, NCH, K)).reshape(2, N, DP)
    return _finalize(acc, Wa1, ba1.reshape(1, H), Wa2, ba2.reshape(1, H),
                     Wa3, ba3.reshape(1, D))

# --- scband reference (transcript-rebuilt; emitter-appended) ---
"""Pipeline reference for scband-function-conv-47931835023786 (READ-ONLY COPY).

The authoritative reference and input builder live on the scoring server;
editing this copy changes nothing except your own understanding.
"""

import jax, jax.numpy as jnp
import numpy as np

N = 10000
E = 320000
D = 128
H = 64


def _leaky(x):
    return jnp.where(x > 0, x, 0.01 * x)


def _mlp(x, W1, b1, W2, b2, W3, b3):
    h = _leaky(x @ W1 + b1)
    h = _leaky(h @ W2 + b2)
    return h @ W3 + b3


def _glorot(k, shape):
    lim = float(np.sqrt(6.0 / (shape[0] + shape[1])))
    return jax.random.uniform(k, shape, minval=-lim, maxval=lim, dtype=jnp.float32)


def setup_inputs(seed: int = 0):
    key = jax.random.key(seed)
    ks = jax.random.split(key, 12)
    feat = jax.random.normal(ks[0], (N, D), dtype=jnp.float32)
    edge_index = jax.random.randint(ks[1], (2, E), 0, N)
    edge_r = jax.random.randint(ks[2], (E,), 0, 2)
    # funv_inv MLP: D -> H -> H -> D
    Wi1 = _glorot(ks[3], (D, H)); bi1 = jnp.zeros((H,), jnp.float32)
    Wi2 = _glorot(ks[4], (H, H)); bi2 = jnp.zeros((H,), jnp.float32)
    Wi3 = _glorot(ks[5], (H, D)); bi3 = jnp.zeros((D,), jnp.float32)
    # func_and MLP: D -> H -> H -> D
    Wa1 = _glorot(ks[6], (D, H)); ba1 = jnp.zeros((H,), jnp.float32)
    Wa2 = _glorot(ks[7], (H, H)); ba2 = jnp.zeros((H,), jnp.float32)
    Wa3 = _glorot(ks[8], (H, D)); ba3 = jnp.zeros((D,), jnp.float32)
    return {
        'act_flag': False,
        'feat': feat,
        'edge_index': edge_index,
        'edge_r': edge_r,
        'Wi1': Wi1, 'bi1': bi1, 'Wi2': Wi2, 'bi2': bi2, 'Wi3': Wi3, 'bi3': bi3,
        'Wa1': Wa1, 'ba1': ba1, 'Wa2': Wa2, 'ba2': ba2, 'Wa3': Wa3, 'ba3': ba3,
    }


def reference(act_flag, feat, edge_index, edge_r, Wi1, bi1, Wi2, bi2, Wi3, bi3, Wa1, ba1, Wa2, ba2, Wa3, ba3):
    src = edge_index[0]
    dst = edge_index[1]
    # gather source node features per edge
    h_src = jnp.take(feat, src, axis=0)
    # edges with r == 1 apply the funv_inv MLP; edges with r == 0 copy raw src feature
    eh_inv = _mlp(h_src, Wi1, bi1, Wi2, bi2, Wi3, bi3)
    mask = (edge_r == 1)[:, None]
    eh = jnp.where(mask, eh_inv, h_src)
    # mean aggregation over incoming edges (fn.copy_e + fn.mean)
    neigh_sum = jax.ops.segment_sum(eh, dst, num_segments=N)
    deg = jax.ops.segment_sum(jnp.ones((E,), jnp.float32), dst, num_segments=N)
    neigh = neigh_sum / jnp.maximum(deg, 1.0)[:, None]
    # apply_nodes_func: func_and MLP
    rst = _mlp(neigh, Wa1, ba1, Wa2, ba2, Wa3, ba3)
    # activation is None in this configuration; act_flag has no effect
    return rst

if __name__ == "__main__":
    import jax
    _d = setup_inputs()
    print(jax.jit(kernel)(*tuple(_d.values())))

</pallas_src>

<mosaic_0001>
#map = affine_map<(d0, d1) -> (0, 0)>
#map1 = affine_map<(d0, d1) -> (0, 0, 0)>
module attributes {stable_mosaic.version = 14 : i64} {
  func.func @_sc_body(%arg0: i32, %arg1: i32, %arg2: memref<20000x144xf32, #tpu.memory_space<hbm>>, %arg3: memref<32x125x80xi32, #tpu.memory_space<hbm>>, %arg4: memref<20000x144xf32, #tpu.memory_space<hbm>>, %arg5: memref<10000x144xf32, #tpu.memory_space<vmem_shared>>, %arg6: memref<80xi32, #tpu.memory_space<vmem>>, %arg7: memref<80xi32, #tpu.memory_space<vmem>>, %arg8: memref<80xi32, #tpu.memory_space<vmem>>, %arg9: memref<80xi32, #tpu.memory_space<vmem>>, %arg10: memref<80xi32, #tpu.memory_space<vmem>>, %arg11: memref<80xi32, #tpu.memory_space<vmem>>, %arg12: memref<80xi32, #tpu.memory_space<vmem>>, %arg13: memref<80xi32, #tpu.memory_space<vmem>>, %arg14: memref<80xi32, #tpu.memory_space<vmem>>, %arg15: memref<80x144xf32, #tpu.memory_space<vmem>>, %arg16: memref<80x144xf32, #tpu.memory_space<vmem>>, %arg17: memref<80x144xf32, #tpu.memory_space<vmem>>, %arg18: memref<!tpu.dma_semaphore, #tpu.memory_space<semaphore_mem>>, %arg19: memref<!tpu.dma_semaphore, #tpu.memory_space<semaphore_mem>>, %arg20: memref<!tpu.dma_semaphore, #tpu.memory_space<semaphore_mem>>, %arg21: memref<!tpu.dma_semaphore, #tpu.memory_space<semaphore_mem>>, %arg22: memref<!tpu.dma_semaphore, #tpu.memory_space<semaphore_mem>>, %arg23: memref<!tpu.dma_semaphore, #tpu.memory_space<semaphore_mem>>, %arg24: memref<!tpu.dma_semaphore, #tpu.memory_space<semaphore_mem>>, %arg25: memref<!tpu.dma_semaphore, #tpu.memory_space<semaphore_mem>>, %arg26: memref<!tpu.dma_semaphore, #tpu.memory_space<semaphore_mem>>) attributes {dimension_semantics = [#tpu.dimension_semantics<core_parallel>, #tpu.dimension_semantics<subcore_parallel>], iteration_bounds = array<i64: 2, 16>, scalar_prefetch = 0 : i64, scratch_operands = 22 : i64, tpu.core_type = #tpu.core_type<sc_vector_subcore>, window_params = [{transform_indices = #map}, {transform_indices = #map1}, {transform_indices = #map}]} {
    %mul3A = arith.constant 2 : i32
    %mul3A_0 = arith.muli %arg1, %mul3A : i32
    %add3A = arith.addi %mul3A_0, %arg0 : i32
    %dma_start3A = arith.constant 0 : i32
    %dma_start3A_1 = arith.constant 0 : i32
    %dma_start3A_2 = tpu.memref_slice %arg3[%add3A, %dma_start3A, %dma_start3A_1] : memref<32x125x80xi32, #tpu.memory_space<hbm>> -> memref<1x1x80xi32, #tpu.memory_space<hbm>>
    %dma_start3A_3 = tpu.memref_squeeze %dma_start3A_2 : memref<1x1x80xi32, #tpu.memory_space<hbm>> -> memref<80xi32, #tpu.memory_space<hbm>>
    %dma_start3A_4 = arith.constant 0 : i32
    %dma_start3A_5 = tpu.memref_slice %arg3[%add3A, %dma_start3A, %dma_start3A_4] : memref<32x125x80xi32, #tpu.memory_space<hbm>> -> memref<1x1x80xi32, #tpu.memory_space<hbm>>
    %dma_start3A_6 = tpu.memref_squeeze %dma_start3A_5 : memref<1x1x80xi32, #tpu.memory_space<hbm>> -> memref<80xi32, #tpu.memory_space<hbm>>
    tpu.enqueue_dma source(%dma_start3A_6 : memref<80xi32, #tpu.memory_space<hbm>>) target(%arg6 : memref<80xi32, #tpu.memory_space<vmem>>) target_semaphore(%arg18 : memref<!tpu.dma_semaphore, #tpu.memory_space<semaphore_mem>>)
    %dma_start3A_7 = arith.constant 1 : i32
    %dma_start3A_8 = arith.constant 0 : i32
    %dma_start3A_9 = tpu.memref_slice %arg3[%add3A, %dma_start3A_7, %dma_start3A_8] : memref<32x125x80xi32, #tpu.memory_space<hbm>> -> memref<1x1x80xi32, #tpu.memory_space<hbm>>
    %dma_start3A_10 = tpu.memref_squeeze %dma_start3A_9 : memref<1x1x80xi32, #tpu.memory_space<hbm>> -> memref<80xi32, #tpu.memory_space<hbm>>
    %dma_start3A_11 = arith.constant 0 : i32
    %dma_start3A_12 = tpu.memref_slice %arg3[%add3A, %dma_start3A_7, %dma_start3A_11] : memref<32x125x80xi32, #tpu.memory_space<hbm>> -> memref<1x1x80xi32, #tpu.memory_space<hbm>>
    %dma_start3A_13 = tpu.memref_squeeze %dma_start3A_12 : memref<1x1x80xi32, #tpu.memory_space<hbm>> -> memref<80xi32, #tpu.memory_space<hbm>>
    tpu.enqueue_dma source(%dma_start3A_13 : memref<80xi32, #tpu.memory_space<hbm>>) target(%arg7 : memref<80xi32, #tpu.memory_space<vmem>>) target_semaphore(%arg19 : memref<!tpu.dma_semaphore, #tpu.memory_space<semaphore_mem>>)
    %dma_start3A_14 = arith.constant 2 : i32
    %dma_start3A_15 = arith.constant 0 : i32
    %dma_start3A_16 = tpu.memref_slice %arg3[%add3A, %dma_start3A_14, %dma_start3A_15] : memref<32x125x80xi32, #tpu.memory_space<hbm>> -> memref<1x1x80xi32, #tpu.memory_space<hbm>>
    %dma_start3A_17 = tpu.memref_squeeze %dma_start3A_16 : memref<1x1x80xi32, #tpu.memory_space<hbm>> -> memref<80xi32, #tpu.memory_space<hbm>>
    %dma_start3A_18 = arith.constant 0 : i32
    %dma_start3A_19 = tpu.memref_slice %arg3[%add3A, %dma_start3A_14, %dma_start3A_18] : memref<32x125x80xi32, #tpu.memory_space<hbm>> -> memref<1x1x80xi32, #tpu.memory_space<hbm>>
    %dma_start3A_20 = tpu.memref_squeeze %dma_start3A_19 : memref<1x1x80xi32, #tpu.memory_space<hbm>> -> memref<80xi32, #tpu.memory_space<hbm>>
    tpu.enqueue_dma source(%dma_start3A_20 : memref<80xi32, #tpu.memory_space<hbm>>) target(%arg8 : memref<80xi32, #tpu.memory_space<vmem>>) target_semaphore(%arg20 : memref<!tpu.dma_semaphore, #tpu.memory_space<semaphore_mem>>)
    %scan3A = arith.constant 0 : i32
    %scan3A_21 = arith.constant 80 : i32
    %scan3A_22 = arith.addi %scan3A, %scan3A_21 : i32
    %scan3A_23 = arith.constant 1 : i32
    scf.for %scan3A_1206 = %scan3A to %scan3A_22 step %scan3A_23  : i32 {
      %mul3A_1207 = arith.constant 1 : i32
      %mul3A_1208 = arith.muli %scan3A_1206, %mul3A_1207 : i32
      %add3A_1209 = arith.constant 0 : i32
      %add3A_1210 = arith.addi %add3A_1209, %mul3A_1208 : i32
      %broadcast_in_dim3A = arith.constant 0.000000e+00 : f32
      %broadcast_in_dim3A_1211 = vector.broadcast %broadcast_in_dim3A : f32 to vector<16xf32>
      %swap3A_1212 = arith.index_cast %add3A_1210 : i32 to index
      %swap3A_1213 = arith.constant 0 : index
      %swap3A_1214 = tpu.vector_load %arg17[%swap3A_1212, %swap3A_1213] {strides = array<i32>} : memref<80x144xf32, #tpu.memory_space<vmem>>, vector<1x16xf32>,
      %swap3A_1215 = vector.shape_cast %swap3A_1214 : vector<1x16xf32> to vector<16xf32>
      %swap3A_1216 = vector.shape_cast %broadcast_in_dim3A_1211 : vector<16xf32> to vector<1x16xf32>
      tpu.vector_store %arg17[%swap3A_1212, %swap3A_1213], %swap3A_1216 {strides = array<i32>} : memref<80x144xf32, #tpu.memory_space<vmem>>, vector<1x16xf32>,
      %broadcast_in_dim3A_1217 = arith.constant 0.000000e+00 : f32
      %broadcast_in_dim3A_1218 = vector.broadcast %broadcast_in_dim3A_1217 : f32 to vector<16xf32>
      %swap3A_1219 = arith.index_cast %add3A_1210 : i32 to index
      %swap3A_1220 = arith.constant 16 : index
      %swap3A_1221 = tpu.vector_load %arg17[%swap3A_1219, %swap3A_1220] {strides = array<i32>} : memref<80x144xf32, #tpu.memory_space<vmem>>, vector<1x16xf32>,
      %swap3A_1222 = vector.shape_cast %swap3A_1221 : vector<1x16xf32> to vector<16xf32>
      %swap3A_1223 = vector.shape_cast %broadcast_in_dim3A_1218 : vector<16xf32> to vector<1x16xf32>
      tpu.vector_store %arg17[%swap3A_1219, %swap3A_1220], %swap3A_1223 {strides = array<i32>} : memref<80x144xf32, #tpu.memory_space<vmem>>, vector<1x16xf32>,
      %broadcast_in_dim3A_1224 = arith.constant 0.000000e+00 : f32
      %broadcast_in_dim3A_1225 = vector.broadcast %broadcast_in_dim3A_1224 : f32 to vector<16xf32>
      %swap3A_1226 = arith.index_cast %add3A_1210 : i32 to index
      %swap3A_1227 = arith.constant 32 : index
      %swap3A_1228 = tpu.vector_load %arg17[%swap3A_1226, %swap3A_1227] {strides = array<i32>} : memref<80x144xf32, #tpu.memory_space<vmem>>, vector<1x16xf32>,
      %swap3A_1229 = vector.shape_cast %swap3A_1228 : vector<1x16xf32> to vector<16xf32>
      %swap3A_1230 = vector.shape_cast %broadcast_in_dim3A_1225 : vector<16xf32> to vector<1x16xf32>
      tpu.vector_store %arg17[%swap3A_1226, %swap3A_1227], %swap3A_1230 {strides = array<i32>} : memref<80x144xf32, #tpu.memory_space<vmem>>, vector<1x16xf32>,
      %broadcast_in_dim3A_1231 = arith.constant 0.000000e+00 : f32
      %broadcast_in_dim3A_1232 = vector.broadcast %broadcast_in_dim3A_1231 : f32 to vector<16xf32>
      %swap3A_1233 = arith.index_cast %add3A_1210 : i32 to index
      %swap3A_1234 = arith.constant 48 : index
      %swap3A_1235 = tpu.vector_load %arg17[%swap3A_1233, %swap3A_1234] {strides = array<i32>} : memref<80x144xf32, #tpu.memory_space<vmem>>, vector<1x16xf32>,
      %swap3A_1236 = vector.shape_cast %swap3A_1235 : vector<1x16xf32> to vector<16xf32>
      %swap3A_1237 = vector.shape_cast %broadcast_in_dim3A_1232 : vector<16xf32> to vector<1x16xf32>
      tpu.vector_store %arg17[%swap3A_1233, %swap3A_1234], %swap3A_1237 {strides = array<i32>} : memref<80x144xf32, #tpu.memory_space<vmem>>, vector<1x16xf32>,
      %broadcast_in_dim3A_1238 = arith.constant 0.000000e+00 : f32
      %broadcast_in_dim3A_1239 = vector.broadcast %broadcast_in_dim3A_1238 : f32 to vector<16xf32>
      %swap3A_1240 = arith.index_cast %add3A_1210 : i32 to index
      %swap3A_1241 = arith.constant 64 : index
      %swap3A_1242 = tpu.vector_load %arg17[%swap3A_1240, %swap3A_1241] {strides = array<i32>} : memref<80x144xf32, #tpu.memory_space<vmem>>, vector<1x16xf32>,
      %swap3A_1243 = vector.shape_cast %swap3A_1242 : vector<1x16xf32> to vector<16xf32>
      %swap3A_1244 = vector.shape_cast %broadcast_in_dim3A_1239 : vector<16xf32> to vector<1x16xf32>
      tpu.vector_store %arg17[%swap3A_1240, %swap3A_1241], %swap3A_1244 {strides = array<i32>} : memref<80x144xf32, #tpu.memory_space<vmem>>, vector<1x16xf32>,
      %broadcast_in_dim3A_1245 = arith.constant 0.000000e+00 : f32
      %broadcast_in_dim3A_1246 = vector.broadcast %broadcast_in_dim3A_1245 : f32 to vector<16xf32>
      %swap3A_1247 = arith.index_cast %add3A_1210 : i32 to index
      %swap3A_1248 = arith.constant 80 : index
      %swap3A_1249 = tpu.vector_load %arg17[%swap3A_1247, %swap3A_1248] {strides = array<i32>} : memref<80x144xf32, #tpu.memory_space<vmem>>, vector<1x16xf32>,
      %swap3A_1250 = vector.shape_cast %swap3A_1249 : vector<1x16xf32> to vector<16xf32>
      %swap3A_1251 = vector.shape_cast %broadcast_in_dim3A_1246 : vector<16xf32> to vector<1x16xf32>
      tpu.vector_store %arg17[%swap3A_1247, %swap3A_1248], %swap3A_1251 {strides = array<i32>} : memref<80x144xf32, #tpu.memory_space<vmem>>, vector<1x16xf32>,
      %broadcast_in_dim3A_1252 = arith.constant 0.000000e+00 : f32
      %broadcast_in_dim3A_1253 = vector.broadcast %broadcast_in_dim3A_1252 : f32 to vector<16xf32>
      %swap3A_1254 = arith.index_cast %add3A_1210 : i32 to index
      %swap3A_1255 = arith.constant 96 : index
      %swap3A_1256 = tpu.vector_load %arg17[%swap3A_1254, %swap3A_1255] {strides = array<i32>} : memref<80x144xf32, #tpu.memory_space<vmem>>, vector<1x16xf32>,
      %swap3A_1257 = vector.shape_cast %swap3A_1256 : vector<1x16xf32> to vector<16xf32>
      %swap3A_1258 = vector.shape_cast %broadcast_in_dim3A_1253 : vector<16xf32> to vector<1x16xf32>
      tpu.vector_store %arg17[%swap3A_1254, %swap3A_1255], %swap3A_1258 {strides = array<i32>} : memref<80x144xf32, #tpu.memory_space<vmem>>, vector<1x16xf32>,
      %broadcast_in_dim3A_1259 = arith.constant 0.000000e+00 : f32
      %broadcast_in_dim3A_1260 = vector.broadcast %broadcast_in_dim3A_1259 : f32 to vector<16xf32>
      %swap3A_1261 = arith.index_cast %add3A_1210 : i32 to index
      %swap3A_1262 = arith.constant 112 : index
      %swap3A_1263 = tpu.vector_load %arg17[%swap3A_1261, %swap3A_1262] {strides = array<i32>} : memref<80x144xf32, #tpu.memory_space<vmem>>, vector<1x16xf32>,
      %swap3A_1264 = vector.shape_cast %swap3A_1263 : vector<1x16xf32> to vector<16xf32>
      %swap3A_1265 = vector.shape_cast %broadcast_in_dim3A_1260 : vector<16xf32> to vector<1x16xf32>
      tpu.vector_store %arg17[%swap3A_1261, %swap3A_1262], %swap3A_1265 {strides = array<i32>} : memref<80x144xf32, #tpu.memory_space<vmem>>, vector<1x16xf32>,
      %broadcast_in_dim3A_1266 = arith.constant 0.000000e+00 : f32
      %broadcast_in_dim3A_1267 = vector.broadcast %broadcast_in_dim3A_1266 : f32 to vector<16xf32>
      %swap3A_1268 = arith.index_cast %add3A_1210 : i32 to index
      %swap3A_1269 = arith.constant 128 : index
      %swap3A_1270 = tpu.vector_load %arg17[%swap3A_1268, %swap3A_1269] {strides = array<i32>} : memref<80x144xf32, #tpu.memory_space<vmem>>, vector<1x16xf32>,
      %swap3A_1271 = vector.shape_cast %swap3A_1270 : vector<1x16xf32> to vector<16xf32>
      %swap3A_1272 = vector.shape_cast %broadcast_in_dim3A_1267 : vector<16xf32> to vector<1x16xf32>
      tpu.vector_store %arg17[%swap3A_1268, %swap3A_1269], %swap3A_1272 {strides = array<i32>} : memref<80x144xf32, #tpu.memory_space<vmem>>, vector<1x16xf32>,
    }
    %scan3A_24 = arith.constant 80 : i32
    %mul3A_25 = arith.constant 625 : i32
    %mul3A_26 = arith.muli %arg1, %mul3A_25 : i32
    %add3A_27 = arith.constant 0 : i32
    %add3A_28 = arith.addi %mul3A_26, %add3A_27 : i32
    %dma_start3A_29 = arith.constant 0 : i32
    %dma_start3A_30 = tpu.memref_slice %arg5[%add3A_28, %dma_start3A_29] : memref<10000x144xf32, #tpu.memory_space<vmem_shared>> -> memref<80x144xf32, #tpu.memory_space<vmem_shared>>
    %dma_start3A_31 = arith.constant 0 : i32
    %dma_start3A_32 = tpu.memref_slice %arg5[%add3A_28, %dma_start3A_31] : memref<10000x144xf32, #tpu.memory_space<vmem_shared>> -> memref<80x144xf32, #tpu.memory_space<vmem_shared>>
    tpu.enqueue_dma source(%arg17 : memref<80x144xf32, #tpu.memory_space<vmem>>) target(%dma_start3A_32 : memref<80x144xf32, #tpu.memory_space<vmem_shared>>) target_semaphore(%arg24 : memref<!tpu.dma_semaphore, #tpu.memory_space<semaphore_mem>>)
    %mul3A_33 = arith.constant 625 : i32
    %mul3A_34 = arith.muli %arg1, %mul3A_33 : i32
    %add3A_35 = arith.constant 80 : i32
    %add3A_36 = arith.addi %mul3A_34, %add3A_35 : i32
    %dma_start3A_37 = arith.constant 0 : i32
    %dma_start3A_38 = tpu.memref_slice %arg5[%add3A_36, %dma_start3A_37] : memref<10000x144xf32, #tpu.memory_space<vmem_shared>> -> memref<80x144xf32, #tpu.memory_space<vmem_shared>>
    %dma_start3A_39 = arith.constant 0 : i32
    %dma_start3A_40 = tpu.memref_slice %arg5[%add3A_36, %dma_start3A_39] : memref<10000x144xf32, #tpu.memory_space<vmem_shared>> -> memref<80x144xf32, #tpu.memory_space<vmem_shared>>
    tpu.enqueue_dma source(%arg17 : memref<80x144xf32, #tpu.memory_space<vmem>>) target(%dma_start3A_40 : memref<80x144xf32, #tpu.memory_space<vmem_shared>>) target_semaphore(%arg24 : memref<!tpu.dma_semaphore, #tpu.memory_space<semaphore_mem>>)
    %mul3A_41 = arith.constant 625 : i32
    %mul3A_42 = arith.muli %arg1, %mul3A_41 : i32
    %add3A_43 = arith.constant 160 : i32
    %add3A_44 = arith.addi %mul3A_42, %add3A_43 : i32
    %dma_start3A_45 = arith.constant 0 : i32
    %dma_start3A_46 = tpu.memref_slice %arg5[%add3A_44, %dma_start3A_45] : memref<10000x144xf32, #tpu.memory_space<vmem_shared>> -> memref<80x144xf32, #tpu.memory_space<vmem_shared>>
    %dma_start3A_47 = arith.constant 0 : i32
    %dma_start3A_48 = tpu.memref_slice %arg5[%add3A_44, %dma_start3A_47] : memref<10000x144xf32, #tpu.memory_space<vmem_shared>> -> memref<80x144xf32, #tpu.memory_space<vmem_shared>>
    tpu.enqueue_dma source(%arg17 : memref<80x144xf32, #tpu.memory_space<vmem>>) target(%dma_start3A_48 : memref<80x144xf32, #tpu.memory_space<vmem_shared>>) target_semaphore(%arg24 : memref<!tpu.dma_semaphore, #tpu.memory_space<semaphore_mem>>)
    %mul3A_49 = arith.constant 625 : i32
    %mul3A_50 = arith.muli %arg1, %mul3A_49 : i32
    %add3A_51 = arith.constant 240 : i32
    %add3A_52 = arith.addi %mul3A_50, %add3A_51 : i32
    %dma_start3A_53 = arith.constant 0 : i32
    %dma_start3A_54 = tpu.memref_slice %arg5[%add3A_52, %dma_start3A_53] : memref<10000x144xf32, #tpu.memory_space<vmem_shared>> -> memref<80x144xf32, #tpu.memory_space<vmem_shared>>
    %dma_start3A_55 = arith.constant 0 : i32
    %dma_start3A_56 = tpu.memref_slice %arg5[%add3A_52, %dma_start3A_55] : memref<10000x144xf32, #tpu.memory_space<vmem_shared>> -> memref<80x144xf32, #tpu.memory_space<vmem_shared>>
    tpu.enqueue_dma source(%arg17 : memref<80x144xf32, #tpu.memory_space<vmem>>) target(%dma_start3A_56 : memref<80x144xf32, #tpu.memory_space<vmem_shared>>) target_semaphore(%arg24 : memref<!tpu.dma_semaphore, #tpu.memory_space<semaphore_mem>>)
    %mul3A_57 = arith.constant 625 : i32
    %mul3A_58 = arith.muli %arg1, %mul3A_57 : i32
    %add3A_59 = arith.constant 320 : i32
    %add3A_60 = arith.addi %mul3A_58, %add3A_59 : i32
    %dma_start3A_61 = arith.constant 0 : i32
    %dma_start3A_62 = tpu.memref_slice %arg5[%add3A_60, %dma_start3A_61] : memref<10000x144xf32, #tpu.memory_space<vmem_shared>> -> memref<80x144xf32, #tpu.memory_space<vmem_shared>>
    %dma_start3A_63 = arith.constant 0 : i32
    %dma_start3A_64 = tpu.memref_slice %arg5[%add3A_60, %dma_start3A_63] : memref<10000x144xf32, #tpu.memory_space<vmem_shared>> -> memref<80x144xf32, #tpu.memory_space<vmem_shared>>
    tpu.enqueue_dma source(%arg17 : memref<80x144xf32, #tpu.memory_space<vmem>>) target(%dma_start3A_64 : memref<80x144xf32, #tpu.memory_space<vmem_shared>>) target_semaphore(%arg24 : memref<!tpu.dma_semaphore, #tpu.memory_space<semaphore_mem>>)
    %mul3A_65 = arith.constant 625 : i32
    %mul3A_66 = arith.muli %arg1, %mul3A_65 : i32
    %add3A_67 = arith.constant 400 : i32
    %add3A_68 = arith.addi %mul3A_66, %add3A_67 : i32
    %dma_start3A_69 = arith.constant 0 : i32
    %dma_start3A_70 = tpu.memref_slice %arg5[%add3A_68, %dma_start3A_69] : memref<10000x144xf32, #tpu.memory_space<vmem_shared>> -> memref<80x144xf32, #tpu.memory_space<vmem_shared>>
    %dma_start3A_71 = arith.constant 0 : i32
    %dma_start3A_72 = tpu.memref_slice %arg5[%add3A_68, %dma_start3A_71] : memref<10000x144xf32, #tpu.memory_space<vmem_shared>> -> memref<80x144xf32, #tpu.memory_space<vmem_shared>>
    tpu.enqueue_dma source(%arg17 : memref<80x144xf32, #tpu.memory_space<vmem>>) target(%dma_start3A_72 : memref<80x144xf32, #tpu.memory_space<vmem_shared>>) target_semaphore(%arg24 : memref<!tpu.dma_semaphore, #tpu.memory_space<semaphore_mem>>)
    %mul3A_73 = arith.constant 625 : i32
    %mul3A_74 = arith.muli %arg1, %mul3A_73 : i32
    %add3A_75 = arith.constant 480 : i32
    %add3A_76 = arith.addi %mul3A_74, %add3A_75 : i32
    %dma_start3A_77 = arith.constant 0 : i32
    %dma_start3A_78 = tpu.memref_slice %arg5[%add3A_76, %dma_start3A_77] : memref<10000x144xf32, #tpu.memory_space<vmem_shared>> -> memref<80x144xf32, #tpu.memory_space<vmem_shared>>
    %dma_start3A_79 = arith.constant 0 : i32
    %dma_start3A_80 = tpu.memref_slice %arg5[%add3A_76, %dma_start3A_79] : memref<10000x144xf32, #tpu.memory_space<vmem_shared>> -> memref<80x144xf32, #tpu.memory_space<vmem_shared>>
    tpu.enqueue_dma source(%arg17 : memref<80x144xf32, #tpu.memory_space<vmem>>) target(%dma_start3A_80 : memref<80x144xf32, #tpu.memory_space<vmem_shared>>) target_semaphore(%arg24 : memref<!tpu.dma_semaphore, #tpu.memory_space<semaphore_mem>>)
    %mul3A_81 = arith.constant 625 : i32
    %mul3A_82 = arith.muli %arg1, %mul3A_81 : i32
    %add3A_83 = arith.constant 560 : i32
    %add3A_84 = arith.addi %mul3A_82, %add3A_83 : i32
    %dma_start3A_85 = arith.constant 0 : i32
    %dma_start3A_86 = arith.constant 0 : i32
    %dma_start3A_87 = tpu.memref_slice %arg17[%dma_start3A_85, %dma_start3A_86] : memref<80x144xf32, #tpu.memory_space<vmem>> -> memref<65x144xf32, #tpu.memory_space<vmem>>
    %dma_start3A_88 = arith.constant 0 : i32
    %dma_start3A_89 = tpu.memref_slice %arg5[%add3A_84, %dma_start3A_88] : memref<10000x144xf32, #tpu.memory_space<vmem_shared>> -> memref<65x144xf32, #tpu.memory_space<vmem_shared>>
    %dma_start3A_90 = arith.constant 0 : i32
    %dma_start3A_91 = tpu.memref_slice %arg5[%add3A_84, %dma_start3A_90] : memref<10000x144xf32, #tpu.memory_space<vmem_shared>> -> memref<65x144xf32, #tpu.memory_space<vmem_shared>>
    %dma_start3A_92 = arith.constant 0 : i32
    %dma_start3A_93 = arith.constant 0 : i32
    %dma_start3A_94 = tpu.memref_slice %arg17[%dma_start3A_92, %dma_start3A_93] : memref<80x144xf32, #tpu.memory_space<vmem>> -> memref<65x144xf32, #tpu.memory_space<vmem>>
    tpu.enqueue_dma source(%dma_start3A_94 : memref<65x144xf32, #tpu.memory_space<vmem>>) target(%dma_start3A_91 : memref<65x144xf32, #tpu.memory_space<vmem_shared>>) target_semaphore(%arg24 : memref<!tpu.dma_semaphore, #tpu.memory_space<semaphore_mem>>)
    %dma_wait3A = arith.constant 0 : i32
    %dma_wait3A_95 = arith.constant 0 : i32
    %dma_wait3A_96 = tpu.memref_slice %arg3[%add3A, %dma_wait3A, %dma_wait3A_95] : memref<32x125x80xi32, #tpu.memory_space<hbm>> -> memref<1x1x80xi32, #tpu.memory_space<hbm>>
    %dma_wait3A_97 = tpu.memref_squeeze %dma_wait3A_96 : memref<1x1x80xi32, #tpu.memory_space<hbm>> -> memref<80xi32, #tpu.memory_space<hbm>>
    %dma_wait3A_98 = arith.constant 0 : i32
    %dma_wait3A_99 = tpu.memref_slice %arg3[%add3A, %dma_wait3A, %dma_wait3A_98] : memref<32x125x80xi32, #tpu.memory_space<hbm>> -> memref<1x1x80xi32, #tpu.memory_space<hbm>>
    %dma_wait3A_100 = tpu.memref_squeeze %dma_wait3A_99 : memref<1x1x80xi32, #tpu.memory_space<hbm>> -> memref<80xi32, #tpu.memory_space<hbm>>
    tpu.wait_dma2 semaphore(%arg18 : memref<!tpu.dma_semaphore, #tpu.memory_space<semaphore_mem>>) src(%dma_wait3A_100 : memref<80xi32, #tpu.memory_space<hbm>>) dst(%arg6 : memref<80xi32, #tpu.memory_space<vmem>>)
    %get3A = arith.constant 0 : index
    %get3A_101 = tpu.vector_load %arg6[%get3A] {strides = array<i32>} : memref<80xi32, #tpu.memory_space<vmem>>, vector<16xi32>,
    %get3A_102 = vector.shape_cast %get3A_101 : vector<16xi32> to vector<16xi32>
    %shift_right_logical3A = arith.constant 15 : i32
    %shift_right_logical3A_103 = vector.broadcast %shift_right_logical3A : i32 to vector<16xi32>
    %shift_right_logical3A_104 = arith.shrui %get3A_102, %shift_right_logical3A_103 : vector<16xi32>
    %swap3A = arith.constant 0 : index
    %swap3A_105 = tpu.vector_load %arg9[%swap3A] {strides = array<i32>} : memref<80xi32, #tpu.memory_space<vmem>>, vector<16xi32>,
    %swap3A_106 = vector.shape_cast %swap3A_105 : vector<16xi32> to vector<16xi32>
    %swap3A_107 = vector.shape_cast %shift_right_logical3A_104 : vector<16xi32> to vector<16xi32>
    tpu.vector_store %arg9[%swap3A], %swap3A_107 {strides = array<i32>} : memref<80xi32, #tpu.memory_space<vmem>>, vector<16xi32>,
    %and3A = arith.constant 32767 : i32
    %and3A_108 = vector.broadcast %and3A : i32 to vector<16xi32>
    %and3A_109 = arith.andi %get3A_102, %and3A_108 : vector<16xi32>
    %swap3A_110 = arith.constant 0 : index
    %swap3A_111 = tpu.vector_load %arg12[%swap3A_110] {strides = array<i32>} : memref<80xi32, #tpu.memory_space<vmem>>, vector<16xi32>,
    %swap3A_112 = vector.shape_cast %swap3A_111 : vector<16xi32> to vector<16xi32>
    %swap3A_113 = vector.shape_cast %and3A_109 : vector<16xi32> to vector<16xi32>
    tpu.vector_store %arg12[%swap3A_110], %swap3A_113 {strides = array<i32>} : memref<80xi32, #tpu.memory_space<vmem>>, vector<16xi32>,
    %get3A_114 = arith.constant 16 : index
    %get3A_115 = tpu.vector_load %arg6[%get3A_114] {strides = array<i32>} : memref<80xi32, #tpu.memory_space<vmem>>, vector<16xi32>,
    %get3A_116 = vector.shape_cast %get3A_115 : vector<16xi32> to vector<16xi32>
    %shift_right_logical3A_117 = arith.constant 15 : i32
    %shift_right_logical3A_118 = vector.broadcast %shift_right_logical3A_117 : i32 to vector<16xi32>
    %shift_right_logical3A_119 = arith.shrui %get3A_116, %shift_right_logical3A_118 : vector<16xi32>
    %swap3A_120 = arith.constant 16 : index
    %swap3A_121 = tpu.vector_load %arg9[%swap3A_120] {strides = array<i32>} : memref<80xi32, #tpu.memory_space<vmem>>, vector<16xi32>,
    %swap3A_122 = vector.shape_cast %swap3A_121 : vector<16xi32> to vector<16xi32>
    %swap3A_123 = vector.shape_cast %shift_right_logical3A_119 : vector<16xi32> to vector<16xi32>
    tpu.vector_store %arg9[%swap3A_120], %swap3A_123 {strides = array<i32>} : memref<80xi32, #tpu.memory_space<vmem>>, vector<16xi32>,
    %and3A_124 = arith.constant 32767 : i32
    %and3A_125 = vector.broadcast %and3A_124 : i32 to vector<16xi32>
    %and3A_126 = arith.andi %get3A_116, %and3A_125 : vector<16xi32>
    %swap3A_127 = arith.constant 16 : index
    %swap3A_128 = tpu.vector_load %arg12[%swap3A_127] {strides = array<i32>} : memref<80xi32, #tpu.memory_space<vmem>>, vector<16xi32>,
    %swap3A_129 = vector.shape_cast %swap3A_128 : vector<16xi32> to vector<16xi32>
    %swap3A_130 = vector.shape_cast %and3A_126 : vector<16xi32> to vector<16xi32>
    tpu.vector_store %arg12[%swap3A_127], %swap3A_130 {strides = array<i32>} : memref<80xi32, #tpu.memory_space<vmem>>, vector<16xi32>,
    %get3A_131 = arith.constant 32 : index
    %get3A_132 = tpu.vector_load %arg6[%get3A_131] {strides = array<i32>} : memref<80xi32, #tpu.memory_space<vmem>>, vector<16xi32>,
    %get3A_133 = vector.shape_cast %get3A_132 : vector<16xi32> to vector<16xi32>
    %shift_right_logical3A_134 = arith.constant 15 : i32
    %shift_right_logical3A_135 = vector.broadcast %shift_right_logical3A_134 : i32 to vector<16xi32>
    %shift_right_logical3A_136 = arith.shrui %get3A_133, %shift_right_logical3A_135 : vector<16xi32>
    %swap3A_137 = arith.constant 32 : index
    %swap3A_138 = tpu.vector_load %arg9[%swap3A_137] {strides = array<i32>} : memref<80xi32, #tpu.memory_space<vmem>>, vector<16xi32>,
    %swap3A_139 = vector.shape_cast %swap3A_138 : vector<16xi32> to vector<16xi32>
    %swap3A_140 = vector.shape_cast %shift_right_logical3A_136 : vector<16xi32> to vector<16xi32>
    tpu.vector_store %arg9[%swap3A_137], %swap3A_140 {strides = array<i32>} : memref<80xi32, #tpu.memory_space<vmem>>, vector<16xi32>,
    %and3A_141 = arith.constant 32767 : i32
    %and3A_142 = vector.broadcast %and3A_141 : i32 to vector<16xi32>
    %and3A_143 = arith.andi %get3A_133, %and3A_142 : vector<16xi32>
    %swap3A_144 = arith.constant 32 : index
    %swap3A_145 = tpu.vector_load %arg12[%swap3A_144] {strides = array<i32>} : memref<80xi32, #tpu.memory_space<vmem>>, vector<16xi32>,
    %swap3A_146 = vector.shape_cast %swap3A_145 : vector<16xi32> to vector<16xi32>
    %swap3A_147 = vector.shape_cast %and3A_143 : vector<16xi32> to vector<16xi32>
    tpu.vector_store %arg12[%swap3A_144], %swap3A_147 {strides = array<i32>} : memref<80xi32, #tpu.memory_space<vmem>>, vector<16xi32>,
    %get3A_148 = arith.constant 48 : index
    %get3A_149 = tpu.vector_load %arg6[%get3A_148] {strides = array<i32>} : memref<80xi32, #tpu.memory_space<vmem>>, vector<16xi32>,
    %get3A_150 = vector.shape_cast %get3A_149 : vector<16xi32> to vector<16xi32>
    %shift_right_logical3A_151 = arith.constant 15 : i32
    %shift_right_logical3A_152 = vector.broadcast %shift_right_logical3A_151 : i32 to vector<16xi32>
    %shift_right_logical3A_153 = arith.shrui %get3A_150, %shift_right_logical3A_152 : vector<16xi32>
    %swap3A_154 = arith.constant 48 : index
    %swap3A_155 = tpu.vector_load %arg9[%swap3A_154] {strides = array<i32>} : memref<80xi32, #tpu.memory_space<vmem>>, vector<16xi32>,
    %swap3A_156 = vector.shape_cast %swap3A_155 : vector<16xi32> to vector<16xi32>
    %swap3A_157 = vector.shape_cast %shift_right_logical3A_153 : vector<16xi32> to vector<16xi32>
    tpu.vector_store %arg9[%swap3A_154], %swap3A_157 {strides = array<i32>} : memref<80xi32, #tpu.memory_space<vmem>>, vector<16xi32>,
    %and3A_158 = arith.constant 32767 : i32
    %and3A_159 = vector.broadcast %and3A_158 : i32 to vector<16xi32>
    %and3A_160 = arith.andi %get3A_150, %and3A_159 : vector<16xi32>
    %swap3A_161 = arith.constant 48 : index
    %swap3A_162 = tpu.vector_load %arg12[%swap3A_161] {strides = array<i32>} : memref<80xi32, #tpu.memory_space<vmem>>, vector<16xi32>,
    %swap3A_163 = vector.shape_cast %swap3A_162 : vector<16xi32> to vector<16xi32>
    %swap3A_164 = vector.shape_cast %and3A_160 : vector<16xi32> to vector<16xi32>
    tpu.vector_store %arg12[%swap3A_161], %swap3A_164 {strides = array<i32>} : memref<80xi32, #tpu.memory_space<vmem>>, vector<16xi32>,
    %get3A_165 = arith.constant 64 : index
    %get3A_166 = tpu.vector_load %arg6[%get3A_165] {strides = array<i32>} : memref<80xi32, #tpu.memory_space<vmem>>, vector<16xi32>,
    %get3A_167 = vector.shape_cast %get3A_166 : vector<16xi32> to vector<16xi32>
    %shift_right_logical3A_168 = arith.constant 15 : i32
    %shift_right_logical3A_169 = vector.broadcast %shift_right_logical3A_168 : i32 to vector<16xi32>
    %shift_right_logical3A_170 = arith.shrui %get3A_167, %shift_right_logical3A_169 : vector<16xi32>
    %swap3A_171 = arith.constant 64 : index
    %swap3A_172 = tpu.vector_load %arg9[%swap3A_171] {strides = array<i32>} : memref<80xi32, #tpu.memory_space<vmem>>, vector<16xi32>,
    %swap3A_173 = vector.shape_cast %swap3A_172 : vector<16xi32> to vector<16xi32>
    %swap3A_174 = vector.shape_cast %shift_right_logical3A_170 : vector<16xi32> to vector<16xi32>
    tpu.vector_store %arg9[%swap3A_171], %swap3A_174 {strides = array<i32>} : memref<80xi32, #tpu.memory_space<vmem>>, vector<16xi32>,
    %and3A_175 = arith.constant 32767 : i32
    %and3A_176 = vector.broadcast %and3A_175 : i32 to vector<16xi32>
    %and3A_177 = arith.andi %get3A_167, %and3A_176 : vector<16xi32>
    %swap3A_178 = arith.constant 64 : index
    %swap3A_179 = tpu.vector_load %arg12[%swap3A_178] {strides = array<i32>} : memref<80xi32, #tpu.memory_space<vmem>>, vector<16xi32>,
    %swap3A_180 = vector.shape_cast %swap3A_179 : vector<16xi32> to vector<16xi32>
    %swap3A_181 = vector.shape_cast %and3A_177 : vector<16xi32> to vector<16xi32>
    tpu.vector_store %arg12[%swap3A_178], %swap3A_181 {strides = array<i32>} : memref<80xi32, #tpu.memory_space<vmem>>, vector<16xi32>,
    %dma_start3A_182 = arith.constant 0 : i32
    %dma_start3A_183 = arith.constant 0 : i32
    %dma_start3A_184 = tpu.memref_slice %arg15[%dma_start3A_182, %dma_start3A_183] : memref<80x144xf32, #tpu.memory_space<vmem>> -> memref<40x144xf32, #tpu.memory_space<vmem>>
    %dma_start3A_185 = arith.constant 0 : i32
    %dma_start3A_186 = tpu.memref_slice %arg9[%dma_start3A_185] : memref<80xi32, #tpu.memory_space<vmem>> -> memref<40xi32, #tpu.memory_space<vmem>>
    %dma_start3A_187 = arith.constant 0 : i32
    %dma_start3A_188 = arith.constant 0 : i32
    %dma_start3A_189 = tpu.memref_slice %arg2[%dma_start3A_187, %dma_start3A_188] : memref<20000x144xf32, #tpu.memory_space<hbm>> -> memref<20000x144xf32, #tpu.memory_space<hbm>>
    tpu.enqueue_indirect_dma source(%dma_start3A_189 : memref<20000x144xf32, #tpu.memory_space<hbm>>) target(%dma_start3A_184 : memref<40x144xf32, #tpu.memory_space<vmem>>) offsets(%dma_start3A_186 : memref<40xi32, #tpu.memory_space<vmem>>) semaphore(%arg21 : memref<!tpu.dma_semaphore, #tpu.memory_space<semaphore_mem>>)
    %dma_start3A_190 = arith.constant 40 : i32
    %dma_start3A_191 = arith.constant 0 : i32
    %dma_start3A_192 = tpu.memref_slice %arg15[%dma_start3A_190, %dma_start3A_191] : memref<80x144xf32, #tpu.memory_space<vmem>> -> memref<40x144xf32, #tpu.memory_space<vmem>>
    %dma_start3A_193 = arith.constant 40 : i32
    %dma_start3A_194 = tpu.memref_slice %arg9[%dma_start3A_193] : memref<80xi32, #tpu.memory_space<vmem>> -> memref<40xi32, #tpu.memory_space<vmem>>
    %dma_start3A_195 = arith.constant 0 : i32
    %dma_start3A_196 = arith.constant 0 : i32
    %dma_start3A_197 = tpu.memref_slice %arg2[%dma_start3A_195, %dma_start3A_196] : memref<20000x144xf32, #tpu.memory_space<hbm>> -> memref<20000x144xf32, #tpu.memory_space<hbm>>
    tpu.enqueue_indirect_dma source(%dma_start3A_197 : memref<20000x144xf32, #tpu.memory_space<hbm>>) target(%dma_start3A_192 : memref<40x144xf32, #tpu.memory_space<vmem>>) offsets(%dma_start3A_194 : memref<40xi32, #tpu.memory_space<vmem>>) semaphore(%arg21 : memref<!tpu.dma_semaphore, #tpu.memory_space<semaphore_mem>>)
    %dma_wait3A_198 = arith.constant 1 : i32
    %dma_wait3A_199 = arith.constant 0 : i32
    %dma_wait3A_200 = tpu.memref_slice %arg3[%add3A, %dma_wait3A_198, %dma_wait3A_199] : memref<32x125x80xi32, #tpu.memory_space<hbm>> -> memref<1x1x80xi32, #tpu.memory_space<hbm>>
    %dma_wait3A_201 = tpu.memref_squeeze %dma_wait3A_200 : memref<1x1x80xi32, #tpu.memory_space<hbm>> -> memref<80xi32, #tpu.memory_space<hbm>>
    %dma_wait3A_202 = arith.constant 0 : i32
    %dma_wait3A_203 = tpu.memref_slice %arg3[%add3A, %dma_wait3A_198, %dma_wait3A_202] : memref<32x125x80xi32, #tpu.memory_space<hbm>> -> memref<1x1x80xi32, #tpu.memory_space<hbm>>
    %dma_wait3A_204 = tpu.memref_squeeze %dma_wait3A_203 : memref<1x1x80xi32, #tpu.memory_space<hbm>> -> memref<80xi32, #tpu.memory_space<hbm>>
    tpu.wait_dma2 semaphore(%arg19 : memref<!tpu.dma_semaphore, #tpu.memory_space<semaphore_mem>>) src(%dma_wait3A_204 : memref<80xi32, #tpu.memory_space<hbm>>) dst(%arg7 : memref<80xi32, #tpu.memory_space<vmem>>)
    %get3A_205 = arith.constant 0 : index
    %get3A_206 = tpu.vector_load %arg7[%get3A_205] {strides = array<i32>} : memref<80xi32, #tpu.memory_space<vmem>>, vector<16xi32>,
    %get3A_207 = vector.shape_cast %get3A_206 : vector<16xi32> to vector<16xi32>
    %shift_right_logical3A_208 = arith.constant 15 : i32
    %shift_right_logical3A_209 = vector.broadcast %shift_right_logical3A_208 : i32 to vector<16xi32>
    %shift_right_logical3A_210 = arith.shrui %get3A_207, %shift_right_logical3A_209 : vector<16xi32>
    %swap3A_211 = arith.constant 0 : index
    %swap3A_212 = tpu.vector_load %arg10[%swap3A_211] {strides = array<i32>} : memref<80xi32, #tpu.memory_space<vmem>>, vector<16xi32>,
    %swap3A_213 = vector.shape_cast %swap3A_212 : vector<16xi32> to vector<16xi32>
    %swap3A_214 = vector.shape_cast %shift_right_logical3A_210 : vector<16xi32> to vector<16xi32>
    tpu.vector_store %arg10[%swap3A_211], %swap3A_214 {strides = array<i32>} : memref<80xi32, #tpu.memory_space<vmem>>, vector<16xi32>,
    %and3A_215 = arith.constant 32767 : i32
    %and3A_216 = vector.broadcast %and3A_215 : i32 to vector<16xi32>
    %and3A_217 = arith.andi %get3A_207, %and3A_216 : vector<16xi32>
    %swap3A_218 = arith.constant 0 : index
    %swap3A_219 = tpu.vector_load %arg13[%swap3A_218] {strides = array<i32>} : memref<80xi32, #tpu.memory_space<vmem>>, vector<16xi32>,
    %swap3A_220 = vector.shape_cast %swap3A_219 : vector<16xi32> to vector<16xi32>
    %swap3A_221 = vector.shape_cast %and3A_217 : vector<16xi32> to vector<16xi32>
    tpu.vector_store %arg13[%swap3A_218], %swap3A_221 {strides = array<i32>} : memref<80xi32, #tpu.memory_space<vmem>>, vector<16xi32>,
    %get3A_222 = arith.constant 16 : index
    %get3A_223 = tpu.vector_load %arg7[%get3A_222] {strides = array<i32>} : memref<80xi32, #tpu.memory_space<vmem>>, vector<16xi32>,
    %get3A_224 = vector.shape_cast %get3A_223 : vector<16xi32> to vector<16xi32>
    %shift_right_logical3A_225 = arith.constant 15 : i32
    %shift_right_logical3A_226 = vector.broadcast %shift_right_logical3A_225 : i32 to vector<16xi32>
    %shift_right_logical3A_227 = arith.shrui %get3A_224, %shift_right_logical3A_226 : vector<16xi32>
    %swap3A_228 = arith.constant 16 : index
    %swap3A_229 = tpu.vector_load %arg10[%swap3A_228] {strides = array<i32>} : memref<80xi32, #tpu.memory_space<vmem>>, vector<16xi32>,
    %swap3A_230 = vector.shape_cast %swap3A_229 : vector<16xi32> to vector<16xi32>
    %swap3A_231 = vector.shape_cast %shift_right_logical3A_227 : vector<16xi32> to vector<16xi32>
    tpu.vector_store %arg10[%swap3A_228], %swap3A_231 {strides = array<i32>} : memref<80xi32, #tpu.memory_space<vmem>>, vector<16xi32>,
    %and3A_232 = arith.constant 32767 : i32
    %and3A_233 = vector.broadcast %and3A_232 : i32 to vector<16xi32>
    %and3A_234 = arith.andi %get3A_224, %and3A_233 : vector<16xi32>
    %swap3A_235 = arith.constant 16 : index
    %swap3A_236 = tpu.vector_load %arg13[%swap3A_235] {strides = array<i32>} : memref<80xi32, #tpu.memory_space<vmem>>, vector<16xi32>,
    %swap3A_237 = vector.shape_cast %swap3A_236 : vector<16xi32> to vector<16xi32>
    %swap3A_238 = vector.shape_cast %and3A_234 : vector<16xi32> to vector<16xi32>
    tpu.vector_store %arg13[%swap3A_235], %swap3A_238 {strides = array<i32>} : memref<80xi32, #tpu.memory_space<vmem>>, vector<16xi32>,
    %get3A_239 = arith.constant 32 : index
    %get3A_240 = tpu.vector_load %arg7[%get3A_239] {strides = array<i32>} : memref<80xi32, #tpu.memory_space<vmem>>, vector<16xi32>,
    %get3A_241 = vector.shape_cast %get3A_240 : vector<16xi32> to vector<16xi32>
    %shift_right_logical3A_242 = arith.constant 15 : i32
    %shift_right_logical3A_243 = vector.broadcast %shift_right_logical3A_242 : i32 to vector<16xi32>
    %shift_right_logical3A_244 = arith.shrui %get3A_241, %shift_right_logical3A_243 : vector<16xi32>
    %swap3A_245 = arith.constant 32 : index
    %swap3A_246 = tpu.vector_load %arg10[%swap3A_245] {strides = array<i32>} : memref<80xi32, #tpu.memory_space<vmem>>, vector<16xi32>,
    %swap3A_247 = vector.shape_cast %swap3A_246 : vector<16xi32> to vector<16xi32>
    %swap3A_248 = vector.shape_cast %shift_right_logical3A_244 : vector<16xi32> to vector<16xi32>
    tpu.vector_store %arg10[%swap3A_245], %swap3A_248 {strides = array<i32>} : memref<80xi32, #tpu.memory_space<vmem>>, vector<16xi32>,
    %and3A_249 = arith.constant 32767 : i32
    %and3A_250 = vector.broadcast %and3A_249 : i32 to vector<16xi32>
    %and3A_251 = arith.andi %get3A_241, %and3A_250 : vector<16xi32>
    %swap3A_252 = arith.constant 32 : index
    %swap3A_253 = tpu.vector_load %arg13[%swap3A_252] {strides = array<i32>} : memref<80xi32, #tpu.memory_space<vmem>>, vector<16xi32>,
    %swap3A_254 = vector.shape_cast %swap3A_253 : vector<16xi32> to vector<16xi32>
    %swap3A_255 = vector.shape_cast %and3A_251 : vector<16xi32> to vector<16xi32>
    tpu.vector_store %arg13[%swap3A_252], %swap3A_255 {strides = array<i32>} : memref<80xi32, #tpu.memory_space<vmem>>, vector<16xi32>,
    %get3A_256 = arith.constant 48 : index
    %get3A_257 = tpu.vector_load %arg7[%get3A_256] {strides = array<i32>} : memref<80xi32, #tpu.memory_space<vmem>>, vector<16xi32>,
    %get3A_258 = vector.shape_cast %get3A_257 : vector<16xi32> to vector<16xi32>
    %shift_right_logical3A_259 = arith.constant 15 : i32
    %shift_right_logical3A_260 = vector.broadcast %shift_right_logical3A_259 : i32 to vector<16xi32>
    %shift_right_logical3A_261 = arith.shrui %get3A_258, %shift_right_logical3A_260 : vector<16xi32>
    %swap3A_262 = arith.constant 48 : index
    %swap3A_263 = tpu.vector_load %arg10[%swap3A_262] {strides = array<i32>} : memref<80xi32, #tpu.memory_space<vmem>>, vector<16xi32>,
    %swap3A_264 = vector.shape_cast %swap3A_263 : vector<16xi32> to vector<16xi32>
    %swap3A_265 = vector.shape_cast %shift_right_logical3A_261 : vector<16xi32> to vector<16xi32>
    tpu.vector_store %arg10[%swap3A_262], %swap3A_265 {strides = array<i32>} : memref<80xi32, #tpu.memory_space<vmem>>, vector<16xi32>,
    %and3A_266 = arith.constant 32767 : i32
    %and3A_267 = vector.broadcast %and3A_266 : i32 to vector<16xi32>
    %and3A_268 = arith.andi %get3A_258, %and3A_267 : vector<16xi32>
    %swap3A_269 = arith.constant 48 : index
    %swap3A_270 = tpu.vector_load %arg13[%swap3A_269] {strides = array<i32>} : memref<80xi32, #tpu.memory_space<vmem>>, vector<16xi32>,
    %swap3A_271 = vector.shape_cast %swap3A_270 : vector<16xi32> to vector<16xi32>
    %swap3A_272 = vector.shape_cast %and3A_268 : vector<16xi32> to vector<16xi32>
    tpu.vector_store %arg13[%swap3A_269], %swap3A_272 {strides = array<i32>} : memref<80xi32, #tpu.memory_space<vmem>>, vector<16xi32>,
    %get3A_273 = arith.constant 64 : index
    %get3A_274 = tpu.vector_load %arg7[%get3A_273] {strides = array<i32>} : memref<80xi32, #tpu.memory_space<vmem>>, vector<16xi32>,
    %get3A_275 = vector.shape_cast %get3A_274 : vector<16xi32> to vector<16xi32>
    %shift_right_logical3A_276 = arith.constant 15 : i32
    %shift_right_logical3A_277 = vector.broadcast %shift_right_logical3A_276 : i32 to vector<16xi32>
    %shift_right_logical3A_278 = arith.shrui %get3A_275, %shift_right_logical3A_277 : vector<16xi32>
    %swap3A_279 = arith.constant 64 : index
    %swap3A_280 = tpu.vector_load %arg10[%swap3A_279] {strides = array<i32>} : memref<80xi32, #tpu.memory_space<vmem>>, vector<16xi32>,
    %swap3A_281 = vector.shape_cast %swap3A_280 : vector<16xi32> to vector<16xi32>
    %swap3A_282 = vector.shape_cast %shift_right_logical3A_278 : vector<16xi32> to vector<16xi32>
    tpu.vector_store %arg10[%swap3A_279], %swap3A_282 {strides = array<i32>} : memref<80xi32, #tpu.memory_space<vmem>>, vector<16xi32>,
    %and3A_283 = arith.constant 32767 : i32
    %and3A_284 = vector.broadcast %and3A_283 : i32 to vector<16xi32>
    %and3A_285 = arith.andi %get3A_275, %and3A_284 : vector<16xi32>
    %swap3A_286 = arith.constant 64 : index
    %swap3A_287 = tpu.vector_load %arg13[%swap3A_286] {strides = array<i32>} : memref<80xi32, #tpu.memory_space<vmem>>, vector<16xi32>,
    %swap3A_288 = vector.shape_cast %swap3A_287 : vector<16xi32> to vector<16xi32>
    %swap3A_289 = vector.shape_cast %and3A_285 : vector<16xi32> to vector<16xi32>
    tpu.vector_store %arg13[%swap3A_286], %swap3A_289 {strides = array<i32>} : memref<80xi32, #tpu.memory_space<vmem>>, vector<16xi32>,
    %dma_start3A_290 = arith.constant 0 : i32
    %dma_start3A_291 = arith.constant 0 : i32
    %dma_start3A_292 = tpu.memref_slice %arg16[%dma_start3A_290, %dma_start3A_291] : memref<80x144xf32, #tpu.memory_space<vmem>> -> memref<40x144xf32, #tpu.memory_space<vmem>>
    %dma_start3A_293 = arith.constant 0 : i32
    %dma_start3A_294 = tpu.memref_slice %arg10[%dma_start3A_293] : memref<80xi32, #tpu.memory_space<vmem>> -> memref<40xi32, #tpu.memory_space<vmem>>
    %dma_start3A_295 = arith.constant 0 : i32
    %dma_start3A_296 = arith.constant 0 : i32
    %dma_start3A_297 = tpu.memref_slice %arg2[%dma_start3A_295, %dma_start3A_296] : memref<20000x144xf32, #tpu.memory_space<hbm>> -> memref<20000x144xf32, #tpu.memory_space<hbm>>
    tpu.enqueue_indirect_dma source(%dma_start3A_297 : memref<20000x144xf32, #tpu.memory_space<hbm>>) target(%dma_start3A_292 : memref<40x144xf32, #tpu.memory_space<vmem>>) offsets(%dma_start3A_294 : memref<40xi32, #tpu.memory_space<vmem>>) semaphore(%arg22 : memref<!tpu.dma_semaphore, #tpu.memory_space<semaphore_mem>>)
    %dma_start3A_298 = arith.constant 40 : i32
    %dma_start3A_299 = arith.constant 0 : i32
    %dma_start3A_300 = tpu.memref_slice %arg16[%dma_start3A_298, %dma_start3A_299] : memref<80x144xf32, #tpu.memory_space<vmem>> -> memref<40x144xf32, #tpu.memory_space<vmem>>
    %dma_start3A_301 = arith.constant 40 : i32
    %dma_start3A_302 = tpu.memref_slice %arg10[%dma_start3A_301] : memref<80xi32, #tpu.memory_space<vmem>> -> memref<40xi32, #tpu.memory_space<vmem>>
    %dma_start3A_303 = arith.constant 0 : i32
    %dma_start3A_304 = arith.constant 0 : i32
    %dma_start3A_305 = tpu.memref_slice %arg2[%dma_start3A_303, %dma_start3A_304] : memref<20000x144xf32, #tpu.memory_space<hbm>> -> memref<20000x144xf32, #tpu.memory_space<hbm>>
    tpu.enqueue_indirect_dma source(%dma_start3A_305 : memref<20000x144xf32, #tpu.memory_space<hbm>>) target(%dma_start3A_300 : memref<40x144xf32, #tpu.memory_space<vmem>>) offsets(%dma_start3A_302 : memref<40xi32, #tpu.memory_space<vmem>>) semaphore(%arg22 : memref<!tpu.dma_semaphore, #tpu.memory_space<semaphore_mem>>)
    %mul3A_306 = arith.constant 625 : i32
    %mul3A_307 = arith.muli %arg1, %mul3A_306 : i32
    %add3A_308 = arith.constant 0 : i32
    %add3A_309 = arith.addi %mul3A_307, %add3A_308 : i32
    %dma_wait3A_310 = arith.constant 0 : i32
    %dma_wait3A_311 = tpu.memref_slice %arg5[%add3A_309, %dma_wait3A_310] : memref<10000x144xf32, #tpu.memory_space<vmem_shared>> -> memref<80x144xf32, #tpu.memory_space<vmem_shared>>
    %dma_wait3A_312 = arith.constant 0 : i32
    %dma_wait3A_313 = tpu.memref_slice %arg5[%add3A_309, %dma_wait3A_312] : memref<10000x144xf32, #tpu.memory_space<vmem_shared>> -> memref<80x144xf32, #tpu.memory_space<vmem_shared>>
    tpu.wait_dma2 semaphore(%arg24 : memref<!tpu.dma_semaphore, #tpu.memory_space<semaphore_mem>>) src(%arg17 : memref<80x144xf32, #tpu.memory_space<vmem>>) dst(%dma_wait3A_313 : memref<80x144xf32, #tpu.memory_space<vmem_shared>>)
    %mul3A_314 = arith.constant 625 : i32
    %mul3A_315 = arith.muli %arg1, %mul3A_314 : i32
    %add3A_316 = arith.constant 80 : i32
    %add3A_317 = arith.addi %mul3A_315, %add3A_316 : i32
    %dma_wait3A_318 = arith.constant 0 : i32
    %dma_wait3A_319 = tpu.memref_slice %arg5[%add3A_317, %dma_wait3A_318] : memref<10000x144xf32, #tpu.memory_space<vmem_shared>> -> memref<80x144xf32, #tpu.memory_space<vmem_shared>>
    %dma_wait3A_320 = arith.constant 0 : i32
    %dma_wait3A_321 = tpu.memref_slice %arg5[%add3A_317, %dma_wait3A_320] : memref<10000x144xf32, #tpu.memory_space<vmem_shared>> -> memref<80x144xf32, #tpu.memory_space<vmem_shared>>
    tpu.wait_dma2 semaphore(%arg24 : memref<!tpu.dma_semaphore, #tpu.memory_space<semaphore_mem>>) src(%arg17 : memref<80x144xf32, #tpu.memory_space<vmem>>) dst(%dma_wait3A_321 : memref<80x144xf32, #tpu.memory_space<vmem_shared>>)
    %mul3A_322 = arith.constant 625 : i32
    %mul3A_323 = arith.muli %arg1, %mul3A_322 : i32
    %add3A_324 = arith.constant 160 : i32
    %add3A_325 = arith.addi %mul3A_323, %add3A_324 : i32
    %dma_wait3A_326 = arith.constant 0 : i32
    %dma_wait3A_327 = tpu.memref_slice %arg5[%add3A_325, %dma_wait3A_326] : memref<10000x144xf32, #tpu.memory_space<vmem_shared>> -> memref<80x144xf32, #tpu.memory_space<vmem_shared>>
    %dma_wait3A_328 = arith.constant 0 : i32
    %dma_wait3A_329 = tpu.memref_slice %arg5[%add3A_325, %dma_wait3A_328] : memref<10000x144xf32, #tpu.memory_space<vmem_shared>> -> memref<80x144xf32, #tpu.memory_space<vmem_shared>>
    tpu.wait_dma2 semaphore(%arg24 : memref<!tpu.dma_semaphore, #tpu.memory_space<semaphore_mem>>) src(%arg17 : memref<80x144xf32, #tpu.memory_space<vmem>>) dst(%dma_wait3A_329 : memref<80x144xf32, #tpu.memory_space<vmem_shared>>)
    %mul3A_330 = arith.constant 625 : i32
    %mul3A_331 = arith.muli %arg1, %mul3A_330 : i32
    %add3A_332 = arith.constant 240 : i32
    %add3A_333 = arith.addi %mul3A_331, %add3A_332 : i32
    %dma_wait3A_334 = arith.constant 0 : i32
    %dma_wait3A_335 = tpu.memref_slice %arg5[%add3A_333, %dma_wait3A_334] : memref<10000x144xf32, #tpu.memory_space<vmem_shared>> -> memref<80x144xf32, #tpu.memory_space<vmem_shared>>
    %dma_wait3A_336 = arith.constant 0 : i32
    %dma_wait3A_337 = tpu.memref_slice %arg5[%add3A_333, %dma_wait3A_336] : memref<10000x144xf32, #tpu.memory_space<vmem_shared>> -> memref<80x144xf32, #tpu.memory_space<vmem_shared>>
    tpu.wait_dma2 semaphore(%arg24 : memref<!tpu.dma_semaphore, #tpu.memory_space<semaphore_mem>>) src(%arg17 : memref<80x144xf32, #tpu.memory_space<vmem>>) dst(%dma_wait3A_337 : memref<80x144xf32, #tpu.memory_space<vmem_shared>>)
    %mul3A_338 = arith.constant 625 : i32
    %mul3A_339 = arith.muli %arg1, %mul3A_338 : i32
    %add3A_340 = arith.constant 320 : i32
    %add3A_341 = arith.addi %mul3A_339, %add3A_340 : i32
    %dma_wait3A_342 = arith.constant 0 : i32
    %dma_wait3A_343 = tpu.memref_slice %arg5[%add3A_341, %dma_wait3A_342] : memref<10000x144xf32, #tpu.memory_space<vmem_shared>> -> memref<80x144xf32, #tpu.memory_space<vmem_shared>>
    %dma_wait3A_344 = arith.constant 0 : i32
    %dma_wait3A_345 = tpu.memref_slice %arg5[%add3A_341, %dma_wait3A_344] : memref<10000x144xf32, #tpu.memory_space<vmem_shared>> -> memref<80x144xf32, #tpu.memory_space<vmem_shared>>
    tpu.wait_dma2 semaphore(%arg24 : memref<!tpu.dma_semaphore, #tpu.memory_space<semaphore_mem>>) src(%arg17 : memref<80x144xf32, #tpu.memory_space<vmem>>) dst(%dma_wait3A_345 : memref<80x144xf32, #tpu.memory_space<vmem_shared>>)
    %mul3A_346 = arith.constant 625 : i32
    %mul3A_347 = arith.muli %arg1, %mul3A_346 : i32
    %add3A_348 = arith.constant 400 : i32
    %add3A_349 = arith.addi %mul3A_347, %add3A_348 : i32
    %dma_wait3A_350 = arith.constant 0 : i32
    %dma_wait3A_351 = tpu.memref_slice %arg5[%add3A_349, %dma_wait3A_350] : memref<10000x144xf32, #tpu.memory_space<vmem_shared>> -> memref<80x144xf32, #tpu.memory_space<vmem_shared>>
    %dma_wait3A_352 = arith.constant 0 : i32
    %dma_wait3A_353 = tpu.memref_slice %arg5[%add3A_349, %dma_wait3A_352] : memref<10000x144xf32, #tpu.memory_space<vmem_shared>> -> memref<80x144xf32, #tpu.memory_space<vmem_shared>>
    tpu.wait_dma2 semaphore(%arg24 : memref<!tpu.dma_semaphore, #tpu.memory_space<semaphore_mem>>) src(%arg17 : memref<80x144xf32, #tpu.memory_space<vmem>>) dst(%dma_wait3A_353 : memref<80x144xf32, #tpu.memory_space<vmem_shared>>)
    %mul3A_354 = arith.constant 625 : i32
    %mul3A_355 = arith.muli %arg1, %mul3A_354 : i32
    %add3A_356 = arith.constant 480 : i32
    %add3A_357 = arith.addi %mul3A_355, %add3A_356 : i32
    %dma_wait3A_358 = arith.constant 0 : i32
    %dma_wait3A_359 = tpu.memref_slice %arg5[%add3A_357, %dma_wait3A_358] : memref<10000x144xf32, #tpu.memory_space<vmem_shared>> -> memref<80x144xf32, #tpu.memory_space<vmem_shared>>
    %dma_wait3A_360 = arith.constant 0 : i32
    %dma_wait3A_361 = tpu.memref_slice %arg5[%add3A_357, %dma_wait3A_360] : memref<10000x144xf32, #tpu.memory_space<vmem_shared>> -> memref<80x144xf32, #tpu.memory_space<vmem_shared>>
    tpu.wait_dma2 semaphore(%arg24 : memref<!tpu.dma_semaphore, #tpu.memory_space<semaphore_mem>>) src(%arg17 : memref<80x144xf32, #tpu.memory_space<vmem>>) dst(%dma_wait3A_361 : memref<80x144xf32, #tpu.memory_space<vmem_shared>>)
    %mul3A_362 = arith.constant 625 : i32
    %mul3A_363 = arith.muli %arg1, %mul3A_362 : i32
    %add3A_364 = arith.constant 560 : i32
    %add3A_365 = arith.addi %mul3A_363, %add3A_364 : i32
    %dma_wait3A_366 = arith.constant 0 : i32
    %dma_wait3A_367 = arith.constant 0 : i32
    %dma_wait3A_368 = tpu.memref_slice %arg17[%dma_wait3A_366, %dma_wait3A_367] : memref<80x144xf32, #tpu.memory_space<vmem>> -> memref<65x144xf32, #tpu.memory_space<vmem>>
    %dma_wait3A_369 = arith.constant 0 : i32
    %dma_wait3A_370 = tpu.memref_slice %arg5[%add3A_365, %dma_wait3A_369] : memref<10000x144xf32, #tpu.memory_space<vmem_shared>> -> memref<65x144xf32, #tpu.memory_space<vmem_shared>>
    %dma_wait3A_371 = arith.constant 0 : i32
    %dma_wait3A_372 = tpu.memref_slice %arg5[%add3A_365, %dma_wait3A_371] : memref<10000x144xf32, #tpu.memory_space<vmem_shared>> -> memref<65x144xf32, #tpu.memory_space<vmem_shared>>
    %dma_wait3A_373 = arith.constant 0 : i32
    %dma_wait3A_374 = arith.constant 0 : i32
    %dma_wait3A_375 = tpu.memref_slice %arg17[%dma_wait3A_373, %dma_wait3A_374] : memref<80x144xf32, #tpu.memory_space<vmem>> -> memref<65x144xf32, #tpu.memory_space<vmem>>
    tpu.wait_dma2 semaphore(%arg24 : memref<!tpu.dma_semaphore, #tpu.memory_space<semaphore_mem>>) src(%dma_wait3A_375 : memref<65x144xf32, #tpu.memory_space<vmem>>) dst(%dma_wait3A_372 : memref<65x144xf32, #tpu.memory_space<vmem_shared>>)
    %dma_wait3A_376 = arith.constant 2 : i32
    %dma_wait3A_377 = arith.constant 0 : i32
    %dma_wait3A_378 = tpu.memref_slice %arg3[%add3A, %dma_wait3A_376, %dma_wait3A_377] : memref<32x125x80xi32, #tpu.memory_space<hbm>> -> memref<1x1x80xi32, #tpu.memory_space<hbm>>
    %dma_wait3A_379 = tpu.memref_squeeze %dma_wait3A_378 : memref<1x1x80xi32, #tpu.memory_space<hbm>> -> memref<80xi32, #tpu.memory_space<hbm>>
    %dma_wait3A_380 = arith.constant 0 : i32
    %dma_wait3A_381 = tpu.memref_slice %arg3[%add3A, %dma_wait3A_376, %dma_wait3A_380] : memref<32x125x80xi32, #tpu.memory_space<hbm>> -> memref<1x1x80xi32, #tpu.memory_space<hbm>>
    %dma_wait3A_382 = tpu.memref_squeeze %dma_wait3A_381 : memref<1x1x80xi32, #tpu.memory_space<hbm>> -> memref<80xi32, #tpu.memory_space<hbm>>
    tpu.wait_dma2 semaphore(%arg20 : memref<!tpu.dma_semaphore, #tpu.memory_space<semaphore_mem>>) src(%dma_wait3A_382 : memref<80xi32, #tpu.memory_space<hbm>>) dst(%arg8 : memref<80xi32, #tpu.memory_space<vmem>>)
    %get3A_383 = arith.constant 0 : index
    %get3A_384 = tpu.vector_load %arg8[%get3A_383] {strides = array<i32>} : memref<80xi32, #tpu.memory_space<vmem>>, vector<16xi32>,
    %get3A_385 = vector.shape_cast %get3A_384 : vector<16xi32> to vector<16xi32>
    %shift_right_logical3A_386 = arith.constant 15 : i32
    %shift_right_logical3A_387 = vector.broadcast %shift_right_logical3A_386 : i32 to vector<16xi32>
    %shift_right_logical3A_388 = arith.shrui %get3A_385, %shift_right_logical3A_387 : vector<16xi32>
    %swap3A_389 = arith.constant 0 : index
    %swap3A_390 = tpu.vector_load %arg11[%swap3A_389] {strides = array<i32>} : memref<80xi32, #tpu.memory_space<vmem>>, vector<16xi32>,
    %swap3A_391 = vector.shape_cast %swap3A_390 : vector<16xi32> to vector<16xi32>
    %swap3A_392 = vector.shape_cast %shift_right_logical3A_388 : vector<16xi32> to vector<16xi32>
    tpu.vector_store %arg11[%swap3A_389], %swap3A_392 {strides = array<i32>} : memref<80xi32, #tpu.memory_space<vmem>>, vector<16xi32>,
    %and3A_393 = arith.constant 32767 : i32
    %and3A_394 = vector.broadcast %and3A_393 : i32 to vector<16xi32>
    %and3A_395 = arith.andi %get3A_385, %and3A_394 : vector<16xi32>
    %swap3A_396 = arith.constant 0 : index
    %swap3A_397 = tpu.vector_load %arg14[%swap3A_396] {strides = array<i32>} : memref<80xi32, #tpu.memory_space<vmem>>, vector<16xi32>,
    %swap3A_398 = vector.shape_cast %swap3A_397 : vector<16xi32> to vector<16xi32>
    %swap3A_399 = vector.shape_cast %and3A_395 : vector<16xi32> to vector<16xi32>
    tpu.vector_store %arg14[%swap3A_396], %swap3A_399 {strides = array<i32>} : memref<80xi32, #tpu.memory_space<vmem>>, vector<16xi32>,
    %get3A_400 = arith.constant 16 : index
    %get3A_401 = tpu.vector_load %arg8[%get3A_400] {strides = array<i32>} : memref<80xi32, #tpu.memory_space<vmem>>, vector<16xi32>,
    %get3A_402 = vector.shape_cast %get3A_401 : vector<16xi32> to vector<16xi32>
    %shift_right_logical3A_403 = arith.constant 15 : i32
    %shift_right_logical3A_404 = vector.broadcast %shift_right_logical3A_403 : i32 to vector<16xi32>
    %shift_right_logical3A_405 = arith.shrui %get3A_402, %shift_right_logical3A_404 : vector<16xi32>
    %swap3A_406 = arith.constant 16 : index
    %swap3A_407 = tpu.vector_load %arg11[%swap3A_406] {strides = array<i32>} : memref<80xi32, #tpu.memory_space<vmem>>, vector<16xi32>,
    %swap3A_408 = vector.shape_cast %swap3A_407 : vector<16xi32> to vector<16xi32>
    %swap3A_409 = vector.shape_cast %shift_right_logical3A_405 : vector<16xi32> to vector<16xi32>
    tpu.vector_store %arg11[%swap3A_406], %swap3A_409 {strides = array<i32>} : memref<80xi32, #tpu.memory_space<vmem>>, vector<16xi32>,
    %and3A_410 = arith.constant 32767 : i32
    %and3A_411 = vector.broadcast %and3A_410 : i32 to vector<16xi32>
    %and3A_412 = arith.andi %get3A_402, %and3A_411 : vector<16xi32>
    %swap3A_413 = arith.constant 16 : index
    %swap3A_414 = tpu.vector_load %arg14[%swap3A_413] {strides = array<i32>} : memref<80xi32, #tpu.memory_space<vmem>>, vector<16xi32>,
    %swap3A_415 = vector.shape_cast %swap3A_414 : vector<16xi32> to vector<16xi32>
    %swap3A_416 = vector.shape_cast %and3A_412 : vector<16xi32> to vector<16xi32>
    tpu.vector_store %arg14[%swap3A_413], %swap3A_416 {strides = array<i32>} : memref<80xi32, #tpu.memory_space<vmem>>, vector<16xi32>,
    %get3A_417 = arith.constant 32 : index
    %get3A_418 = tpu.vector_load %arg8[%get3A_417] {strides = array<i32>} : memref<80xi32, #tpu.memory_space<vmem>>, vector<16xi32>,
    %get3A_419 = vector.shape_cast %get3A_418 : vector<16xi32> to vector<16xi32>
    %shift_right_logical3A_420 = arith.constant 15 : i32
    %shift_right_logical3A_421 = vector.broadcast %shift_right_logical3A_420 : i32 to vector<16xi32>
    %shift_right_logical3A_422 = arith.shrui %get3A_419, %shift_right_logical3A_421 : vector<16xi32>
    %swap3A_423 = arith.constant 32 : index
    %swap3A_424 = tpu.vector_load %arg11[%swap3A_423] {strides = array<i32>} : memref<80xi32, #tpu.memory_space<vmem>>, vector<16xi32>,
    %swap3A_425 = vector.shape_cast %swap3A_424 : vector<16xi32> to vector<16xi32>
    %swap3A_426 = vector.shape_cast %shift_right_logical3A_422 : vector<16xi32> to vector<16xi32>
    tpu.vector_store %arg11[%swap3A_423], %swap3A_426 {strides = array<i32>} : memref<80xi32, #tpu.memory_space<vmem>>, vector<16xi32>,
    %and3A_427 = arith.constant 32767 : i32
    %and3A_428 = vector.broadcast %and3A_427 : i32 to vector<16xi32>
    %and3A_429 = arith.andi %get3A_419, %and3A_428 : vector<16xi32>
    %swap3A_430 = arith.constant 32 : index
    %swap3A_431 = tpu.vector_load %arg14[%swap3A_430] {strides = array<i32>} : memref<80xi32, #tpu.memory_space<vmem>>, vector<16xi32>,
    %swap3A_432 = vector.shape_cast %swap3A_431 : vector<16xi32> to vector<16xi32>
    %swap3A_433 = vector.shape_cast %and3A_429 : vector<16xi32> to vector<16xi32>
    tpu.vector_store %arg14[%swap3A_430], %swap3A_433 {strides = array<i32>} : memref<80xi32, #tpu.memory_space<vmem>>, vector<16xi32>,
    %get3A_434 = arith.constant 48 : index
    %get3A_435 = tpu.vector_load %arg8[%get3A_434] {strides = array<i32>} : memref<80xi32, #tpu.memory_space<vmem>>, vector<16xi32>,
    %get3A_436 = vector.shape_cast %get3A_435 : vector<16xi32> to vector<16xi32>
    %shift_right_logical3A_437 = arith.constant 15 : i32
    %shift_right_logical3A_438 = vector.broadcast %shift_right_logical3A_437 : i32 to vector<16xi32>
    %shift_right_logical3A_439 = arith.shrui %get3A_436, %shift_right_logical3A_438 : vector<16xi32>
    %swap3A_440 = arith.constant 48 : index
    %swap3A_441 = tpu.vector_load %arg11[%swap3A_440] {strides = array<i32>} : memref<80xi32, #tpu.memory_space<vmem>>, vector<16xi32>,
    %swap3A_442 = vector.shape_cast %swap3A_441 : vector<16xi32> to vector<16xi32>
    %swap3A_443 = vector.shape_cast %shift_right_logical3A_439 : vector<16xi32> to vector<16xi32>
    tpu.vector_store %arg11[%swap3A_440], %swap3A_443 {strides = array<i32>} : memref<80xi32, #tpu.memory_space<vmem>>, vector<16xi32>,
    %and3A_444 = arith.constant 32767 : i32
    %and3A_445 = vector.broadcast %and3A_444 : i32 to vector<16xi32>
    %and3A_446 = arith.andi %get3A_436, %and3A_445 : vector<16xi32>
    %swap3A_447 = arith.constant 48 : index
    %swap3A_448 = tpu.vector_load %arg14[%swap3A_447] {strides = array<i32>} : memref<80xi32, #tpu.memory_space<vmem>>, vector<16xi32>,
    %swap3A_449 = vector.shape_cast %swap3A_448 : vector<16xi32> to vector<16xi32>
    %swap3A_450 = vector.shape_cast %and3A_446 : vector<16xi32> to vector<16xi32>
    tpu.vector_store %arg14[%swap3A_447], %swap3A_450 {strides = array<i32>} : memref<80xi32, #tpu.memory_space<vmem>>, vector<16xi32>,
    %get3A_451 = arith.constant 64 : index
    %get3A_452 = tpu.vector_load %arg8[%get3A_451] {strides = array<i32>} : memref<80xi32, #tpu.memory_space<vmem>>, vector<16xi32>,
    %get3A_453 = vector.shape_cast %get3A_452 : vector<16xi32> to vector<16xi32>
    %shift_right_logical3A_454 = arith.constant 15 : i32
    %shift_right_logical3A_455 = vector.broadcast %shift_right_logical3A_454 : i32 to vector<16xi32>
    %shift_right_logical3A_456 = arith.shrui %get3A_453, %shift_right_logical3A_455 : vector<16xi32>
    %swap3A_457 = arith.constant 64 : index
    %swap3A_458 = tpu.vector_load %arg11[%swap3A_457] {strides = array<i32>} : memref<80xi32, #tpu.memory_space<vmem>>, vector<16xi32>,
    %swap3A_459 = vector.shape_cast %swap3A_458 : vector<16xi32> to vector<16xi32>
    %swap3A_460 = vector.shape_cast %shift_right_logical3A_456 : vector<16xi32> to vector<16xi32>
    tpu.vector_store %arg11[%swap3A_457], %swap3A_460 {strides = array<i32>} : memref<80xi32, #tpu.memory_space<vmem>>, vector<16xi32>,
    %and3A_461 = arith.constant 32767 : i32
    %and3A_462 = vector.broadcast %and3A_461 : i32 to vector<16xi32>
    %and3A_463 = arith.andi %get3A_453, %and3A_462 : vector<16xi32>
    %swap3A_464 = arith.constant 64 : index
    %swap3A_465 = tpu.vector_load %arg14[%swap3A_464] {strides = array<i32>} : memref<80xi32, #tpu.memory_space<vmem>>, vector<16xi32>,
    %swap3A_466 = vector.shape_cast %swap3A_465 : vector<16xi32> to vector<16xi32>
    %swap3A_467 = vector.shape_cast %and3A_463 : vector<16xi32> to vector<16xi32>
    tpu.vector_store %arg14[%swap3A_464], %swap3A_467 {strides = array<i32>} : memref<80xi32, #tpu.memory_space<vmem>>, vector<16xi32>,
    %dma_start3A_468 = arith.constant 0 : i32
    %dma_start3A_469 = arith.constant 0 : i32
    %dma_start3A_470 = tpu.memref_slice %arg17[%dma_start3A_468, %dma_start3A_469] : memref<80x144xf32, #tpu.memory_space<vmem>> -> memref<40x144xf32, #tpu.memory_space<vmem>>
    %dma_start3A_471 = arith.constant 0 : i32
    %dma_start3A_472 = tpu.memref_slice %arg11[%dma_start3A_471] : memref<80xi32, #tpu.memory_space<vmem>> -> memref<40xi32, #tpu.memory_space<vmem>>
    %dma_start3A_473 = arith.constant 0 : i32
    %dma_start3A_474 = arith.constant 0 : i32
    %dma_start3A_475 = tpu.memref_slice %arg2[%dma_start3A_473, %dma_start3A_474] : memref<20000x144xf32, #tpu.memory_space<hbm>> -> memref<20000x144xf32, #tpu.memory_space<hbm>>
    tpu.enqueue_indirect_dma source(%dma_start3A_475 : memref<20000x144xf32, #tpu.memory_space<hbm>>) target(%dma_start3A_470 : memref<40x144xf32, #tpu.memory_space<vmem>>) offsets(%dma_start3A_472 : memref<40xi32, #tpu.memory_space<vmem>>) semaphore(%arg23 : memref<!tpu.dma_semaphore, #tpu.memory_space<semaphore_mem>>)
    %dma_start3A_476 = arith.constant 40 : i32
    %dma_start3A_477 = arith.constant 0 : i32
    %dma_start3A_478 = tpu.memref_slice %arg17[%dma_start3A_476, %dma_start3A_477] : memref<80x144xf32, #tpu.memory_space<vmem>> -> memref<40x144xf32, #tpu.memory_space<vmem>>
    %dma_start3A_479 = arith.constant 40 : i32
    %dma_start3A_480 = tpu.memref_slice %arg11[%dma_start3A_479] : memref<80xi32, #tpu.memory_space<vmem>> -> memref<40xi32, #tpu.memory_space<vmem>>
    %dma_start3A_481 = arith.constant 0 : i32
    %dma_start3A_482 = arith.constant 0 : i32
    %dma_start3A_483 = tpu.memref_slice %arg2[%dma_start3A_481, %dma_start3A_482] : memref<20000x144xf32, #tpu.memory_space<hbm>> -> memref<20000x144xf32, #tpu.memory_space<hbm>>
    tpu.enqueue_indirect_dma source(%dma_start3A_483 : memref<20000x144xf32, #tpu.memory_space<hbm>>) target(%dma_start3A_478 : memref<40x144xf32, #tpu.memory_space<vmem>>) offsets(%dma_start3A_480 : memref<40xi32, #tpu.memory_space<vmem>>) semaphore(%arg23 : memref<!tpu.dma_semaphore, #tpu.memory_space<semaphore_mem>>)
    %barrier3A = arith.constant 0 : index
    tpu.barrier barrier_id(%barrier3A)
    %scan3A_484 = arith.constant 0 : i32
    %scan3A_485 = arith.constant 41 : i32
    %scan3A_486 = arith.addi %scan3A_484, %scan3A_485 : i32
    %scan3A_487 = arith.constant 1 : i32
    scf.for %scan3A_1206 = %scan3A_484 to %scan3A_486 step %scan3A_487  : i32 {
      %mul3A_1207 = arith.constant 1 : i32
      %mul3A_1208 = arith.muli %scan3A_1206, %mul3A_1207 : i32
      %add3A_1209 = arith.constant 0 : i32
      %add3A_1210 = arith.addi %add3A_1209, %mul3A_1208 : i32
      %mul3A_1211 = arith.constant 3 : i32
      %mul3A_1212 = arith.muli %add3A_1210, %mul3A_1211 : i32
      %dma_wait3A_1213 = arith.constant 0 : i32
      %dma_wait3A_1214 = arith.constant 0 : i32
      %dma_wait3A_1215 = tpu.memref_slice %arg15[%dma_wait3A_1213, %dma_wait3A_1214] : memref<80x144xf32, #tpu.memory_space<vmem>> -> memref<40x144xf32, #tpu.memory_space<vmem>>
      %dma_wait3A_1216 = arith.constant 0 : i32
      %dma_wait3A_1217 = tpu.memref_slice %arg9[%dma_wait3A_1216] : memref<80xi32, #tpu.memory_space<vmem>> -> memref<40xi32, #tpu.memory_space<vmem>>
      %dma_wait3A_1218 = arith.constant 0 : i32
      %dma_wait3A_1219 = arith.constant 0 : i32
      %dma_wait3A_1220 = tpu.memref_slice %arg2[%dma_wait3A_1218, %dma_wait3A_1219] : memref<20000x144xf32, #tpu.memory_space<hbm>> -> memref<20000x144xf32, #tpu.memory_space<hbm>>
      tpu.wait_indirect_dma semaphore(%arg21 : memref<!tpu.dma_semaphore, #tpu.memory_space<semaphore_mem>>) src(%dma_wait3A_1220 : memref<20000x144xf32, #tpu.memory_space<hbm>>) dst(%dma_wait3A_1215 : memref<40x144xf32, #tpu.memory_space<vmem>>)
      %dma_wait3A_1221 = arith.constant 40 : i32
      %dma_wait3A_1222 = arith.constant 0 : i32
      %dma_wait3A_1223 = tpu.memref_slice %arg15[%dma_wait3A_1221, %dma_wait3A_1222] : memref<80x144xf32, #tpu.memory_space<vmem>> -> memref<40x144xf32, #tpu.memory_space<vmem>>
      %dma_wait3A_1224 = arith.constant 40 : i32
      %dma_wait3A_1225 = tpu.memref_slice %arg9[%dma_wait3A_1224] : memref<80xi32, #tpu.memory_space<vmem>> -> memref<40xi32, #tpu.memory_space<vmem>>
      %dma_wait3A_1226 = arith.constant 0 : i32
      %dma_wait3A_1227 = arith.constant 0 : i32
      %dma_wait3A_1228 = tpu.memref_slice %arg2[%dma_wait3A_1226, %dma_wait3A_1227] : memref<20000x144xf32, #tpu.memory_space<hbm>> -> memref<20000x144xf32, #tpu.memory_space<hbm>>
      tpu.wait_indirect_dma semaphore(%arg21 : memref<!tpu.dma_semaphore, #tpu.memory_space<semaphore_mem>>) src(%dma_wait3A_1228 : memref<20000x144xf32, #tpu.memory_space<hbm>>) dst(%dma_wait3A_1223 : memref<40x144xf32, #tpu.memory_space<vmem>>)
      %dma_start3A_1229 = arith.constant 0 : i32
      %dma_start3A_1230 = arith.constant 0 : i32
      %dma_start3A_1231 = tpu.memref_slice %arg5[%dma_start3A_1229, %dma_start3A_1230] : memref<10000x144xf32, #tpu.memory_space<vmem_shared>> -> memref<10000x144xf32, #tpu.memory_space<vmem_shared>>
      tpu.enqueue_indirect_dma source(%arg15 : memref<80x144xf32, #tpu.memory_space<vmem>>) target(%dma_start3A_1231 : memref<10000x144xf32, #tpu.memory_space<vmem_shared>>) offsets(%arg12 : memref<80xi32, #tpu.memory_space<vmem>>) semaphore(%arg24 : memref<!tpu.dma_semaphore, #tpu.memory_space<semaphore_mem>>) {add = true}
      %add3A_1232 = arith.constant 0 : i32
      %add3A_1233 = arith.addi %mul3A_1212, %add3A_1232 : i32
      %add3A_1234 = arith.constant 3 : i32
      %add3A_1235 = arith.addi %add3A_1233, %add3A_1234 : i32
      %lt3A = arith.constant 125 : i32
      %lt3A_1236 = arith.cmpi slt, %add3A_1235, %lt3A : i32
      %convert_element_type3A = arith.extui %lt3A_1236 : i1 to i32
      %cond3A = arith.constant 0 : i32
      %cond3A_1237 = arith.cmpi ne, %convert_element_type3A, %cond3A : i32
      scf.if %cond3A_1237 {
        %dma_start3A_1330 = arith.constant 0 : i32
        %dma_start3A_1331 = tpu.memref_slice %arg3[%add3A, %add3A_1235, %dma_start3A_1330] : memref<32x125x80xi32, #tpu.memory_space<hbm>> -> memref<1x1x80xi32, #tpu.memory_space<hbm>>
        %dma_start3A_1332 = tpu.memref_squeeze %dma_start3A_1331 : memref<1x1x80xi32, #tpu.memory_space<hbm>> -> memref<80xi32, #tpu.memory_space<hbm>>
        %dma_start3A_1333 = arith.constant 0 : i32
        %dma_start3A_1334 = tpu.memref_slice %arg3[%add3A, %add3A_1235, %dma_start3A_1333] : memref<32x125x80xi32, #tpu.memory_space<hbm>> -> memref<1x1x80xi32, #tpu.memory_space<hbm>>
        %dma_start3A_1335 = tpu.memref_squeeze %dma_start3A_1334 : memref<1x1x80xi32, #tpu.memory_space<hbm>> -> memref<80xi32, #tpu.memory_space<hbm>>
        tpu.enqueue_dma source(%dma_start3A_1335 : memref<80xi32, #tpu.memory_space<hbm>>) target(%arg6 : memref<80xi32, #tpu.memory_space<vmem>>) target_semaphore(%arg18 : memref<!tpu.dma_semaphore, #tpu.memory_space<semaphore_mem>>)
      } else {
      }
      %dma_wait3A_1238 = arith.constant 0 : i32
      %dma_wait3A_1239 = arith.constant 0 : i32
      %dma_wait3A_1240 = tpu.memref_slice %arg16[%dma_wait3A_1238, %dma_wait3A_1239] : memref<80x144xf32, #tpu.memory_space<vmem>> -> memref<40x144xf32, #tpu.memory_space<vmem>>
      %dma_wait3A_1241 = arith.constant 0 : i32
      %dma_wait3A_1242 = tpu.memref_slice %arg10[%dma_wait3A_1241] : memref<80xi32, #tpu.memory_space<vmem>> -> memref<40xi32, #tpu.memory_space<vmem>>
      %dma_wait3A_1243 = arith.constant 0 : i32
      %dma_wait3A_1244 = arith.constant 0 : i32
      %dma_wait3A_1245 = tpu.memref_slice %arg2[%dma_wait3A_1243, %dma_wait3A_1244] : memref<20000x144xf32, #tpu.memory_space<hbm>> -> memref<20000x144xf32, #tpu.memory_space<hbm>>
      tpu.wait_indirect_dma semaphore(%arg22 : memref<!tpu.dma_semaphore, #tpu.memory_space<semaphore_mem>>) src(%dma_wait3A_1245 : memref<20000x144xf32, #tpu.memory_space<hbm>>) dst(%dma_wait3A_1240 : memref<40x144xf32, #tpu.memory_space<vmem>>)
      %dma_wait3A_1246 = arith.constant 40 : i32
      %dma_wait3A_1247 = arith.constant 0 : i32
      %dma_wait3A_1248 = tpu.memref_slice %arg16[%dma_wait3A_1246, %dma_wait3A_1247] : memref<80x144xf32, #tpu.memory_space<vmem>> -> memref<40x144xf32, #tpu.memory_space<vmem>>
      %dma_wait3A_1249 = arith.constant 40 : i32
      %dma_wait3A_1250 = tpu.memref_slice %arg10[%dma_wait3A_1249] : memref<80xi32, #tpu.memory_space<vmem>> -> memref<40xi32, #tpu.memory_space<vmem>>
      %dma_wait3A_1251 = arith.constant 0 : i32
      %dma_wait3A_1252 = arith.constant 0 : i32
      %dma_wait3A_1253 = tpu.memref_slice %arg2[%dma_wait3A_1251, %dma_wait3A_1252] : memref<20000x144xf32, #tpu.memory_space<hbm>> -> memref<20000x144xf32, #tpu.memory_space<hbm>>
      tpu.wait_indirect_dma semaphore(%arg22 : memref<!tpu.dma_semaphore, #tpu.memory_space<semaphore_mem>>) src(%dma_wait3A_1253 : memref<20000x144xf32, #tpu.memory_space<hbm>>) dst(%dma_wait3A_1248 : memref<40x144xf32, #tpu.memory_space<vmem>>)
      %dma_start3A_1254 = arith.constant 0 : i32
      %dma_start3A_1255 = arith.constant 0 : i32
      %dma_start3A_1256 = tpu.memref_slice %arg5[%dma_start3A_1254, %dma_start3A_1255] : memref<10000x144xf32, #tpu.memory_space<vmem_shared>> -> memref<10000x144xf32, #tpu.memory_space<vmem_shared>>
      tpu.enqueue_indirect_dma source(%arg16 : memref<80x144xf32, #tpu.memory_space<vmem>>) target(%dma_start3A_1256 : memref<10000x144xf32, #tpu.memory_space<vmem_shared>>) offsets(%arg13 : memref<80xi32, #tpu.memory_space<vmem>>) semaphore(%arg25 : memref<!tpu.dma_semaphore, #tpu.memory_space<semaphore_mem>>) {add = true}
      %add3A_1257 = arith.constant 1 : i32
      %add3A_1258 = arith.addi %mul3A_1212, %add3A_1257 : i32
      %add3A_1259 = arith.constant 3 : i32
      %add3A_1260 = arith.addi %add3A_1258, %add3A_1259 : i32
      %lt3A_1261 = arith.constant 125 : i32
      %lt3A_1262 = arith.cmpi slt, %add3A_1260, %lt3A_1261 : i32
      %convert_element_type3A_1263 = arith.extui %lt3A_1262 : i1 to i32
      %cond3A_1264 = arith.constant 0 : i32
      %cond3A_1265 = arith.cmpi ne, %convert_element_type3A_1263, %cond3A_1264 : i32
      scf.if %cond3A_1265 {
        %dma_start3A_1330 = arith.constant 0 : i32
        %dma_start3A_1331 = tpu.memref_slice %arg3[%add3A, %add3A_1260, %dma_start3A_1330] : memref<32x125x80xi32, #tpu.memory_space<hbm>> -> memref<1x1x80xi32, #tpu.memory_space<hbm>>
        %dma_start3A_1332 = tpu.memref_squeeze %dma_start3A_1331 : memref<1x1x80xi32, #tpu.memory_space<hbm>> -> memref<80xi32, #tpu.memory_space<hbm>>
        %dma_start3A_1333 = arith.constant 0 : i32
        %dma_start3A_1334 = tpu.memref_slice %arg3[%add3A, %add3A_1260, %dma_start3A_1333] : memref<32x125x80xi32, #tpu.memory_space<hbm>> -> memref<1x1x80xi32, #tpu.memory_space<hbm>>
        %dma_start3A_1335 = tpu.memref_squeeze %dma_start3A_1334 : memref<1x1x80xi32, #tpu.memory_space<hbm>> -> memref<80xi32, #tpu.memory_space<hbm>>
        tpu.enqueue_dma source(%dma_start3A_1335 : memref<80xi32, #tpu.memory_space<hbm>>) target(%arg7 : memref<80xi32, #tpu.memory_space<vmem>>) target_semaphore(%arg19 : memref<!tpu.dma_semaphore, #tpu.memory_space<semaphore_mem>>)
      } else {
      }
      %dma_wait3A_1266 = arith.constant 0 : i32
      %dma_wait3A_1267 = arith.constant 0 : i32
      %dma_wait3A_1268 = tpu.memref_slice %arg17[%dma_wait3A_1266, %dma_wait3A_1267] : memref<80x144xf32, #tpu.memory_space<vmem>> -> memref<40x144xf32, #tpu.memory_space<vmem>>
      %dma_wait3A_1269 = arith.constant 0 : i32
      %dma_wait3A_1270 = tpu.memref_slice %arg11[%dma_wait3A_1269] : memref<80xi32, #tpu.memory_space<vmem>> -> memref<40xi32, #tpu.memory_space<vmem>>
      %dma_wait3A_1271 = arith.constant 0 : i32
      %dma_wait3A_1272 = arith.constant 0 : i32
      %dma_wait3A_1273 = tpu.memref_slice %arg2[%dma_wait3A_1271, %dma_wait3A_1272] : memref<20000x144xf32, #tpu.memory_space<hbm>> -> memref<20000x144xf32, #tpu.memory_space<hbm>>
      tpu.wait_indirect_dma semaphore(%arg23 : memref<!tpu.dma_semaphore, #tpu.memory_space<semaphore_mem>>) src(%dma_wait3A_1273 : memref<20000x144xf32, #tpu.memory_space<hbm>>) dst(%dma_wait3A_1268 : memref<40x144xf32, #tpu.memory_space<vmem>>)
      %dma_wait3A_1274 = arith.constant 40 : i32
      %dma_wait3A_1275 = arith.constant 0 : i32
      %dma_wait3A_1276 = tpu.memref_slice %arg17[%dma_wait3A_1274, %dma_wait3A_1275] : memref<80x144xf32, #tpu.memory_space<vmem>> -> memref<40x144xf32, #tpu.memory_space<vmem>>
      %dma_wait3A_1277 = arith.constant 40 : i32
      %dma_wait3A_1278 = tpu.memref_slice %arg11[%dma_wait3A_1277] : memref<80xi32, #tpu.memory_space<vmem>> -> memref<40xi32, #tpu.memory_space<vmem>>
      %dma_wait3A_1279 = arith.constant 0 : i32
      %dma_wait3A_1280 = arith.constant 0 : i32
      %dma_wait3A_1281 = tpu.memref_slice %arg2[%dma_wait3A_1279, %dma_wait3A_1280] : memref<20000x144xf32, #tpu.memory_space<hbm>> -> memref<20000x144xf32, #tpu.memory_space<hbm>>
      tpu.wait_indirect_dma semaphore(%arg23 : memref<!tpu.dma_semaphore, #tpu.memory_space<semaphore_mem>>) src(%dma_wait3A_1281 : memref<20000x144xf32, #tpu.memory_space<hbm>>) dst(%dma_wait3A_1276 : memref<40x144xf32, #tpu.memory_space<vmem>>)
      %dma_start3A_1282 = arith.constant 0 : i32
      %dma_start3A_1283 = arith.constant 0 : i32
      %dma_start3A_1284 = tpu.memref_slice %arg5[%dma_start3A_1282, %dma_start3A_1283] : memref<10000x144xf32, #tpu.memory_space<vmem_shared>> -> memref<10000x144xf32, #tpu.memory_space<vmem_shared>>
      tpu.enqueue_indirect_dma source(%arg17 : memref<80x144xf32, #tpu.memory_space<vmem>>) target(%dma_start3A_1284 : memref<10000x144xf32, #tpu.memory_space<vmem_shared>>) offsets(%arg14 : memref<80xi32, #tpu.memory_space<vmem>>) semaphore(%arg26 : memref<!tpu.dma_semaphore, #tpu.memory_space<semaphore_mem>>) {add = true}
      %add3A_1285 = arith.constant 2 : i32
      %add3A_1286 = arith.addi %mul3A_1212, %add3A_1285 : i32
      %add3A_1287 = arith.constant 3 : i32
      %add3A_1288 = arith.addi %add3A_1286, %add3A_1287 : i32
      %lt3A_1289 = arith.constant 125 : i32
      %lt3A_1290 = arith.cmpi slt, %add3A_1288, %lt3A_1289 : i32
      %convert_element_type3A_1291 = arith.extui %lt3A_1290 : i1 to i32
      %cond3A_1292 = arith.constant 0 : i32
      %cond3A_1293 = arith.cmpi ne, %convert_element_type3A_1291, %cond3A_1292 : i32
      scf.if %cond3A_1293 {
        %dma_start3A_1330 = arith.constant 0 : i32
        %dma_start3A_1331 = tpu.memref_slice %arg3[%add3A, %add3A_1288, %dma_start3A_1330] : memref<32x125x80xi32, #tpu.memory_space<hbm>> -> memref<1x1x80xi32, #tpu.memory_space<hbm>>
        %dma_start3A_1332 = tpu.memref_squeeze %dma_start3A_1331 : memref<1x1x80xi32, #tpu.memory_space<hbm>> -> memref<80xi32, #tpu.memory_space<hbm>>
        %dma_start3A_1333 = arith.constant 0 : i32
        %dma_start3A_1334 = tpu.memref_slice %arg3[%add3A, %add3A_1288, %dma_start3A_1333] : memref<32x125x80xi32, #tpu.memory_space<hbm>> -> memref<1x1x80xi32, #tpu.memory_space<hbm>>
        %dma_start3A_1335 = tpu.memref_squeeze %dma_start3A_1334 : memref<1x1x80xi32, #tpu.memory_space<hbm>> -> memref<80xi32, #tpu.memory_space<hbm>>
        tpu.enqueue_dma source(%dma_start3A_1335 : memref<80xi32, #tpu.memory_space<hbm>>) target(%arg8 : memref<80xi32, #tpu.memory_space<vmem>>) target_semaphore(%arg20 : memref<!tpu.dma_semaphore, #tpu.memory_space<semaphore_mem>>)
      } else {
      }
      %dma_wait3A_1294 = arith.constant 0 : i32
      %dma_wait3A_1295 = arith.constant 0 : i32
      %dma_wait3A_1296 = tpu.memref_slice %arg5[%dma_wait3A_1294, %dma_wait3A_1295] : memref<10000x144xf32, #tpu.memory_space<vmem_shared>> -> memref<10000x144xf32, #tpu.memory_space<vmem_shared>>
      tpu.wait_indirect_dma semaphore(%arg24 : memref<!tpu.dma_semaphore, #tpu.memory_space<semaphore_mem>>) src(%arg15 : memref<80x144xf32, #tpu.memory_space<vmem>>) dst(%dma_wait3A_1296 : memref<10000x144xf32, #tpu.memory_space<vmem_shared>>)
      %add3A_1297 = arith.constant 0 : i32
      %add3A_1298 = arith.addi %mul3A_1212, %add3A_1297 : i32
      %add3A_1299 = arith.constant 3 : i32
      %add3A_1300 = arith.addi %add3A_1298, %add3A_1299 : i32
      %lt3A_1301 = arith.constant 125 : i32
      %lt3A_1302 = arith.cmpi slt, %add3A_1300, %lt3A_1301 : i32
      %convert_element_type3A_1303 = arith.extui %lt3A_1302 : i1 to i32
      %cond3A_1304 = arith.constant 0 : i32
      %cond3A_1305 = arith.cmpi ne, %convert_element_type3A_1303, %cond3A_1304 : i32
      scf.if %cond3A_1305 {
        %dma_wait3A_1330 = arith.constant 0 : i32
        %dma_wait3A_1331 = tpu.memref_slice %arg3[%add3A, %add3A_1300, %dma_wait3A_1330] : memref<32x125x80xi32, #tpu.memory_space<hbm>> -> memref<1x1x80xi32, #tpu.memory_space<hbm>>
        %dma_wait3A_1332 = tpu.memref_squeeze %dma_wait3A_1331 : memref<1x1x80xi32, #tpu.memory_space<hbm>> -> memref<80xi32, #tpu.memory_space<hbm>>
        %dma_wait3A_1333 = arith.constant 0 : i32
        %dma_wait3A_1334 = tpu.memref_slice %arg3[%add3A, %add3A_1300, %dma_wait3A_1333] : memref<32x125x80xi32, #tpu.memory_space<hbm>> -> memref<1x1x80xi32, #tpu.memory_space<hbm>>
        %dma_wait3A_1335 = tpu.memref_squeeze %dma_wait3A_1334 : memref<1x1x80xi32, #tpu.memory_space<hbm>> -> memref<80xi32, #tpu.memory_space<hbm>>
        tpu.wait_dma2 semaphore(%arg18 : memref<!tpu.dma_semaphore, #tpu.memory_space<semaphore_mem>>) src(%dma_wait3A_1335 : memref<80xi32, #tpu.memory_space<hbm>>) dst(%arg6 : memref<80xi32, #tpu.memory_space<vmem>>)
        %get3A_1336 = arith.constant 0 : index
        %get3A_1337 = tpu.vector_load %arg6[%get3A_1336] {strides = array<i32>} : memref<80xi32, #tpu.memory_space<vmem>>, vector<16xi32>,
        %get3A_1338 = vector.shape_cast %get3A_1337 : vector<16xi32> to vector<16xi32>
        %shift_right_logical3A_1339 = arith.constant 15 : i32
        %shift_right_logical3A_1340 = vector.broadcast %shift_right_logical3A_1339 : i32 to vector<16xi32>
        %shift_right_logical3A_1341 = arith.shrui %get3A_1338, %shift_right_logical3A_1340 : vector<16xi32>
        %swap3A_1342 = arith.constant 0 : index
        %swap3A_1343 = tpu.vector_load %arg9[%swap3A_1342] {strides = array<i32>} : memref<80xi32, #tpu.memory_space<vmem>>, vector<16xi32>,
        %swap3A_1344 = vector.shape_cast %swap3A_1343 : vector<16xi32> to vector<16xi32>
        %swap3A_1345 = vector.shape_cast %shift_right_logical3A_1341 : vector<16xi32> to vector<16xi32>
        tpu.vector_store %arg9[%swap3A_1342], %swap3A_1345 {strides = array<i32>} : memref<80xi32, #tpu.memory_space<vmem>>, vector<16xi32>,
        %and3A_1346 = arith.constant 32767 : i32
        %and3A_1347 = vector.broadcast %and3A_1346 : i32 to vector<16xi32>
        %and3A_1348 = arith.andi %get3A_1338, %and3A_1347 : vector<16xi32>
        %swap3A_1349 = arith.constant 0 : index
        %swap3A_1350 = tpu.vector_load %arg12[%swap3A_1349] {strides = array<i32>} : memref<80xi32, #tpu.memory_space<vmem>>, vector<16xi32>,
        %swap3A_1351 = vector.shape_cast %swap3A_1350 : vector<16xi32> to vector<16xi32>
        %swap3A_1352 = vector.shape_cast %and3A_1348 : vector<16xi32> to vector<16xi32>
        tpu.vector_store %arg12[%swap3A_1349], %swap3A_1352 {strides = array<i32>} : memref<80xi32, #tpu.memory_space<vmem>>, vector<16xi32>,
        %get3A_1353 = arith.constant 16 : index
        %get3A_1354 = tpu.vector_load %arg6[%get3A_1353] {strides = array<i32>} : memref<80xi32, #tpu.memory_space<vmem>>, vector<16xi32>,
        %get3A_1355 = vector.shape_cast %get3A_1354 : vector<16xi32> to vector<16xi32>
        %shift_right_logical3A_1356 = arith.constant 15 : i32
        %shift_right_logical3A_1357 = vector.broadcast %shift_right_logical3A_1356 : i32 to vector<16xi32>
        %shift_right_logical3A_1358 = arith.shrui %get3A_1355, %shift_right_logical3A_1357 : vector<16xi32>
        %swap3A_1359 = arith.constant 16 : index
        %swap3A_1360 = tpu.vector_load %arg9[%swap3A_1359] {strides = array<i32>} : memref<80xi32, #tpu.memory_space<vmem>>, vector<16xi32>,
        %swap3A_1361 = vector.shape_cast %swap3A_1360 : vector<16xi32> to vector<16xi32>
        %swap3A_1362 = vector.shape_cast %shift_right_logical3A_1358 : vector<16xi32> to vector<16xi32>
        tpu.vector_store %arg9[%swap3A_1359], %swap3A_1362 {strides = array<i32>} : memref<80xi32, #tpu.memory_space<vmem>>, vector<16xi32>,
        %and3A_1363 = arith.constant 32767 : i32
        %and3A_1364 = vector.broadcast %and3A_1363 : i32 to vector<16xi32>
        %and3A_1365 = arith.andi %get3A_1355, %and3A_1364 : vector<16xi32>
        %swap3A_1366 = arith.constant 16 : index
        %swap3A_1367 = tpu.vector_load %arg12[%swap3A_1366] {strides = array<i32>} : memref<80xi32, #tpu.memory_space<vmem>>, vector<16xi32>,
        %swap3A_1368 = vector.shape_cast %swap3A_1367 : vector<16xi32> to vector<16xi32>
        %swap3A_1369 = vector.shape_cast %and3A_1365 : vector<16xi32> to vector<16xi32>
        tpu.vector_store %arg12[%swap3A_1366], %swap3A_1369 {strides = array<i32>} : memref<80xi32, #tpu.memory_space<vmem>>, vector<16xi32>,
        %get3A_1370 = arith.constant 32 : index
        %get3A_1371 = tpu.vector_load %arg6[%get3A_1370] {strides = array<i32>} : memref<80xi32, #tpu.memory_space<vmem>>, vector<16xi32>,
        %get3A_1372 = vector.shape_cast %get3A_1371 : vector<16xi32> to vector<16xi32>
        %shift_right_logical3A_1373 = arith.constant 15 : i32
        %shift_right_logical3A_1374 = vector.broadcast %shift_right_logical3A_1373 : i32 to vector<16xi32>
        %shift_right_logical3A_1375 = arith.shrui %get3A_1372, %shift_right_logical3A_1374 : vector<16xi32>
        %swap3A_1376 = arith.constant 32 : index
        %swap3A_1377 = tpu.vector_load %arg9[%swap3A_1376] {strides = array<i32>} : memref<80xi32, #tpu.memory_space<vmem>>, vector<16xi32>,
        %swap3A_1378 = vector.shape_cast %swap3A_1377 : vector<16xi32> to vector<16xi32>
        %swap3A_1379 = vector.shape_cast %shift_right_logical3A_1375 : vector<16xi32> to vector<16xi32>
        tpu.vector_store %arg9[%swap3A_1376], %swap3A_1379 {strides = array<i32>} : memref<80xi32, #tpu.memory_space<vmem>>, vector<16xi32>,
        %and3A_1380 = arith.constant 32767 : i32
        %and3A_1381 = vector.broadcast %and3A_1380 : i32 to vector<16xi32>
        %and3A_1382 = arith.andi %get3A_1372, %and3A_1381 : vector<16xi32>
        %swap3A_1383 = arith.constant 32 : index
        %swap3A_1384 = tpu.vector_load %arg12[%swap3A_1383] {strides = array<i32>} : memref<80xi32, #tpu.memory_space<vmem>>, vector<16xi32>,
        %swap3A_1385 = vector.shape_cast %swap3A_1384 : vector<16xi32> to vector<16xi32>
        %swap3A_1386 = vector.shape_cast %and3A_1382 : vector<16xi32> to vector<16xi32>
        tpu.vector_store %arg12[%swap3A_1383], %swap3A_1386 {strides = array<i32>} : memref<80xi32, #tpu.memory_space<vmem>>, vector<16xi32>,
        %get3A_1387 = arith.constant 48 : index
        %get3A_1388 = tpu.vector_load %arg6[%get3A_1387] {strides = array<i32>} : memref<80xi32, #tpu.memory_space<vmem>>, vector<16xi32>,
        %get3A_1389 = vector.shape_cast %get3A_1388 : vector<16xi32> to vector<16xi32>
        %shift_right_logical3A_1390 = arith.constant 15 : i32
        %shift_right_logical3A_1391 = vector.broadcast %shift_right_logical3A_1390 : i32 to vector<16xi32>
        %shift_right_logical3A_1392 = arith.shrui %get3A_1389, %shift_right_logical3A_1391 : vector<16xi32>
        %swap3A_1393 = arith.constant 48 : index
        %swap3A_1394 = tpu.vector_load %arg9[%swap3A_1393] {strides = array<i32>} : memref<80xi32, #tpu.memory_space<vmem>>, vector<16xi32>,
        %swap3A_1395 = vector.shape_cast %swap3A_1394 : vector<16xi32> to vector<16xi32>
        %swap3A_1396 = vector.shape_cast %shift_right_logical3A_1392 : vector<16xi32> to vector<16xi32>
        tpu.vector_store %arg9[%swap3A_1393], %swap3A_1396 {strides = array<i32>} : memref<80xi32, #tpu.memory_space<vmem>>, vector<16xi32>,
        %and3A_1397 = arith.constant 32767 : i32
        %and3A_1398 = vector.broadcast %and3A_1397 : i32 to vector<16xi32>
        %and3A_1399 = arith.andi %get3A_1389, %and3A_1398 : vector<16xi32>
        %swap3A_1400 = arith.constant 48 : index
        %swap3A_1401 = tpu.vector_load %arg12[%swap3A_1400] {strides = array<i32>} : memref<80xi32, #tpu.memory_space<vmem>>, vector<16xi32>,
        %swap3A_1402 = vector.shape_cast %swap3A_1401 : vector<16xi32> to vector<16xi32>
        %swap3A_1403 = vector.shape_cast %and3A_1399 : vector<16xi32> to vector<16xi32>
        tpu.vector_store %arg12[%swap3A_1400], %swap3A_1403 {strides = array<i32>} : memref<80xi32, #tpu.memory_space<vmem>>, vector<16xi32>,
        %get3A_1404 = arith.constant 64 : index
        %get3A_1405 = tpu.vector_load %arg6[%get3A_1404] {strides = array<i32>} : memref<80xi32, #tpu.memory_space<vmem>>, vector<16xi32>,
        %get3A_1406 = vector.shape_cast %get3A_1405 : vector<16xi32> to vector<16xi32>
        %shift_right_logical3A_1407 = arith.constant 15 : i32
        %shift_right_logical3A_1408 = vector.broadcast %shift_right_logical3A_1407 : i32 to vector<16xi32>
        %shift_right_logical3A_1409 = arith.shrui %get3A_1406, %shift_right_logical3A_1408 : vector<16xi32>
        %swap3A_1410 = arith.constant 64 : index
        %swap3A_1411 = tpu.vector_load %arg9[%swap3A_1410] {strides = array<i32>} : memref<80xi32, #tpu.memory_space<vmem>>, vector<16xi32>,
        %swap3A_1412 = vector.shape_cast %swap3A_1411 : vector<16xi32> to vector<16xi32>
        %swap3A_1413 = vector.shape_cast %shift_right_logical3A_1409 : vector<16xi32> to vector<16xi32>
        tpu.vector_store %arg9[%swap3A_1410], %swap3A_1413 {strides = array<i32>} : memref<80xi32, #tpu.memory_space<vmem>>, vector<16xi32>,
        %and3A_1414 = arith.constant 32767 : i32
        %and3A_1415 = vector.broadcast %and3A_1414 : i32 to vector<16xi32>
        %and3A_1416 = arith.andi %get3A_1406, %and3A_1415 : vector<16xi32>
        %swap3A_1417 = arith.constant 64 : index
        %swap3A_1418 = tpu.vector_load %arg12[%swap3A_1417] {strides = array<i32>} : memref<80xi32, #tpu.memory_space<vmem>>, vector<16xi32>,
        %swap3A_1419 = vector.shape_cast %swap3A_1418 : vector<16xi32> to vector<16xi32>
        %swap3A_1420 = vector.shape_cast %and3A_1416 : vector<16xi32> to vector<16xi32>
        tpu.vector_store %arg12[%swap3A_1417], %swap3A_1420 {strides = array<i32>} : memref<80xi32, #tpu.memory_space<vmem>>, vector<16xi32>,
        %dma_start3A_1421 = arith.constant 0 : i32
        %dma_start3A_1422 = arith.constant 0 : i32
        %dma_start3A_1423 = tpu.memref_slice %arg15[%dma_start3A_1421, %dma_start3A_1422] : memref<80x144xf32, #tpu.memory_space<vmem>> -> memref<40x144xf32, #tpu.memory_space<vmem>>
        %dma_start3A_1424 = arith.constant 0 : i32
        %dma_start3A_1425 = tpu.memref_slice %arg9[%dma_start3A_1424] : memref<80xi32, #tpu.memory_space<vmem>> -> memref<40xi32, #tpu.memory_space<vmem>>
        %dma_start3A_1426 = arith.constant 0 : i32
        %dma_start3A_1427 = arith.constant 0 : i32
        %dma_start3A_1428 = tpu.memref_slice %arg2[%dma_start3A_1426, %dma_start3A_1427] : memref<20000x144xf32, #tpu.memory_space<hbm>> -> memref<20000x144xf32, #tpu.memory_space<hbm>>
        tpu.enqueue_indirect_dma source(%dma_start3A_1428 : memref<20000x144xf32, #tpu.memory_space<hbm>>) target(%dma_start3A_1423 : memref<40x144xf32, #tpu.memory_space<vmem>>) offsets(%dma_start3A_1425 : memref<40xi32, #tpu.memory_space<vmem>>) semaphore(%arg21 : memref<!tpu.dma_semaphore, #tpu.memory_space<semaphore_mem>>)
        %dma_start3A_1429 = arith.constant 40 : i32
        %dma_start3A_1430 = arith.constant 0 : i32
        %dma_start3A_1431 = tpu.memref_slice %arg15[%dma_start3A_1429, %dma_start3A_1430] : memref<80x144xf32, #tpu.memory_space<vmem>> -> memref<40x144xf32, #tpu.memory_space<vmem>>
        %dma_start3A_1432 = arith.constant 40 : i32
        %dma_start3A_1433 = tpu.memref_slice %arg9[%dma_start3A_1432] : memref<80xi32, #tpu.memory_space<vmem>> -> memref<40xi32, #tpu.memory_space<vmem>>
        %dma_start3A_1434 = arith.constant 0 : i32
        %dma_start3A_1435 = arith.constant 0 : i32
        %dma_start3A_1436 = tpu.memref_slice %arg2[%dma_start3A_1434, %dma_start3A_1435] : memref<20000x144xf32, #tpu.memory_space<hbm>> -> memref<20000x144xf32, #tpu.memory_space<hbm>>
        tpu.enqueue_indirect_dma source(%dma_start3A_1436 : memref<20000x144xf32, #tpu.memory_space<hbm>>) target(%dma_start3A_1431 : memref<40x144xf32, #tpu.memory_space<vmem>>) offsets(%dma_start3A_1433 : memref<40xi32, #tpu.memory_space<vmem>>) semaphore(%arg21 : memref<!tpu.dma_semaphore, #tpu.memory_space<semaphore_mem>>)
      } else {
      }
      %dma_wait3A_1306 = arith.constant 0 : i32
      %dma_wait3A_1307 = arith.constant 0 : i32
      %dma_wait3A_1308 = tpu.memref_slice %arg5[%dma_wait3A_1306, %dma_wait3A_1307] : memref<10000x144xf32, #tpu.memory_space<vmem_shared>> -> memref<10000x144xf32, #tpu.memory_space<vmem_shared>>
      tpu.wait_indirect_dma semaphore(%arg25 : memref<!tpu.dma_semaphore, #tpu.memory_space<semaphore_mem>>) src(%arg16 : memref<80x144xf32, #tpu.memory_space<vmem>>) dst(%dma_wait3A_1308 : memref<10000x144xf32, #tpu.memory_space<vmem_shared>>)
      %add3A_1309 = arith.constant 1 : i32
      %add3A_1310 = arith.addi %mul3A_1212, %add3A_1309 : i32
      %add3A_1311 = arith.constant 3 : i32
      %add3A_1312 = arith.addi %add3A_1310, %add3A_1311 : i32
      %lt3A_1313 = arith.constant 125 : i32
      %lt3A_1314 = arith.cmpi slt, %add3A_1312, %lt3A_1313 : i32
      %convert_element_type3A_1315 = arith.extui %lt3A_1314 : i1 to i32
      %cond3A_1316 = arith.constant 0 : i32
      %cond3A_1317 = arith.cmpi ne, %convert_element_type3A_1315, %cond3A_1316 : i32
      scf.if %cond3A_1317 {
        %dma_wait3A_1330 = arith.constant 0 : i32
        %dma_wait3A_1331 = tpu.memref_slice %arg3[%add3A, %add3A_1312, %dma_wait3A_1330] : memref<32x125x80xi32, #tpu.memory_space<hbm>> -> memref<1x1x80xi32, #tpu.memory_space<hbm>>
        %dma_wait3A_1332 = tpu.memref_squeeze %dma_wait3A_1331 : memref<1x1x80xi32, #tpu.memory_space<hbm>> -> memref<80xi32, #tpu.memory_space<hbm>>
        %dma_wait3A_1333 = arith.constant 0 : i32
        %dma_wait3A_1334 = tpu.memref_slice %arg3[%add3A, %add3A_1312, %dma_wait3A_1333] : memref<32x125x80xi32, #tpu.memory_space<hbm>> -> memref<1x1x80xi32, #tpu.memory_space<hbm>>
        %dma_wait3A_1335 = tpu.memref_squeeze %dma_wait3A_1334 : memref<1x1x80xi32, #tpu.memory_space<hbm>> -> memref<80xi32, #tpu.memory_space<hbm>>
        tpu.wait_dma2 semaphore(%arg19 : memref<!tpu.dma_semaphore, #tpu.memory_space<semaphore_mem>>) src(%dma_wait3A_1335 : memref<80xi32, #tpu.memory_space<hbm>>) dst(%arg7 : memref<80xi32, #tpu.memory_space<vmem>>)
        %get3A_1336 = arith.constant 0 : index
        %get3A_1337 = tpu.vector_load %arg7[%get3A_1336] {strides = array<i32>} : memref<80xi32, #tpu.memory_space<vmem>>, vector<16xi32>,
        %get3A_1338 = vector.shape_cast %get3A_1337 : vector<16xi32> to vector<16xi32>
        %shift_right_logical3A_1339 = arith.constant 15 : i32
        %shift_right_logical3A_1340 = vector.broadcast %shift_right_logical3A_1339 : i32 to vector<16xi32>
        %shift_right_logical3A_1341 = arith.shrui %get3A_1338, %shift_right_logical3A_1340 : vector<16xi32>
        %swap3A_1342 = arith.constant 0 : index
        %swap3A_1343 = tpu.vector_load %arg10[%swap3A_1342] {strides = array<i32>} : memref<80xi32, #tpu.memory_space<vmem>>, vector<16xi32>,
        %swap3A_1344 = vector.shape_cast %swap3A_1343 : vector<16xi32> to vector<16xi32>
        %swap3A_1345 = vector.shape_cast %shift_right_logical3A_1341 : vector<16xi32> to vector<16xi32>
        tpu.vector_store %arg10[%swap3A_1342], %swap3A_1345 {strides = array<i32>} : memref<80xi32, #tpu.memory_space<vmem>>, vector<16xi32>,
        %and3A_1346 = arith.constant 32767 : i32
        %and3A_1347 = vector.broadcast %and3A_1346 : i32 to vector<16xi32>
        %and3A_1348 = arith.andi %get3A_1338, %and3A_1347 : vector<16xi32>
        %swap3A_1349 = arith.constant 0 : index
        %swap3A_1350 = tpu.vector_load %arg13[%swap3A_1349] {strides = array<i32>} : memref<80xi32, #tpu.memory_space<vmem>>, vector<16xi32>,
        %swap3A_1351 = vector.shape_cast %swap3A_1350 : vector<16xi32> to vector<16xi32>
        %swap3A_1352 = vector.shape_cast %and3A_1348 : vector<16xi32> to vector<16xi32>
        tpu.vector_store %arg13[%swap3A_1349], %swap3A_1352 {strides = array<i32>} : memref<80xi32, #tpu.memory_space<vmem>>, vector<16xi32>,
        %get3A_1353 = arith.constant 16 : index
        %get3A_1354 = tpu.vector_load %arg7[%get3A_1353] {strides = array<i32>} : memref<80xi32, #tpu.memory_space<vmem>>, vector<16xi32>,
        %get3A_1355 = vector.shape_cast %get3A_1354 : vector<16xi32> to vector<16xi32>
        %shift_right_logical3A_1356 = arith.constant 15 : i32
        %shift_right_logical3A_1357 = vector.broadcast %shift_right_logical3A_1356 : i32 to vector<16xi32>
        %shift_right_logical3A_1358 = arith.shrui %get3A_1355, %shift_right_logical3A_1357 : vector<16xi32>
        %swap3A_1359 = arith.constant 16 : index
        %swap3A_1360 = tpu.vector_load %arg10[%swap3A_1359] {strides = array<i32>} : memref<80xi32, #tpu.memory_space<vmem>>, vector<16xi32>,
        %swap3A_1361 = vector.shape_cast %swap3A_1360 : vector<16xi32> to vector<16xi32>
        %swap3A_1362 = vector.shape_cast %shift_right_logical3A_1358 : vector<16xi32> to vector<16xi32>
        tpu.vector_store %arg10[%swap3A_1359], %swap3A_1362 {strides = array<i32>} : memref<80xi32, #tpu.memory_space<vmem>>, vector<16xi32>,
        %and3A_1363 = arith.constant 32767 : i32
        %and3A_1364 = vector.broadcast %and3A_1363 : i32 to vector<16xi32>
        %and3A_1365 = arith.andi %get3A_1355, %and3A_1364 : vector<16xi32>
        %swap3A_1366 = arith.constant 16 : index
        %swap3A_1367 = tpu.vector_load %arg13[%swap3A_1366] {strides = array<i32>} : memref<80xi32, #tpu.memory_space<vmem>>, vector<16xi32>,
        %swap3A_1368 = vector.shape_cast %swap3A_1367 : vector<16xi32> to vector<16xi32>
        %swap3A_1369 = vector.shape_cast %and3A_1365 : vector<16xi32> to vector<16xi32>
        tpu.vector_store %arg13[%swap3A_1366], %swap3A_1369 {strides = array<i32>} : memref<80xi32, #tpu.memory_space<vmem>>, vector<16xi32>,
        %get3A_1370 = arith.constant 32 : index
        %get3A_1371 = tpu.vector_load %arg7[%get3A_1370] {strides = array<i32>} : memref<80xi32, #tpu.memory_space<vmem>>, vector<16xi32>,
        %get3A_1372 = vector.shape_cast %get3A_1371 : vector<16xi32> to vector<16xi32>
        %shift_right_logical3A_1373 = arith.constant 15 : i32
        %shift_right_logical3A_1374 = vector.broadcast %shift_right_logical3A_1373 : i32 to vector<16xi32>
        %shift_right_logical3A_1375 = arith.shrui %get3A_1372, %shift_right_logical3A_1374 : vector<16xi32>
        %swap3A_1376 = arith.constant 32 : index
        %swap3A_1377 = tpu.vector_load %arg10[%swap3A_1376] {strides = array<i32>} : memref<80xi32, #tpu.memory_space<vmem>>, vector<16xi32>,
        %swap3A_1378 = vector.shape_cast %swap3A_1377 : vector<16xi32> to vector<16xi32>
        %swap3A_1379 = vector.shape_cast %shift_right_logical3A_1375 : vector<16xi32> to vector<16xi32>
        tpu.vector_store %arg10[%swap3A_1376], %swap3A_1379 {strides = array<i32>} : memref<80xi32, #tpu.memory_space<vmem>>, vector<16xi32>,
        %and3A_1380 = arith.constant 32767 : i32
        %and3A_1381 = vector.broadcast %and3A_1380 : i32 to vector<16xi32>
        %and3A_1382 = arith.andi %get3A_1372, %and3A_1381 : vector<16xi32>
        %swap3A_1383 = arith.constant 32 : index
        %swap3A_1384 = tpu.vector_load %arg13[%swap3A_1383] {strides = array<i32>} : memref<80xi32, #tpu.memory_space<vmem>>, vector<16xi32>,
        %swap3A_1385 = vector.shape_cast %swap3A_1384 : vector<16xi32> to vector<16xi32>
        %swap3A_1386 = vector.shape_cast %and3A_1382 : vector<16xi32> to vector<16xi32>
        tpu.vector_store %arg13[%swap3A_1383], %swap3A_1386 {strides = array<i32>} : memref<80xi32, #tpu.memory_space<vmem>>, vector<16xi32>,
        %get3A_1387 = arith.constant 48 : index
        %get3A_1388 = tpu.vector_load %arg7[%get3A_1387] {strides = array<i32>} : memref<80xi32, #tpu.memory_space<vmem>>, vector<16xi32>,
        %get3A_1389 = vector.shape_cast %get3A_1388 : vector<16xi32> to vector<16xi32>
        %shift_right_logical3A_1390 = arith.constant 15 : i32
        %shift_right_logical3A_1391 = vector.broadcast %shift_right_logical3A_1390 : i32 to vector<16xi32>
        %shift_right_logical3A_1392 = arith.shrui %get3A_1389, %shift_right_logical3A_1391 : vector<16xi32>
        %swap3A_1393 = arith.constant 48 : index
        %swap3A_1394 = tpu.vector_load %arg10[%swap3A_1393] {strides = array<i32>} : memref<80xi32, #tpu.memory_space<vmem>>, vector<16xi32>,
        %swap3A_1395 = vector.shape_cast %swap3A_1394 : vector<16xi32> to vector<16xi32>
        %swap3A_1396 = vector.shape_cast %shift_right_logical3A_1392 : vector<16xi32> to vector<16xi32>
        tpu.vector_store %arg10[%swap3A_1393], %swap3A_1396 {strides = array<i32>} : memref<80xi32, #tpu.memory_space<vmem>>, vector<16xi32>,
        %and3A_1397 = arith.constant 32767 : i32
        %and3A_1398 = vector.broadcast %and3A_1397 : i32 to vector<16xi32>
        %and3A_1399 = arith.andi %get3A_1389, %and3A_1398 : vector<16xi32>
        %swap3A_1400 = arith.constant 48 : index
        %swap3A_1401 = tpu.vector_load %arg13[%swap3A_1400] {strides = array<i32>} : memref<80xi32, #tpu.memory_space<vmem>>, vector<16xi32>,
        %swap3A_1402 = vector.shape_cast %swap3A_1401 : vector<16xi32> to vector<16xi32>
        %swap3A_1403 = vector.shape_cast %and3A_1399 : vector<16xi32> to vector<16xi32>
        tpu.vector_store %arg13[%swap3A_1400], %swap3A_1403 {strides = array<i32>} : memref<80xi32, #tpu.memory_space<vmem>>, vector<16xi32>,
        %get3A_1404 = arith.constant 64 : index
        %get3A_1405 = tpu.vector_load %arg7[%get3A_1404] {strides = array<i32>} : memref<80xi32, #tpu.memory_space<vmem>>, vector<16xi32>,
        %get3A_1406 = vector.shape_cast %get3A_1405 : vector<16xi32> to vector<16xi32>
        %shift_right_logical3A_1407 = arith.constant 15 : i32
        %shift_right_logical3A_1408 = vector.broadcast %shift_right_logical3A_1407 : i32 to vector<16xi32>
        %shift_right_logical3A_1409 = arith.shrui %get3A_1406, %shift_right_logical3A_1408 : vector<16xi32>
        %swap3A_1410 = arith.constant 64 : index
        %swap3A_1411 = tpu.vector_load %arg10[%swap3A_1410] {strides = array<i32>} : memref<80xi32, #tpu.memory_space<vmem>>, vector<16xi32>,
        %swap3A_1412 = vector.shape_cast %swap3A_1411 : vector<16xi32> to vector<16xi32>
        %swap3A_1413 = vector.shape_cast %shift_right_logical3A_1409 : vector<16xi32> to vector<16xi32>
        tpu.vector_store %arg10[%swap3A_1410], %swap3A_1413 {strides = array<i32>} : memref<80xi32, #tpu.memory_space<vmem>>, vector<16xi32>,
        %and3A_1414 = arith.constant 32767 : i32
        %and3A_1415 = vector.broadcast %and3A_1414 : i32 to vector<16xi32>
        %and3A_1416 = arith.andi %get3A_1406, %and3A_1415 : vector<16xi32>
        %swap3A_1417 = arith.constant 64 : index
        %swap3A_1418 = tpu.vector_load %arg13[%swap3A_1417] {strides = array<i32>} : memref<80xi32, #tpu.memory_space<vmem>>, vector<16xi32>,
        %swap3A_1419 = vector.shape_cast %swap3A_1418 : vector<16xi32> to vector<16xi32>
        %swap3A_1420 = vector.shape_cast %and3A_1416 : vector<16xi32> to vector<16xi32>
        tpu.vector_store %arg13[%swap3A_1417], %swap3A_1420 {strides = array<i32>} : memref<80xi32, #tpu.memory_space<vmem>>, vector<16xi32>,
        %dma_start3A_1421 = arith.constant 0 : i32
        %dma_start3A_1422 = arith.constant 0 : i32
        %dma_start3A_1423 = tpu.memref_slice %arg16[%dma_start3A_1421, %dma_start3A_1422] : memref<80x144xf32, #tpu.memory_space<vmem>> -> memref<40x144xf32, #tpu.memory_space<vmem>>
        %dma_start3A_1424 = arith.constant 0 : i32
        %dma_start3A_1425 = tpu.memref_slice %arg10[%dma_start3A_1424] : memref<80xi32, #tpu.memory_space<vmem>> -> memref<40xi32, #tpu.memory_space<vmem>>
        %dma_start3A_1426 = arith.constant 0 : i32
        %dma_start3A_1427 = arith.constant 0 : i32
        %dma_start3A_1428 = tpu.memref_slice %arg2[%dma_start3A_1426, %dma_start3A_1427] : memref<20000x144xf32, #tpu.memory_space<hbm>> -> memref<20000x144xf32, #tpu.memory_space<hbm>>
        tpu.enqueue_indirect_dma source(%dma_start3A_1428 : memref<20000x144xf32, #tpu.memory_space<hbm>>) target(%dma_start3A_1423 : memref<40x144xf32, #tpu.memory_space<vmem>>) offsets(%dma_start3A_1425 : memref<40xi32, #tpu.memory_space<vmem>>) semaphore(%arg22 : memref<!tpu.dma_semaphore, #tpu.memory_space<semaphore_mem>>)
        %dma_start3A_1429 = arith.constant 40 : i32
        %dma_start3A_1430 = arith.constant 0 : i32
        %dma_start3A_1431 = tpu.memref_slice %arg16[%dma_start3A_1429, %dma_start3A_1430] : memref<80x144xf32, #tpu.memory_space<vmem>> -> memref<40x144xf32, #tpu.memory_space<vmem>>
        %dma_start3A_1432 = arith.constant 40 : i32
        %dma_start3A_1433 = tpu.memref_slice %arg10[%dma_start3A_1432] : memref<80xi32, #tpu.memory_space<vmem>> -> memref<40xi32, #tpu.memory_space<vmem>>
        %dma_start3A_1434 = arith.constant 0 : i32
        %dma_start3A_1435 = arith.constant 0 : i32
        %dma_start3A_1436 = tpu.memref_slice %arg2[%dma_start3A_1434, %dma_start3A_1435] : memref<20000x144xf32, #tpu.memory_space<hbm>> -> memref<20000x144xf32, #tpu.memory_space<hbm>>
        tpu.enqueue_indirect_dma source(%dma_start3A_1436 : memref<20000x144xf32, #tpu.memory_space<hbm>>) target(%dma_start3A_1431 : memref<40x144xf32, #tpu.memory_space<vmem>>) offsets(%dma_start3A_1433 : memref<40xi32, #tpu.memory_space<vmem>>) semaphore(%arg22 : memref<!tpu.dma_semaphore, #tpu.memory_space<semaphore_mem>>)
      } else {
      }
      %dma_wait3A_1318 = arith.constant 0 : i32
      %dma_wait3A_1319 = arith.constant 0 : i32
      %dma_wait3A_1320 = tpu.memref_slice %arg5[%dma_wait3A_1318, %dma_wait3A_1319] : memref<10000x144xf32, #tpu.memory_space<vmem_shared>> -> memref<10000x144xf32, #tpu.memory_space<vmem_shared>>
      tpu.wait_indirect_dma semaphore(%arg26 : memref<!tpu.dma_semaphore, #tpu.memory_space<semaphore_mem>>) src(%arg17 : memref<80x144xf32, #tpu.memory_space<vmem>>) dst(%dma_wait3A_1320 : memref<10000x144xf32, #tpu.memory_space<vmem_shared>>)
      %add3A_1321 = arith.constant 2 : i32
      %add3A_1322 = arith.addi %mul3A_1212, %add3A_1321 : i32
      %add3A_1323 = arith.constant 3 : i32
      %add3A_1324 = arith.addi %add3A_1322, %add3A_1323 : i32
      %lt3A_1325 = arith.constant 125 : i32
      %lt3A_1326 = arith.cmpi slt, %add3A_1324, %lt3A_1325 : i32
      %convert_element_type3A_1327 = arith.extui %lt3A_1326 : i1 to i32
      %cond3A_1328 = arith.constant 0 : i32
      %cond3A_1329 = arith.cmpi ne, %convert_element_type3A_1327, %cond3A_1328 : i32
      scf.if %cond3A_1329 {
        %dma_wait3A_1330 = arith.constant 0 : i32
        %dma_wait3A_1331 = tpu.memref_slice %arg3[%add3A, %add3A_1324, %dma_wait3A_1330] : memref<32x125x80xi32, #tpu.memory_space<hbm>> -> memref<1x1x80xi32, #tpu.memory_space<hbm>>
        %dma_wait3A_1332 = tpu.memref_squeeze %dma_wait3A_1331 : memref<1x1x80xi32, #tpu.memory_space<hbm>> -> memref<80xi32, #tpu.memory_space<hbm>>
        %dma_wait3A_1333 = arith.constant 0 : i32
        %dma_wait3A_1334 = tpu.memref_slice %arg3[%add3A, %add3A_1324, %dma_wait3A_1333] : memref<32x125x80xi32, #tpu.memory_space<hbm>> -> memref<1x1x80xi32, #tpu.memory_space<hbm>>
        %dma_wait3A_1335 = tpu.memref_squeeze %dma_wait3A_1334 : memref<1x1x80xi32, #tpu.memory_space<hbm>> -> memref<80xi32, #tpu.memory_space<hbm>>
        tpu.wait_dma2 semaphore(%arg20 : memref<!tpu.dma_semaphore, #tpu.memory_space<semaphore_mem>>) src(%dma_wait3A_1335 : memref<80xi32, #tpu.memory_space<hbm>>) dst(%arg8 : memref<80xi32, #tpu.memory_space<vmem>>)
        %get3A_1336 = arith.constant 0 : index
        %get3A_1337 = tpu.vector_load %arg8[%get3A_1336] {strides = array<i32>} : memref<80xi32, #tpu.memory_space<vmem>>, vector<16xi32>,
        %get3A_1338 = vector.shape_cast %get3A_1337 : vector<16xi32> to vector<16xi32>
        %shift_right_logical3A_1339 = arith.constant 15 : i32
        %shift_right_logical3A_1340 = vector.broadcast %shift_right_logical3A_1339 : i32 to vector<16xi32>
        %shift_right_logical3A_1341 = arith.shrui %get3A_1338, %shift_right_logical3A_1340 : vector<16xi32>
        %swap3A_1342 = arith.constant 0 : index
        %swap3A_1343 = tpu.vector_load %arg11[%swap3A_1342] {strides = array<i32>} : memref<80xi32, #tpu.memory_space<vmem>>, vector<16xi32>,
        %swap3A_1344 = vector.shape_cast %swap3A_1343 : vector<16xi32> to vector<16xi32>
        %swap3A_1345 = vector.shape_cast %shift_right_logical3A_1341 : vector<16xi32> to vector<16xi32>
        tpu.vector_store %arg11[%swap3A_1342], %swap3A_1345 {strides = array<i32>} : memref<80xi32, #tpu.memory_space<vmem>>, vector<16xi32>,
        %and3A_1346 = arith.constant 32767 : i32
        %and3A_1347 = vector.broadcast %and3A_1346 : i32 to vector<16xi32>
        %and3A_1348 = arith.andi %get3A_1338, %and3A_1347 : vector<16xi32>
        %swap3A_1349 = arith.constant 0 : index
        %swap3A_1350 = tpu.vector_load %arg14[%swap3A_1349] {strides = array<i32>} : memref<80xi32, #tpu.memory_space<vmem>>, vector<16xi32>,
        %swap3A_1351 = vector.shape_cast %swap3A_1350 : vector<16xi32> to vector<16xi32>
        %swap3A_1352 = vector.shape_cast %and3A_1348 : vector<16xi32> to vector<16xi32>
        tpu.vector_store %arg14[%swap3A_1349], %swap3A_1352 {strides = array<i32>} : memref<80xi32, #tpu.memory_space<vmem>>, vector<16xi32>,
        %get3A_1353 = arith.constant 16 : index
        %get3A_1354 = tpu.vector_load %arg8[%get3A_1353] {strides = array<i32>} : memref<80xi32, #tpu.memory_space<vmem>>, vector<16xi32>,
        %get3A_1355 = vector.shape_cast %get3A_1354 : vector<16xi32> to vector<16xi32>
        %shift_right_logical3A_1356 = arith.constant 15 : i32
        %shift_right_logical3A_1357 = vector.broadcast %shift_right_logical3A_1356 : i32 to vector<16xi32>
        %shift_right_logical3A_1358 = arith.shrui %get3A_1355, %shift_right_logical3A_1357 : vector<16xi32>
        %swap3A_1359 = arith.constant 16 : index
        %swap3A_1360 = tpu.vector_load %arg11[%swap3A_1359] {strides = array<i32>} : memref<80xi32, #tpu.memory_space<vmem>>, vector<16xi32>,
        %swap3A_1361 = vector.shape_cast %swap3A_1360 : vector<16xi32> to vector<16xi32>
        %swap3A_1362 = vector.shape_cast %shift_right_logical3A_1358 : vector<16xi32> to vector<16xi32>
        tpu.vector_store %arg11[%swap3A_1359], %swap3A_1362 {strides = array<i32>} : memref<80xi32, #tpu.memory_space<vmem>>, vector<16xi32>,
        %and3A_1363 = arith.constant 32767 : i32
        %and3A_1364 = vector.broadcast %and3A_1363 : i32 to vector<16xi32>
        %and3A_1365 = arith.andi %get3A_1355, %and3A_1364 : vector<16xi32>
        %swap3A_1366 = arith.constant 16 : index
        %swap3A_1367 = tpu.vector_load %arg14[%swap3A_1366] {strides = array<i32>} : memref<80xi32, #tpu.memory_space<vmem>>, vector<16xi32>,
        %swap3A_1368 = vector.shape_cast %swap3A_1367 : vector<16xi32> to vector<16xi32>
        %swap3A_1369 = vector.shape_cast %and3A_1365 : vector<16xi32> to vector<16xi32>
        tpu.vector_store %arg14[%swap3A_1366], %swap3A_1369 {strides = array<i32>} : memref<80xi32, #tpu.memory_space<vmem>>, vector<16xi32>,
        %get3A_1370 = arith.constant 32 : index
        %get3A_1371 = tpu.vector_load %arg8[%get3A_1370] {strides = array<i32>} : memref<80xi32, #tpu.memory_space<vmem>>, vector<16xi32>,
        %get3A_1372 = vector.shape_cast %get3A_1371 : vector<16xi32> to vector<16xi32>
        %shift_right_logical3A_1373 = arith.constant 15 : i32
        %shift_right_logical3A_1374 = vector.broadcast %shift_right_logical3A_1373 : i32 to vector<16xi32>
        %shift_right_logical3A_1375 = arith.shrui %get3A_1372, %shift_right_logical3A_1374 : vector<16xi32>
        %swap3A_1376 = arith.constant 32 : index
        %swap3A_1377 = tpu.vector_load %arg11[%swap3A_1376] {strides = array<i32>} : memref<80xi32, #tpu.memory_space<vmem>>, vector<16xi32>,
        %swap3A_1378 = vector.shape_cast %swap3A_1377 : vector<16xi32> to vector<16xi32>
        %swap3A_1379 = vector.shape_cast %shift_right_logical3A_1375 : vector<16xi32> to vector<16xi32>
        tpu.vector_store %arg11[%swap3A_1376], %swap3A_1379 {strides = array<i32>} : memref<80xi32, #tpu.memory_space<vmem>>, vector<16xi32>,
        %and3A_1380 = arith.constant 32767 : i32
        %and3A_1381 = vector.broadcast %and3A_1380 : i32 to vector<16xi32>
        %and3A_1382 = arith.andi %get3A_1372, %and3A_1381 : vector<16xi32>
        %swap3A_1383 = arith.constant 32 : index
        %swap3A_1384 = tpu.vector_load %arg14[%swap3A_1383] {strides = array<i32>} : memref<80xi32, #tpu.memory_space<vmem>>, vector<16xi32>,
        %swap3A_1385 = vector.shape_cast %swap3A_1384 : vector<16xi32> to vector<16xi32>
        %swap3A_1386 = vector.shape_cast %and3A_1382 : vector<16xi32> to vector<16xi32>
        tpu.vector_store %arg14[%swap3A_1383], %swap3A_1386 {strides = array<i32>} : memref<80xi32, #tpu.memory_space<vmem>>, vector<16xi32>,
        %get3A_1387 = arith.constant 48 : index
        %get3A_1388 = tpu.vector_load %arg8[%get3A_1387] {strides = array<i32>} : memref<80xi32, #tpu.memory_space<vmem>>, vector<16xi32>,
        %get3A_1389 = vector.shape_cast %get3A_1388 : vector<16xi32> to vector<16xi32>
        %shift_right_logical3A_1390 = arith.constant 15 : i32
        %shift_right_logical3A_1391 = vector.broadcast %shift_right_logical3A_1390 : i32 to vector<16xi32>
        %shift_right_logical3A_1392 = arith.shrui %get3A_1389, %shift_right_logical3A_1391 : vector<16xi32>
        %swap3A_1393 = arith.constant 48 : index
        %swap3A_1394 = tpu.vector_load %arg11[%swap3A_1393] {strides = array<i32>} : memref<80xi32, #tpu.memory_space<vmem>>, vector<16xi32>,
        %swap3A_1395 = vector.shape_cast %swap3A_1394 : vector<16xi32> to vector<16xi32>
        %swap3A_1396 = vector.shape_cast %shift_right_logical3A_1392 : vector<16xi32> to vector<16xi32>
        tpu.vector_store %arg11[%swap3A_1393], %swap3A_1396 {strides = array<i32>} : memref<80xi32, #tpu.memory_space<vmem>>, vector<16xi32>,
        %and3A_1397 = arith.constant 32767 : i32
        %and3A_1398 = vector.broadcast %and3A_1397 : i32 to vector<16xi32>
        %and3A_1399 = arith.andi %get3A_1389, %and3A_1398 : vector<16xi32>
        %swap3A_1400 = arith.constant 48 : index
        %swap3A_1401 = tpu.vector_load %arg14[%swap3A_1400] {strides = array<i32>} : memref<80xi32, #tpu.memory_space<vmem>>, vector<16xi32>,
        %swap3A_1402 = vector.shape_cast %swap3A_1401 : vector<16xi32> to vector<16xi32>
        %swap3A_1403 = vector.shape_cast %and3A_1399 : vector<16xi32> to vector<16xi32>
        tpu.vector_store %arg14[%swap3A_1400], %swap3A_1403 {strides = array<i32>} : memref<80xi32, #tpu.memory_space<vmem>>, vector<16xi32>,
        %get3A_1404 = arith.constant 64 : index
        %get3A_1405 = tpu.vector_load %arg8[%get3A_1404] {strides = array<i32>} : memref<80xi32, #tpu.memory_space<vmem>>, vector<16xi32>,
        %get3A_1406 = vector.shape_cast %get3A_1405 : vector<16xi32> to vector<16xi32>
        %shift_right_logical3A_1407 = arith.constant 15 : i32
        %shift_right_logical3A_1408 = vector.broadcast %shift_right_logical3A_1407 : i32 to vector<16xi32>
        %shift_right_logical3A_1409 = arith.shrui %get3A_1406, %shift_right_logical3A_1408 : vector<16xi32>
        %swap3A_1410 = arith.constant 64 : index
        %swap3A_1411 = tpu.vector_load %arg11[%swap3A_1410] {strides = array<i32>} : memref<80xi32, #tpu.memory_space<vmem>>, vector<16xi32>,
        %swap3A_1412 = vector.shape_cast %swap3A_1411 : vector<16xi32> to vector<16xi32>
        %swap3A_1413 = vector.shape_cast %shift_right_logical3A_1409 : vector<16xi32> to vector<16xi32>
        tpu.vector_store %arg11[%swap3A_1410], %swap3A_1413 {strides = array<i32>} : memref<80xi32, #tpu.memory_space<vmem>>, vector<16xi32>,
        %and3A_1414 = arith.constant 32767 : i32
        %and3A_1415 = vector.broadcast %and3A_1414 : i32 to vector<16xi32>
        %and3A_1416 = arith.andi %get3A_1406, %and3A_1415 : vector<16xi32>
        %swap3A_1417 = arith.constant 64 : index
        %swap3A_1418 = tpu.vector_load %arg14[%swap3A_1417] {strides = array<i32>} : memref<80xi32, #tpu.memory_space<vmem>>, vector<16xi32>,
        %swap3A_1419 = vector.shape_cast %swap3A_1418 : vector<16xi32> to vector<16xi32>
        %swap3A_1420 = vector.shape_cast %and3A_1416 : vector<16xi32> to vector<16xi32>
        tpu.vector_store %arg14[%swap3A_1417], %swap3A_1420 {strides = array<i32>} : memref<80xi32, #tpu.memory_space<vmem>>, vector<16xi32>,
        %dma_start3A_1421 = arith.constant 0 : i32
        %dma_start3A_1422 = arith.constant 0 : i32
        %dma_start3A_1423 = tpu.memref_slice %arg17[%dma_start3A_1421, %dma_start3A_1422] : memref<80x144xf32, #tpu.memory_space<vmem>> -> memref<40x144xf32, #tpu.memory_space<vmem>>
        %dma_start3A_1424 = arith.constant 0 : i32
        %dma_start3A_1425 = tpu.memref_slice %arg11[%dma_start3A_1424] : memref<80xi32, #tpu.memory_space<vmem>> -> memref<40xi32, #tpu.memory_space<vmem>>
        %dma_start3A_1426 = arith.constant 0 : i32
        %dma_start3A_1427 = arith.constant 0 : i32
        %dma_start3A_1428 = tpu.memref_slice %arg2[%dma_start3A_1426, %dma_start3A_1427] : memref<20000x144xf32, #tpu.memory_space<hbm>> -> memref<20000x144xf32, #tpu.memory_space<hbm>>
        tpu.enqueue_indirect_dma source(%dma_start3A_1428 : memref<20000x144xf32, #tpu.memory_space<hbm>>) target(%dma_start3A_1423 : memref<40x144xf32, #tpu.memory_space<vmem>>) offsets(%dma_start3A_1425 : memref<40xi32, #tpu.memory_space<vmem>>) semaphore(%arg23 : memref<!tpu.dma_semaphore, #tpu.memory_space<semaphore_mem>>)
        %dma_start3A_1429 = arith.constant 40 : i32
        %dma_start3A_1430 = arith.constant 0 : i32
        %dma_start3A_1431 = tpu.memref_slice %arg17[%dma_start3A_1429, %dma_start3A_1430] : memref<80x144xf32, #tpu.memory_space<vmem>> -> memref<40x144xf32, #tpu.memory_space<vmem>>
        %dma_start3A_1432 = arith.constant 40 : i32
        %dma_start3A_1433 = tpu.memref_slice %arg11[%dma_start3A_1432] : memref<80xi32, #tpu.memory_space<vmem>> -> memref<40xi32, #tpu.memory_space<vmem>>
        %dma_start3A_1434 = arith.constant 0 : i32
        %dma_start3A_1435 = arith.constant 0 : i32
        %dma_start3A_1436 = tpu.memref_slice %arg2[%dma_start3A_1434, %dma_start3A_1435] : memref<20000x144xf32, #tpu.memory_space<hbm>> -> memref<20000x144xf32, #tpu.memory_space<hbm>>
        tpu.enqueue_indirect_dma source(%dma_start3A_1436 : memref<20000x144xf32, #tpu.memory_space<hbm>>) target(%dma_start3A_1431 : memref<40x144xf32, #tpu.memory_space<vmem>>) offsets(%dma_start3A_1433 : memref<40xi32, #tpu.memory_space<vmem>>) semaphore(%arg23 : memref<!tpu.dma_semaphore, #tpu.memory_space<semaphore_mem>>)
      } else {
      }
    }
    %scan3A_488 = arith.constant 41 : i32
    %dma_wait3A_489 = arith.constant 0 : i32
    %dma_wait3A_490 = arith.constant 0 : i32
    %dma_wait3A_491 = tpu.memref_slice %arg15[%dma_wait3A_489, %dma_wait3A_490] : memref<80x144xf32, #tpu.memory_space<vmem>> -> memref<40x144xf32, #tpu.memory_space<vmem>>
    %dma_wait3A_492 = arith.constant 0 : i32
    %dma_wait3A_493 = tpu.memref_slice %arg9[%dma_wait3A_492] : memref<80xi32, #tpu.memory_space<vmem>> -> memref<40xi32, #tpu.memory_space<vmem>>
    %dma_wait3A_494 = arith.constant 0 : i32
    %dma_wait3A_495 = arith.constant 0 : i32
    %dma_wait3A_496 = tpu.memref_slice %arg2[%dma_wait3A_494, %dma_wait3A_495] : memref<20000x144xf32, #tpu.memory_space<hbm>> -> memref<20000x144xf32, #tpu.memory_space<hbm>>
    tpu.wait_indirect_dma semaphore(%arg21 : memref<!tpu.dma_semaphore, #tpu.memory_space<semaphore_mem>>) src(%dma_wait3A_496 : memref<20000x144xf32, #tpu.memory_space<hbm>>) dst(%dma_wait3A_491 : memref<40x144xf32, #tpu.memory_space<vmem>>)
    %dma_wait3A_497 = arith.constant 40 : i32
    %dma_wait3A_498 = arith.constant 0 : i32
    %dma_wait3A_499 = tpu.memref_slice %arg15[%dma_wait3A_497, %dma_wait3A_498] : memref<80x144xf32, #tpu.memory_space<vmem>> -> memref<40x144xf32, #tpu.memory_space<vmem>>
    %dma_wait3A_500 = arith.constant 40 : i32
    %dma_wait3A_501 = tpu.memref_slice %arg9[%dma_wait3A_500] : memref<80xi32, #tpu.memory_space<vmem>> -> memref<40xi32, #tpu.memory_space<vmem>>
    %dma_wait3A_502 = arith.constant 0 : i32
    %dma_wait3A_503 = arith.constant 0 : i32
    %dma_wait3A_504 = tpu.memref_slice %arg2[%dma_wait3A_502, %dma_wait3A_503] : memref<20000x144xf32, #tpu.memory_space<hbm>> -> memref<20000x144xf32, #tpu.memory_space<hbm>>
    tpu.wait_indirect_dma semaphore(%arg21 : memref<!tpu.dma_semaphore, #tpu.memory_space<semaphore_mem>>) src(%dma_wait3A_504 : memref<20000x144xf32, #tpu.memory_space<hbm>>) dst(%dma_wait3A_499 : memref<40x144xf32, #tpu.memory_space<vmem>>)
    %dma_start3A_505 = arith.constant 0 : i32
    %dma_start3A_506 = arith.constant 0 : i32
    %dma_start3A_507 = tpu.memref_slice %arg5[%dma_start3A_505, %dma_start3A_506] : memref<10000x144xf32, #tpu.memory_space<vmem_shared>> -> memref<10000x144xf32, #tpu.memory_space<vmem_shared>>
    tpu.enqueue_indirect_dma source(%arg15 : memref<80x144xf32, #tpu.memory_space<vmem>>) target(%dma_start3A_507 : memref<10000x144xf32, #tpu.memory_space<vmem_shared>>) offsets(%arg12 : memref<80xi32, #tpu.memory_space<vmem>>) semaphore(%arg24 : memref<!tpu.dma_semaphore, #tpu.memory_space<semaphore_mem>>) {add = true}
    %dma_wait3A_508 = arith.constant 0 : i32
    %dma_wait3A_509 = arith.constant 0 : i32
    %dma_wait3A_510 = tpu.memref_slice %arg16[%dma_wait3A_508, %dma_wait3A_509] : memref<80x144xf32, #tpu.memory_space<vmem>> -> memref<40x144xf32, #tpu.memory_space<vmem>>
    %dma_wait3A_511 = arith.constant 0 : i32
    %dma_wait3A_512 = tpu.memref_slice %arg10[%dma_wait3A_511] : memref<80xi32, #tpu.memory_space<vmem>> -> memref<40xi32, #tpu.memory_space<vmem>>
    %dma_wait3A_513 = arith.constant 0 : i32
    %dma_wait3A_514 = arith.constant 0 : i32
    %dma_wait3A_515 = tpu.memref_slice %arg2[%dma_wait3A_513, %dma_wait3A_514] : memref<20000x144xf32, #tpu.memory_space<hbm>> -> memref<20000x144xf32, #tpu.memory_space<hbm>>
    tpu.wait_indirect_dma semaphore(%arg22 : memref<!tpu.dma_semaphore, #tpu.memory_space<semaphore_mem>>) src(%dma_wait3A_515 : memref<20000x144xf32, #tpu.memory_space<hbm>>) dst(%dma_wait3A_510 : memref<40x144xf32, #tpu.memory_space<vmem>>)
    %dma_wait3A_516 = arith.constant 40 : i32
    %dma_wait3A_517 = arith.constant 0 : i32
    %dma_wait3A_518 = tpu.memref_slice %arg16[%dma_wait3A_516, %dma_wait3A_517] : memref<80x144xf32, #tpu.memory_space<vmem>> -> memref<40x144xf32, #tpu.memory_space<vmem>>
    %dma_wait3A_519 = arith.constant 40 : i32
    %dma_wait3A_520 = tpu.memref_slice %arg10[%dma_wait3A_519] : memref<80xi32, #tpu.memory_space<vmem>> -> memref<40xi32, #tpu.memory_space<vmem>>
    %dma_wait3A_521 = arith.constant 0 : i32
    %dma_wait3A_522 = arith.constant 0 : i32
    %dma_wait3A_523 = tpu.memref_slice %arg2[%dma_wait3A_521, %dma_wait3A_522] : memref<20000x144xf32, #tpu.memory_space<hbm>> -> memref<20000x144xf32, #tpu.memory_space<hbm>>
    tpu.wait_indirect_dma semaphore(%arg22 : memref<!tpu.dma_semaphore, #tpu.memory_space<semaphore_mem>>) src(%dma_wait3A_523 : memref<20000x144xf32, #tpu.memory_space<hbm>>) dst(%dma_wait3A_518 : memref<40x144xf32, #tpu.memory_space<vmem>>)
    %dma_start3A_524 = arith.constant 0 : i32
    %dma_start3A_525 = arith.constant 0 : i32
    %dma_start3A_526 = tpu.memref_slice %arg5[%dma_start3A_524, %dma_start3A_525] : memref<10000x144xf32, #tpu.memory_space<vmem_shared>> -> memref<10000x144xf32, #tpu.memory_space<vmem_shared>>
    tpu.enqueue_indirect_dma source(%arg16 : memref<80x144xf32, #tpu.memory_space<vmem>>) target(%dma_start3A_526 : memref<10000x144xf32, #tpu.memory_space<vmem_shared>>) offsets(%arg13 : memref<80xi32, #tpu.memory_space<vmem>>) semaphore(%arg25 : memref<!tpu.dma_semaphore, #tpu.memory_space<semaphore_mem>>) {add = true}
    %dma_wait3A_527 = arith.constant 0 : i32
    %dma_wait3A_528 = arith.constant 0 : i32
    %dma_wait3A_529 = tpu.memref_slice %arg5[%dma_wait3A_527, %dma_wait3A_528] : memref<10000x144xf32, #tpu.memory_space<vmem_shared>> -> memref<10000x144xf32, #tpu.memory_space<vmem_shared>>
    tpu.wait_indirect_dma semaphore(%arg24 : memref<!tpu.dma_semaphore, #tpu.memory_space<semaphore_mem>>) src(%arg15 : memref<80x144xf32, #tpu.memory_space<vmem>>) dst(%dma_wait3A_529 : memref<10000x144xf32, #tpu.memory_space<vmem_shared>>)
    %dma_wait3A_530 = arith.constant 0 : i32
    %dma_wait3A_531 = arith.constant 0 : i32
    %dma_wait3A_532 = tpu.memref_slice %arg5[%dma_wait3A_530, %dma_wait3A_531] : memref<10000x144xf32, #tpu.memory_space<vmem_shared>> -> memref<10000x144xf32, #tpu.memory_space<vmem_shared>>
    tpu.wait_indirect_dma semaphore(%arg25 : memref<!tpu.dma_semaphore, #tpu.memory_space<semaphore_mem>>) src(%arg16 : memref<80x144xf32, #tpu.memory_space<vmem>>) dst(%dma_wait3A_532 : memref<10000x144xf32, #tpu.memory_space<vmem_shared>>)
    %barrier3A_533 = arith.constant 0 : index
    tpu.barrier barrier_id(%barrier3A_533)
    %mul3A_534 = arith.constant 625 : i32
    %mul3A_535 = arith.muli %arg1, %mul3A_534 : i32
    %add3A_536 = arith.constant 0 : i32
    %add3A_537 = arith.addi %mul3A_535, %add3A_536 : i32
    %mul3A_538 = arith.constant 10000 : i32
    %mul3A_539 = arith.muli %arg0, %mul3A_538 : i32
    %mul3A_540 = arith.constant 625 : i32
    %mul3A_541 = arith.muli %arg1, %mul3A_540 : i32
    %add3A_542 = arith.addi %mul3A_539, %mul3A_541 : i32
    %add3A_543 = arith.constant 0 : i32
    %add3A_544 = arith.addi %add3A_542, %add3A_543 : i32
    %dma_start3A_545 = arith.constant 0 : i32
    %dma_start3A_546 = arith.constant 0 : i32
    %dma_start3A_547 = tpu.memref_slice %arg15[%dma_start3A_545, %dma_start3A_546] : memref<80x144xf32, #tpu.memory_space<vmem>> -> memref<80x144xf32, #tpu.memory_space<vmem>>
    %dma_start3A_548 = arith.constant 0 : i32
    %dma_start3A_549 = tpu.memref_slice %arg5[%add3A_537, %dma_start3A_548] : memref<10000x144xf32, #tpu.memory_space<vmem_shared>> -> memref<80x144xf32, #tpu.memory_space<vmem_shared>>
    %dma_start3A_550 = arith.constant 0 : i32
    %dma_start3A_551 = arith.constant 0 : i32
    %dma_start3A_552 = tpu.memref_slice %arg15[%dma_start3A_550, %dma_start3A_551] : memref<80x144xf32, #tpu.memory_space<vmem>> -> memref<80x144xf32, #tpu.memory_space<vmem>>
    %dma_start3A_553 = arith.constant 0 : i32
    %dma_start3A_554 = tpu.memref_slice %arg5[%add3A_537, %dma_start3A_553] : memref<10000x144xf32, #tpu.memory_space<vmem_shared>> -> memref<80x144xf32, #tpu.memory_space<vmem_shared>>
    tpu.enqueue_dma source(%dma_start3A_554 : memref<80x144xf32, #tpu.memory_space<vmem_shared>>) target(%dma_start3A_552 : memref<80x144xf32, #tpu.memory_space<vmem>>) target_semaphore(%arg21 : memref<!tpu.dma_semaphore, #tpu.memory_space<semaphore_mem>>)
    %mul3A_555 = arith.constant 625 : i32
    %mul3A_556 = arith.muli %arg1, %mul3A_555 : i32
    %add3A_557 = arith.constant 80 : i32
    %add3A_558 = arith.addi %mul3A_556, %add3A_557 : i32
    %mul3A_559 = arith.constant 10000 : i32
    %mul3A_560 = arith.muli %arg0, %mul3A_559 : i32
    %mul3A_561 = arith.constant 625 : i32
    %mul3A_562 = arith.muli %arg1, %mul3A_561 : i32
    %add3A_563 = arith.addi %mul3A_560, %mul3A_562 : i32
    %add3A_564 = arith.constant 80 : i32
    %add3A_565 = arith.addi %add3A_563, %add3A_564 : i32
    %dma_start3A_566 = arith.constant 0 : i32
    %dma_start3A_567 = arith.constant 0 : i32
    %dma_start3A_568 = tpu.memref_slice %arg16[%dma_start3A_566, %dma_start3A_567] : memref<80x144xf32, #tpu.memory_space<vmem>> -> memref<80x144xf32, #tpu.memory_space<vmem>>
    %dma_start3A_569 = arith.constant 0 : i32
    %dma_start3A_570 = tpu.memref_slice %arg5[%add3A_558, %dma_start3A_569] : memref<10000x144xf32, #tpu.memory_space<vmem_shared>> -> memref<80x144xf32, #tpu.memory_space<vmem_shared>>
    %dma_start3A_571 = arith.constant 0 : i32
    %dma_start3A_572 = arith.constant 0 : i32
    %dma_start3A_573 = tpu.memref_slice %arg16[%dma_start3A_571, %dma_start3A_572] : memref<80x144xf32, #tpu.memory_space<vmem>> -> memref<80x144xf32, #tpu.memory_space<vmem>>
    %dma_start3A_574 = arith.constant 0 : i32
    %dma_start3A_575 = tpu.memref_slice %arg5[%add3A_558, %dma_start3A_574] : memref<10000x144xf32, #tpu.memory_space<vmem_shared>> -> memref<80x144xf32, #tpu.memory_space<vmem_shared>>
    tpu.enqueue_dma source(%dma_start3A_575 : memref<80x144xf32, #tpu.memory_space<vmem_shared>>) target(%dma_start3A_573 : memref<80x144xf32, #tpu.memory_space<vmem>>) target_semaphore(%arg22 : memref<!tpu.dma_semaphore, #tpu.memory_space<semaphore_mem>>)
    %mul3A_576 = arith.constant 625 : i32
    %mul3A_577 = arith.muli %arg1, %mul3A_576 : i32
    %add3A_578 = arith.constant 0 : i32
    %add3A_579 = arith.addi %mul3A_577, %add3A_578 : i32
    %mul3A_580 = arith.constant 10000 : i32
    %mul3A_581 = arith.muli %arg0, %mul3A_580 : i32
    %mul3A_582 = arith.constant 625 : i32
    %mul3A_583 = arith.muli %arg1, %mul3A_582 : i32
    %add3A_584 = arith.addi %mul3A_581, %mul3A_583 : i32
    %add3A_585 = arith.constant 0 : i32
    %add3A_586 = arith.addi %add3A_584, %add3A_585 : i32
    %dma_wait3A_587 = arith.constant 0 : i32
    %dma_wait3A_588 = arith.constant 0 : i32
    %dma_wait3A_589 = tpu.memref_slice %arg15[%dma_wait3A_587, %dma_wait3A_588] : memref<80x144xf32, #tpu.memory_space<vmem>> -> memref<80x144xf32, #tpu.memory_space<vmem>>
    %dma_wait3A_590 = arith.constant 0 : i32
    %dma_wait3A_591 = tpu.memref_slice %arg5[%add3A_579, %dma_wait3A_590] : memref<10000x144xf32, #tpu.memory_space<vmem_shared>> -> memref<80x144xf32, #tpu.memory_space<vmem_shared>>
    %dma_wait3A_592 = arith.constant 0 : i32
    %dma_wait3A_593 = arith.constant 0 : i32
    %dma_wait3A_594 = tpu.memref_slice %arg15[%dma_wait3A_592, %dma_wait3A_593] : memref<80x144xf32, #tpu.memory_space<vmem>> -> memref<80x144xf32, #tpu.memory_space<vmem>>
    %dma_wait3A_595 = arith.constant 0 : i32
    %dma_wait3A_596 = tpu.memref_slice %arg5[%add3A_579, %dma_wait3A_595] : memref<10000x144xf32, #tpu.memory_space<vmem_shared>> -> memref<80x144xf32, #tpu.memory_space<vmem_shared>>
    tpu.wait_dma2 semaphore(%arg21 : memref<!tpu.dma_semaphore, #tpu.memory_space<semaphore_mem>>) src(%dma_wait3A_596 : memref<80x144xf32, #tpu.memory_space<vmem_shared>>) dst(%dma_wait3A_594 : memref<80x144xf32, #tpu.memory_space<vmem>>)
    %mul3A_597 = arith.constant 625 : i32
    %mul3A_598 = arith.muli %arg1, %mul3A_597 : i32
    %add3A_599 = arith.constant 0 : i32
    %add3A_600 = arith.addi %mul3A_598, %add3A_599 : i32
    %mul3A_601 = arith.constant 10000 : i32
    %mul3A_602 = arith.muli %arg0, %mul3A_601 : i32
    %mul3A_603 = arith.constant 625 : i32
    %mul3A_604 = arith.muli %arg1, %mul3A_603 : i32
    %add3A_605 = arith.addi %mul3A_602, %mul3A_604 : i32
    %add3A_606 = arith.constant 0 : i32
    %add3A_607 = arith.addi %add3A_605, %add3A_606 : i32
    %dma_start3A_608 = arith.constant 0 : i32
    %dma_start3A_609 = arith.constant 0 : i32
    %dma_start3A_610 = tpu.memref_slice %arg15[%dma_start3A_608, %dma_start3A_609] : memref<80x144xf32, #tpu.memory_space<vmem>> -> memref<80x144xf32, #tpu.memory_space<vmem>>
    %dma_start3A_611 = arith.constant 0 : i32
    %dma_start3A_612 = tpu.memref_slice %arg4[%add3A_607, %dma_start3A_611] : memref<20000x144xf32, #tpu.memory_space<hbm>> -> memref<80x144xf32, #tpu.memory_space<hbm>>
    %dma_start3A_613 = arith.constant 0 : i32
    %dma_start3A_614 = tpu.memref_slice %arg4[%add3A_607, %dma_start3A_613] : memref<20000x144xf32, #tpu.memory_space<hbm>> -> memref<80x144xf32, #tpu.memory_space<hbm>>
    %dma_start3A_615 = arith.constant 0 : i32
    %dma_start3A_616 = arith.constant 0 : i32
    %dma_start3A_617 = tpu.memref_slice %arg15[%dma_start3A_615, %dma_start3A_616] : memref<80x144xf32, #tpu.memory_space<vmem>> -> memref<80x144xf32, #tpu.memory_space<vmem>>
    tpu.enqueue_dma source(%dma_start3A_617 : memref<80x144xf32, #tpu.memory_space<vmem>>) target(%dma_start3A_614 : memref<80x144xf32, #tpu.memory_space<hbm>>) target_semaphore(%arg24 : memref<!tpu.dma_semaphore, #tpu.memory_space<semaphore_mem>>)
    %mul3A_618 = arith.constant 625 : i32
    %mul3A_619 = arith.muli %arg1, %mul3A_618 : i32
    %add3A_620 = arith.constant 160 : i32
    %add3A_621 = arith.addi %mul3A_619, %add3A_620 : i32
    %mul3A_622 = arith.constant 10000 : i32
    %mul3A_623 = arith.muli %arg0, %mul3A_622 : i32
    %mul3A_624 = arith.constant 625 : i32
    %mul3A_625 = arith.muli %arg1, %mul3A_624 : i32
    %add3A_626 = arith.addi %mul3A_623, %mul3A_625 : i32
    %add3A_627 = arith.constant 160 : i32
    %add3A_628 = arith.addi %add3A_626, %add3A_627 : i32
    %dma_start3A_629 = arith.constant 0 : i32
    %dma_start3A_630 = arith.constant 0 : i32
    %dma_start3A_631 = tpu.memref_slice %arg17[%dma_start3A_629, %dma_start3A_630] : memref<80x144xf32, #tpu.memory_space<vmem>> -> memref<80x144xf32, #tpu.memory_space<vmem>>
    %dma_start3A_632 = arith.constant 0 : i32
    %dma_start3A_633 = tpu.memref_slice %arg5[%add3A_621, %dma_start3A_632] : memref<10000x144xf32, #tpu.memory_space<vmem_shared>> -> memref<80x144xf32, #tpu.memory_space<vmem_shared>>
    %dma_start3A_634 = arith.constant 0 : i32
    %dma_start3A_635 = arith.constant 0 : i32
    %dma_start3A_636 = tpu.memref_slice %arg17[%dma_start3A_634, %dma_start3A_635] : memref<80x144xf32, #tpu.memory_space<vmem>> -> memref<80x144xf32, #tpu.memory_space<vmem>>
    %dma_start3A_637 = arith.constant 0 : i32
    %dma_start3A_638 = tpu.memref_slice %arg5[%add3A_621, %dma_start3A_637] : memref<10000x144xf32, #tpu.memory_space<vmem_shared>> -> memref<80x144xf32, #tpu.memory_space<vmem_shared>>
    tpu.enqueue_dma source(%dma_start3A_638 : memref<80x144xf32, #tpu.memory_space<vmem_shared>>) target(%dma_start3A_636 : memref<80x144xf32, #tpu.memory_space<vmem>>) target_semaphore(%arg23 : memref<!tpu.dma_semaphore, #tpu.memory_space<semaphore_mem>>)
    %mul3A_639 = arith.constant 625 : i32
    %mul3A_640 = arith.muli %arg1, %mul3A_639 : i32
    %add3A_641 = arith.constant 80 : i32
    %add3A_642 = arith.addi %mul3A_640, %add3A_641 : i32
    %mul3A_643 = arith.constant 10000 : i32
    %mul3A_644 = arith.muli %arg0, %mul3A_643 : i32
    %mul3A_645 = arith.constant 625 : i32
    %mul3A_646 = arith.muli %arg1, %mul3A_645 : i32
    %add3A_647 = arith.addi %mul3A_644, %mul3A_646 : i32
    %add3A_648 = arith.constant 80 : i32
    %add3A_649 = arith.addi %add3A_647, %add3A_648 : i32
    %dma_wait3A_650 = arith.constant 0 : i32
    %dma_wait3A_651 = arith.constant 0 : i32
    %dma_wait3A_652 = tpu.memref_slice %arg16[%dma_wait3A_650, %dma_wait3A_651] : memref<80x144xf32, #tpu.memory_space<vmem>> -> memref<80x144xf32, #tpu.memory_space<vmem>>
    %dma_wait3A_653 = arith.constant 0 : i32
    %dma_wait3A_654 = tpu.memref_slice %arg5[%add3A_642, %dma_wait3A_653] : memref<10000x144xf32, #tpu.memory_space<vmem_shared>> -> memref<80x144xf32, #tpu.memory_space<vmem_shared>>
    %dma_wait3A_655 = arith.constant 0 : i32
    %dma_wait3A_656 = arith.constant 0 : i32
    %dma_wait3A_657 = tpu.memref_slice %arg16[%dma_wait3A_655, %dma_wait3A_656] : memref<80x144xf32, #tpu.memory_space<vmem>> -> memref<80x144xf32, #tpu.memory_space<vmem>>
    %dma_wait3A_658 = arith.constant 0 : i32
    %dma_wait3A_659 = tpu.memref_slice %arg5[%add3A_642, %dma_wait3A_658] : memref<10000x144xf32, #tpu.memory_space<vmem_shared>> -> memref<80x144xf32, #tpu.memory_space<vmem_shared>>
    tpu.wait_dma2 semaphore(%arg22 : memref<!tpu.dma_semaphore, #tpu.memory_space<semaphore_mem>>) src(%dma_wait3A_659 : memref<80x144xf32, #tpu.memory_space<vmem_shared>>) dst(%dma_wait3A_657 : memref<80x144xf32, #tpu.memory_space<vmem>>)
    %mul3A_660 = arith.constant 625 : i32
    %mul3A_661 = arith.muli %arg1, %mul3A_660 : i32
    %add3A_662 = arith.constant 80 : i32
    %add3A_663 = arith.addi %mul3A_661, %add3A_662 : i32
    %mul3A_664 = arith.constant 10000 : i32
    %mul3A_665 = arith.muli %arg0, %mul3A_664 : i32
    %mul3A_666 = arith.constant 625 : i32
    %mul3A_667 = arith.muli %arg1, %mul3A_666 : i32
    %add3A_668 = arith.addi %mul3A_665, %mul3A_667 : i32
    %add3A_669 = arith.constant 80 : i32
    %add3A_670 = arith.addi %add3A_668, %add3A_669 : i32
    %dma_start3A_671 = arith.constant 0 : i32
    %dma_start3A_672 = arith.constant 0 : i32
    %dma_start3A_673 = tpu.memref_slice %arg16[%dma_start3A_671, %dma_start3A_672] : memref<80x144xf32, #tpu.memory_space<vmem>> -> memref<80x144xf32, #tpu.memory_space<vmem>>
    %dma_start3A_674 = arith.constant 0 : i32
    %dma_start3A_675 = tpu.memref_slice %arg4[%add3A_670, %dma_start3A_674] : memref<20000x144xf32, #tpu.memory_space<hbm>> -> memref<80x144xf32, #tpu.memory_space<hbm>>
    %dma_start3A_676 = arith.constant 0 : i32
    %dma_start3A_677 = tpu.memref_slice %arg4[%add3A_670, %dma_start3A_676] : memref<20000x144xf32, #tpu.memory_space<hbm>> -> memref<80x144xf32, #tpu.memory_space<hbm>>
    %dma_start3A_678 = arith.constant 0 : i32
    %dma_start3A_679 = arith.constant 0 : i32
    %dma_start3A_680 = tpu.memref_slice %arg16[%dma_start3A_678, %dma_start3A_679] : memref<80x144xf32, #tpu.memory_space<vmem>> -> memref<80x144xf32, #tpu.memory_space<vmem>>
    tpu.enqueue_dma source(%dma_start3A_680 : memref<80x144xf32, #tpu.memory_space<vmem>>) target(%dma_start3A_677 : memref<80x144xf32, #tpu.memory_space<hbm>>) target_semaphore(%arg25 : memref<!tpu.dma_semaphore, #tpu.memory_space<semaphore_mem>>)
    %mul3A_681 = arith.constant 625 : i32
    %mul3A_682 = arith.muli %arg1, %mul3A_681 : i32
    %add3A_683 = arith.constant 0 : i32
    %add3A_684 = arith.addi %mul3A_682, %add3A_683 : i32
    %mul3A_685 = arith.constant 10000 : i32
    %mul3A_686 = arith.muli %arg0, %mul3A_685 : i32
    %mul3A_687 = arith.constant 625 : i32
    %mul3A_688 = arith.muli %arg1, %mul3A_687 : i32
    %add3A_689 = arith.addi %mul3A_686, %mul3A_688 : i32
    %add3A_690 = arith.constant 0 : i32
    %add3A_691 = arith.addi %add3A_689, %add3A_690 : i32
    %dma_wait3A_692 = arith.constant 0 : i32
    %dma_wait3A_693 = arith.constant 0 : i32
    %dma_wait3A_694 = tpu.memref_slice %arg15[%dma_wait3A_692, %dma_wait3A_693] : memref<80x144xf32, #tpu.memory_space<vmem>> -> memref<80x144xf32, #tpu.memory_space<vmem>>
    %dma_wait3A_695 = arith.constant 0 : i32
    %dma_wait3A_696 = tpu.memref_slice %arg4[%add3A_691, %dma_wait3A_695] : memref<20000x144xf32, #tpu.memory_space<hbm>> -> memref<80x144xf32, #tpu.memory_space<hbm>>
    %dma_wait3A_697 = arith.constant 0 : i32
    %dma_wait3A_698 = tpu.memref_slice %arg4[%add3A_691, %dma_wait3A_697] : memref<20000x144xf32, #tpu.memory_space<hbm>> -> memref<80x144xf32, #tpu.memory_space<hbm>>
    %dma_wait3A_699 = arith.constant 0 : i32
    %dma_wait3A_700 = arith.constant 0 : i32
    %dma_wait3A_701 = tpu.memref_slice %arg15[%dma_wait3A_699, %dma_wait3A_700] : memref<80x144xf32, #tpu.memory_space<vmem>> -> memref<80x144xf32, #tpu.memory_space<vmem>>
    tpu.wait_dma2 semaphore(%arg24 : memref<!tpu.dma_semaphore, #tpu.memory_space<semaphore_mem>>) src(%dma_wait3A_701 : memref<80x144xf32, #tpu.memory_space<vmem>>) dst(%dma_wait3A_698 : memref<80x144xf32, #tpu.memory_space<hbm>>)
    %mul3A_702 = arith.constant 625 : i32
    %mul3A_703 = arith.muli %arg1, %mul3A_702 : i32
    %add3A_704 = arith.constant 240 : i32
    %add3A_705 = arith.addi %mul3A_703, %add3A_704 : i32
    %mul3A_706 = arith.constant 10000 : i32
    %mul3A_707 = arith.muli %arg0, %mul3A_706 : i32
    %mul3A_708 = arith.constant 625 : i32
    %mul3A_709 = arith.muli %arg1, %mul3A_708 : i32
    %add3A_710 = arith.addi %mul3A_707, %mul3A_709 : i32
    %add3A_711 = arith.constant 240 : i32
    %add3A_712 = arith.addi %add3A_710, %add3A_711 : i32
    %dma_start3A_713 = arith.constant 0 : i32
    %dma_start3A_714 = arith.constant 0 : i32
    %dma_start3A_715 = tpu.memref_slice %arg15[%dma_start3A_713, %dma_start3A_714] : memref<80x144xf32, #tpu.memory_space<vmem>> -> memref<80x144xf32, #tpu.memory_space<vmem>>
    %dma_start3A_716 = arith.constant 0 : i32
    %dma_start3A_717 = tpu.memref_slice %arg5[%add3A_705, %dma_start3A_716] : memref<10000x144xf32, #tpu.memory_space<vmem_shared>> -> memref<80x144xf32, #tpu.memory_space<vmem_shared>>
    %dma_start3A_718 = arith.constant 0 : i32
    %dma_start3A_719 = arith.constant 0 : i32
    %dma_start3A_720 = tpu.memref_slice %arg15[%dma_start3A_718, %dma_start3A_719] : memref<80x144xf32, #tpu.memory_space<vmem>> -> memref<80x144xf32, #tpu.memory_space<vmem>>
    %dma_start3A_721 = arith.constant 0 : i32
    %dma_start3A_722 = tpu.memref_slice %arg5[%add3A_705, %dma_start3A_721] : memref<10000x144xf32, #tpu.memory_space<vmem_shared>> -> memref<80x144xf32, #tpu.memory_space<vmem_shared>>
    tpu.enqueue_dma source(%dma_start3A_722 : memref<80x144xf32, #tpu.memory_space<vmem_shared>>) target(%dma_start3A_720 : memref<80x144xf32, #tpu.memory_space<vmem>>) target_semaphore(%arg21 : memref<!tpu.dma_semaphore, #tpu.memory_space<semaphore_mem>>)
    %mul3A_723 = arith.constant 625 : i32
    %mul3A_724 = arith.muli %arg1, %mul3A_723 : i32
    %add3A_725 = arith.constant 160 : i32
    %add3A_726 = arith.addi %mul3A_724, %add3A_725 : i32
    %mul3A_727 = arith.constant 10000 : i32
    %mul3A_728 = arith.muli %arg0, %mul3A_727 : i32
    %mul3A_729 = arith.constant 625 : i32
    %mul3A_730 = arith.muli %arg1, %mul3A_729 : i32
    %add3A_731 = arith.addi %mul3A_728, %mul3A_730 : i32
    %add3A_732 = arith.constant 160 : i32
    %add3A_733 = arith.addi %add3A_731, %add3A_732 : i32
    %dma_wait3A_734 = arith.constant 0 : i32
    %dma_wait3A_735 = arith.constant 0 : i32
    %dma_wait3A_736 = tpu.memref_slice %arg17[%dma_wait3A_734, %dma_wait3A_735] : memref<80x144xf32, #tpu.memory_space<vmem>> -> memref<80x144xf32, #tpu.memory_space<vmem>>
    %dma_wait3A_737 = arith.constant 0 : i32
    %dma_wait3A_738 = tpu.memref_slice %arg5[%add3A_726, %dma_wait3A_737] : memref<10000x144xf32, #tpu.memory_space<vmem_shared>> -> memref<80x144xf32, #tpu.memory_space<vmem_shared>>
    %dma_wait3A_739 = arith.constant 0 : i32
    %dma_wait3A_740 = arith.constant 0 : i32
    %dma_wait3A_741 = tpu.memref_slice %arg17[%dma_wait3A_739, %dma_wait3A_740] : memref<80x144xf32, #tpu.memory_space<vmem>> -> memref<80x144xf32, #tpu.memory_space<vmem>>
    %dma_wait3A_742 = arith.constant 0 : i32
    %dma_wait3A_743 = tpu.memref_slice %arg5[%add3A_726, %dma_wait3A_742] : memref<10000x144xf32, #tpu.memory_space<vmem_shared>> -> memref<80x144xf32, #tpu.memory_space<vmem_shared>>
    tpu.wait_dma2 semaphore(%arg23 : memref<!tpu.dma_semaphore, #tpu.memory_space<semaphore_mem>>) src(%dma_wait3A_743 : memref<80x144xf32, #tpu.memory_space<vmem_shared>>) dst(%dma_wait3A_741 : memref<80x144xf32, #tpu.memory_space<vmem>>)
    %mul3A_744 = arith.constant 625 : i32
    %mul3A_745 = arith.muli %arg1, %mul3A_744 : i32
    %add3A_746 = arith.constant 160 : i32
    %add3A_747 = arith.addi %mul3A_745, %add3A_746 : i32
    %mul3A_748 = arith.constant 10000 : i32
    %mul3A_749 = arith.muli %arg0, %mul3A_748 : i32
    %mul3A_750 = arith.constant 625 : i32
    %mul3A_751 = arith.muli %arg1, %mul3A_750 : i32
    %add3A_752 = arith.addi %mul3A_749, %mul3A_751 : i32
    %add3A_753 = arith.constant 160 : i32
    %add3A_754 = arith.addi %add3A_752, %add3A_753 : i32
    %dma_start3A_755 = arith.constant 0 : i32
    %dma_start3A_756 = arith.constant 0 : i32
    %dma_start3A_757 = tpu.memref_slice %arg17[%dma_start3A_755, %dma_start3A_756] : memref<80x144xf32, #tpu.memory_space<vmem>> -> memref<80x144xf32, #tpu.memory_space<vmem>>
    %dma_start3A_758 = arith.constant 0 : i32
    %dma_start3A_759 = tpu.memref_slice %arg4[%add3A_754, %dma_start3A_758] : memref<20000x144xf32, #tpu.memory_space<hbm>> -> memref<80x144xf32, #tpu.memory_space<hbm>>
    %dma_start3A_760 = arith.constant 0 : i32
    %dma_start3A_761 = tpu.memref_slice %arg4[%add3A_754, %dma_start3A_760] : memref<20000x144xf32, #tpu.memory_space<hbm>> -> memref<80x144xf32, #tpu.memory_space<hbm>>
    %dma_start3A_762 = arith.constant 0 : i32
    %dma_start3A_763 = arith.constant 0 : i32
    %dma_start3A_764 = tpu.memref_slice %arg17[%dma_start3A_762, %dma_start3A_763] : memref<80x144xf32, #tpu.memory_space<vmem>> -> memref<80x144xf32, #tpu.memory_space<vmem>>
    tpu.enqueue_dma source(%dma_start3A_764 : memref<80x144xf32, #tpu.memory_space<vmem>>) target(%dma_start3A_761 : memref<80x144xf32, #tpu.memory_space<hbm>>) target_semaphore(%arg26 : memref<!tpu.dma_semaphore, #tpu.memory_space<semaphore_mem>>)
    %mul3A_765 = arith.constant 625 : i32
    %mul3A_766 = arith.muli %arg1, %mul3A_765 : i32
    %add3A_767 = arith.constant 80 : i32
    %add3A_768 = arith.addi %mul3A_766, %add3A_767 : i32
    %mul3A_769 = arith.constant 10000 : i32
    %mul3A_770 = arith.muli %arg0, %mul3A_769 : i32
    %mul3A_771 = arith.constant 625 : i32
    %mul3A_772 = arith.muli %arg1, %mul3A_771 : i32
    %add3A_773 = arith.addi %mul3A_770, %mul3A_772 : i32
    %add3A_774 = arith.constant 80 : i32
    %add3A_775 = arith.addi %add3A_773, %add3A_774 : i32
    %dma_wait3A_776 = arith.constant 0 : i32
    %dma_wait3A_777 = arith.constant 0 : i32
    %dma_wait3A_778 = tpu.memref_slice %arg16[%dma_wait3A_776, %dma_wait3A_777] : memref<80x144xf32, #tpu.memory_space<vmem>> -> memref<80x144xf32, #tpu.memory_space<vmem>>
    %dma_wait3A_779 = arith.constant 0 : i32
    %dma_wait3A_780 = tpu.memref_slice %arg4[%add3A_775, %dma_wait3A_779] : memref<20000x144xf32, #tpu.memory_space<hbm>> -> memref<80x144xf32, #tpu.memory_space<hbm>>
    %dma_wait3A_781 = arith.constant 0 : i32
    %dma_wait3A_782 = tpu.memref_slice %arg4[%add3A_775, %dma_wait3A_781] : memref<20000x144xf32, #tpu.memory_space<hbm>> -> memref<80x144xf32, #tpu.memory_space<hbm>>
    %dma_wait3A_783 = arith.constant 0 : i32
    %dma_wait3A_784 = arith.constant 0 : i32
    %dma_wait3A_785 = tpu.memref_slice %arg16[%dma_wait3A_783, %dma_wait3A_784] : memref<80x144xf32, #tpu.memory_space<vmem>> -> memref<80x144xf32, #tpu.memory_space<vmem>>
    tpu.wait_dma2 semaphore(%arg25 : memref<!tpu.dma_semaphore, #tpu.memory_space<semaphore_mem>>) src(%dma_wait3A_785 : memref<80x144xf32, #tpu.memory_space<vmem>>) dst(%dma_wait3A_782 : memref<80x144xf32, #tpu.memory_space<hbm>>)
    %mul3A_786 = arith.constant 625 : i32
    %mul3A_787 = arith.muli %arg1, %mul3A_786 : i32
    %add3A_788 = arith.constant 320 : i32
    %add3A_789 = arith.addi %mul3A_787, %add3A_788 : i32
    %mul3A_790 = arith.constant 10000 : i32
    %mul3A_791 = arith.muli %arg0, %mul3A_790 : i32
    %mul3A_792 = arith.constant 625 : i32
    %mul3A_793 = arith.muli %arg1, %mul3A_792 : i32
    %add3A_794 = arith.addi %mul3A_791, %mul3A_793 : i32
    %add3A_795 = arith.constant 320 : i32
    %add3A_796 = arith.addi %add3A_794, %add3A_795 : i32
    %dma_start3A_797 = arith.constant 0 : i32
    %dma_start3A_798 = arith.constant 0 : i32
    %dma_start3A_799 = tpu.memref_slice %arg16[%dma_start3A_797, %dma_start3A_798] : memref<80x144xf32, #tpu.memory_space<vmem>> -> memref<80x144xf32, #tpu.memory_space<vmem>>
    %dma_start3A_800 = arith.constant 0 : i32
    %dma_start3A_801 = tpu.memref_slice %arg5[%add3A_789, %dma_start3A_800] : memref<10000x144xf32, #tpu.memory_space<vmem_shared>> -> memref<80x144xf32, #tpu.memory_space<vmem_shared>>
    %dma_start3A_802 = arith.constant 0 : i32
    %dma_start3A_803 = arith.constant 0 : i32
    %dma_start3A_804 = tpu.memref_slice %arg16[%dma_start3A_802, %dma_start3A_803] : memref<80x144xf32, #tpu.memory_space<vmem>> -> memref<80x144xf32, #tpu.memory_space<vmem>>
    %dma_start3A_805 = arith.constant 0 : i32
    %dma_start3A_806 = tpu.memref_slice %arg5[%add3A_789, %dma_start3A_805] : memref<10000x144xf32, #tpu.memory_space<vmem_shared>> -> memref<80x144xf32, #tpu.memory_space<vmem_shared>>
    tpu.enqueue_dma source(%dma_start3A_806 : memref<80x144xf32, #tpu.memory_space<vmem_shared>>) target(%dma_start3A_804 : memref<80x144xf32, #tpu.memory_space<vmem>>) target_semaphore(%arg22 : memref<!tpu.dma_semaphore, #tpu.memory_space<semaphore_mem>>)
    %mul3A_807 = arith.constant 625 : i32
    %mul3A_808 = arith.muli %arg1, %mul3A_807 : i32
    %add3A_809 = arith.constant 240 : i32
    %add3A_810 = arith.addi %mul3A_808, %add3A_809 : i32
    %mul3A_811 = arith.constant 10000 : i32
    %mul3A_812 = arith.muli %arg0, %mul3A_811 : i32
    %mul3A_813 = arith.constant 625 : i32
    %mul3A_814 = arith.muli %arg1, %mul3A_813 : i32
    %add3A_815 = arith.addi %mul3A_812, %mul3A_814 : i32
    %add3A_816 = arith.constant 240 : i32
    %add3A_817 = arith.addi %add3A_815, %add3A_816 : i32
    %dma_wait3A_818 = arith.constant 0 : i32
    %dma_wait3A_819 = arith.constant 0 : i32
    %dma_wait3A_820 = tpu.memref_slice %arg15[%dma_wait3A_818, %dma_wait3A_819] : memref<80x144xf32, #tpu.memory_space<vmem>> -> memref<80x144xf32, #tpu.memory_space<vmem>>
    %dma_wait3A_821 = arith.constant 0 : i32
    %dma_wait3A_822 = tpu.memref_slice %arg5[%add3A_810, %dma_wait3A_821] : memref<10000x144xf32, #tpu.memory_space<vmem_shared>> -> memref<80x144xf32, #tpu.memory_space<vmem_shared>>
    %dma_wait3A_823 = arith.constant 0 : i32
    %dma_wait3A_824 = arith.constant 0 : i32
    %dma_wait3A_825 = tpu.memref_slice %arg15[%dma_wait3A_823, %dma_wait3A_824] : memref<80x144xf32, #tpu.memory_space<vmem>> -> memref<80x144xf32, #tpu.memory_space<vmem>>
    %dma_wait3A_826 = arith.constant 0 : i32
    %dma_wait3A_827 = tpu.memref_slice %arg5[%add3A_810, %dma_wait3A_826] : memref<10000x144xf32, #tpu.memory_space<vmem_shared>> -> memref<80x144xf32, #tpu.memory_space<vmem_shared>>
    tpu.wait_dma2 semaphore(%arg21 : memref<!tpu.dma_semaphore, #tpu.memory_space<semaphore_mem>>) src(%dma_wait3A_827 : memref<80x144xf32, #tpu.memory_space<vmem_shared>>) dst(%dma_wait3A_825 : memref<80x144xf32, #tpu.memory_space<vmem>>)
    %mul3A_828 = arith.constant 625 : i32
    %mul3A_829 = arith.muli %arg1, %mul3A_828 : i32
    %add3A_830 = arith.constant 240 : i32
    %add3A_831 = arith.addi %mul3A_829, %add3A_830 : i32
    %mul3A_832 = arith.constant 10000 : i32
    %mul3A_833 = arith.muli %arg0, %mul3A_832 : i32
    %mul3A_834 = arith.constant 625 : i32
    %mul3A_835 = arith.muli %arg1, %mul3A_834 : i32
    %add3A_836 = arith.addi %mul3A_833, %mul3A_835 : i32
    %add3A_837 = arith.constant 240 : i32
    %add3A_838 = arith.addi %add3A_836, %add3A_837 : i32
    %dma_start3A_839 = arith.constant 0 : i32
    %dma_start3A_840 = arith.constant 0 : i32
    %dma_start3A_841 = tpu.memref_slice %arg15[%dma_start3A_839, %dma_start3A_840] : memref<80x144xf32, #tpu.memory_space<vmem>> -> memref<80x144xf32, #tpu.memory_space<vmem>>
    %dma_start3A_842 = arith.constant 0 : i32
    %dma_start3A_843 = tpu.memref_slice %arg4[%add3A_838, %dma_start3A_842] : memref<20000x144xf32, #tpu.memory_space<hbm>> -> memref<80x144xf32, #tpu.memory_space<hbm>>
    %dma_start3A_844 = arith.constant 0 : i32
    %dma_start3A_845 = tpu.memref_slice %arg4[%add3A_838, %dma_start3A_844] : memref<20000x144xf32, #tpu.memory_space<hbm>> -> memref<80x144xf32, #tpu.memory_space<hbm>>
    %dma_start3A_846 = arith.constant 0 : i32
    %dma_start3A_847 = arith.constant 0 : i32
    %dma_start3A_848 = tpu.memref_slice %arg15[%dma_start3A_846, %dma_start3A_847] : memref<80x144xf32, #tpu.memory_space<vmem>> -> memref<80x144xf32, #tpu.memory_space<vmem>>
    tpu.enqueue_dma source(%dma_start3A_848 : memref<80x144xf32, #tpu.memory_space<vmem>>) target(%dma_start3A_845 : memref<80x144xf32, #tpu.memory_space<hbm>>) target_semaphore(%arg24 : memref<!tpu.dma_semaphore, #tpu.memory_space<semaphore_mem>>)
    %mul3A_849 = arith.constant 625 : i32
    %mul3A_850 = arith.muli %arg1, %mul3A_849 : i32
    %add3A_851 = arith.constant 160 : i32
    %add3A_852 = arith.addi %mul3A_850, %add3A_851 : i32
    %mul3A_853 = arith.constant 10000 : i32
    %mul3A_854 = arith.muli %arg0, %mul3A_853 : i32
    %mul3A_855 = arith.constant 625 : i32
    %mul3A_856 = arith.muli %arg1, %mul3A_855 : i32
    %add3A_857 = arith.addi %mul3A_854, %mul3A_856 : i32
    %add3A_858 = arith.constant 160 : i32
    %add3A_859 = arith.addi %add3A_857, %add3A_858 : i32
    %dma_wait3A_860 = arith.constant 0 : i32
    %dma_wait3A_861 = arith.constant 0 : i32
    %dma_wait3A_862 = tpu.memref_slice %arg17[%dma_wait3A_860, %dma_wait3A_861] : memref<80x144xf32, #tpu.memory_space<vmem>> -> memref<80x144xf32, #tpu.memory_space<vmem>>
    %dma_wait3A_863 = arith.constant 0 : i32
    %dma_wait3A_864 = tpu.memref_slice %arg4[%add3A_859, %dma_wait3A_863] : memref<20000x144xf32, #tpu.memory_space<hbm>> -> memref<80x144xf32, #tpu.memory_space<hbm>>
    %dma_wait3A_865 = arith.constant 0 : i32
    %dma_wait3A_866 = tpu.memref_slice %arg4[%add3A_859, %dma_wait3A_865] : memref<20000x144xf32, #tpu.memory_space<hbm>> -> memref<80x144xf32, #tpu.memory_space<hbm>>
    %dma_wait3A_867 = arith.constant 0 : i32
    %dma_wait3A_868 = arith.constant 0 : i32
    %dma_wait3A_869 = tpu.memref_slice %arg17[%dma_wait3A_867, %dma_wait3A_868] : memref<80x144xf32, #tpu.memory_space<vmem>> -> memref<80x144xf32, #tpu.memory_space<vmem>>
    tpu.wait_dma2 semaphore(%arg26 : memref<!tpu.dma_semaphore, #tpu.memory_space<semaphore_mem>>) src(%dma_wait3A_869 : memref<80x144xf32, #tpu.memory_space<vmem>>) dst(%dma_wait3A_866 : memref<80x144xf32, #tpu.memory_space<hbm>>)
    %mul3A_870 = arith.constant 625 : i32
    %mul3A_871 = arith.muli %arg1, %mul3A_870 : i32
    %add3A_872 = arith.constant 400 : i32
    %add3A_873 = arith.addi %mul3A_871, %add3A_872 : i32
    %mul3A_874 = arith.constant 10000 : i32
    %mul3A_875 = arith.muli %arg0, %mul3A_874 : i32
    %mul3A_876 = arith.constant 625 : i32
    %mul3A_877 = arith.muli %arg1, %mul3A_876 : i32
    %add3A_878 = arith.addi %mul3A_875, %mul3A_877 : i32
    %add3A_879 = arith.constant 400 : i32
    %add3A_880 = arith.addi %add3A_878, %add3A_879 : i32
    %dma_start3A_881 = arith.constant 0 : i32
    %dma_start3A_882 = arith.constant 0 : i32
    %dma_start3A_883 = tpu.memref_slice %arg17[%dma_start3A_881, %dma_start3A_882] : memref<80x144xf32, #tpu.memory_space<vmem>> -> memref<80x144xf32, #tpu.memory_space<vmem>>
    %dma_start3A_884 = arith.constant 0 : i32
    %dma_start3A_885 = tpu.memref_slice %arg5[%add3A_873, %dma_start3A_884] : memref<10000x144xf32, #tpu.memory_space<vmem_shared>> -> memref<80x144xf32, #tpu.memory_space<vmem_shared>>
    %dma_start3A_886 = arith.constant 0 : i32
    %dma_start3A_887 = arith.constant 0 : i32
    %dma_start3A_888 = tpu.memref_slice %arg17[%dma_start3A_886, %dma_start3A_887] : memref<80x144xf32, #tpu.memory_space<vmem>> -> memref<80x144xf32, #tpu.memory_space<vmem>>
    %dma_start3A_889 = arith.constant 0 : i32
    %dma_start3A_890 = tpu.memref_slice %arg5[%add3A_873, %dma_start3A_889] : memref<10000x144xf32, #tpu.memory_space<vmem_shared>> -> memref<80x144xf32, #tpu.memory_space<vmem_shared>>
    tpu.enqueue_dma source(%dma_start3A_890 : memref<80x144xf32, #tpu.memory_space<vmem_shared>>) target(%dma_start3A_888 : memref<80x144xf32, #tpu.memory_space<vmem>>) target_semaphore(%arg23 : memref<!tpu.dma_semaphore, #tpu.memory_space<semaphore_mem>>)
    %mul3A_891 = arith.constant 625 : i32
    %mul3A_892 = arith.muli %arg1, %mul3A_891 : i32
    %add3A_893 = arith.constant 320 : i32
    %add3A_894 = arith.addi %mul3A_892, %add3A_893 : i32
    %mul3A_895 = arith.constant 10000 : i32
    %mul3A_896 = arith.muli %arg0, %mul3A_895 : i32
    %mul3A_897 = arith.constant 625 : i32
    %mul3A_898 = arith.muli %arg1, %mul3A_897 : i32
    %add3A_899 = arith.addi %mul3A_896, %mul3A_898 : i32
    %add3A_900 = arith.constant 320 : i32
    %add3A_901 = arith.addi %add3A_899, %add3A_900 : i32
    %dma_wait3A_902 = arith.constant 0 : i32
    %dma_wait3A_903 = arith.constant 0 : i32
    %dma_wait3A_904 = tpu.memref_slice %arg16[%dma_wait3A_902, %dma_wait3A_903] : memref<80x144xf32, #tpu.memory_space<vmem>> -> memref<80x144xf32, #tpu.memory_space<vmem>>
    %dma_wait3A_905 = arith.constant 0 : i32
    %dma_wait3A_906 = tpu.memref_slice %arg5[%add3A_894, %dma_wait3A_905] : memref<10000x144xf32, #tpu.memory_space<vmem_shared>> -> memref<80x144xf32, #tpu.memory_space<vmem_shared>>
    %dma_wait3A_907 = arith.constant 0 : i32
    %dma_wait3A_908 = arith.constant 0 : i32
    %dma_wait3A_909 = tpu.memref_slice %arg16[%dma_wait3A_907, %dma_wait3A_908] : memref<80x144xf32, #tpu.memory_space<vmem>> -> memref<80x144xf32, #tpu.memory_space<vmem>>
    %dma_wait3A_910 = arith.constant 0 : i32
    %dma_wait3A_911 = tpu.memref_slice %arg5[%add3A_894, %dma_wait3A_910] : memref<10000x144xf32, #tpu.memory_space<vmem_shared>> -> memref<80x144xf32, #tpu.memory_space<vmem_shared>>
    tpu.wait_dma2 semaphore(%arg22 : memref<!tpu.dma_semaphore, #tpu.memory_space<semaphore_mem>>) src(%dma_wait3A_911 : memref<80x144xf32, #tpu.memory_space<vmem_shared>>) dst(%dma_wait3A_909 : memref<80x144xf32, #tpu.memory_space<vmem>>)
    %mul3A_912 = arith.constant 625 : i32
    %mul3A_913 = arith.muli %arg1, %mul3A_912 : i32
    %add3A_914 = arith.constant 320 : i32
    %add3A_915 = arith.addi %mul3A_913, %add3A_914 : i32
    %mul3A_916 = arith.constant 10000 : i32
    %mul3A_917 = arith.muli %arg0, %mul3A_916 : i32
    %mul3A_918 = arith.constant 625 : i32
    %mul3A_919 = arith.muli %arg1, %mul3A_918 : i32
    %add3A_920 = arith.addi %mul3A_917, %mul3A_919 : i32
    %add3A_921 = arith.constant 320 : i32
    %add3A_922 = arith.addi %add3A_920, %add3A_921 : i32
    %dma_start3A_923 = arith.constant 0 : i32
    %dma_start3A_924 = arith.constant 0 : i32
    %dma_start3A_925 = tpu.memref_slice %arg16[%dma_start3A_923, %dma_start3A_924] : memref<80x144xf32, #tpu.memory_space<vmem>> -> memref<80x144xf32, #tpu.memory_space<vmem>>
    %dma_start3A_926 = arith.constant 0 : i32
    %dma_start3A_927 = tpu.memref_slice %arg4[%add3A_922, %dma_start3A_926] : memref<20000x144xf32, #tpu.memory_space<hbm>> -> memref<80x144xf32, #tpu.memory_space<hbm>>
    %dma_start3A_928 = arith.constant 0 : i32
    %dma_start3A_929 = tpu.memref_slice %arg4[%add3A_922, %dma_start3A_928] : memref<20000x144xf32, #tpu.memory_space<hbm>> -> memref<80x144xf32, #tpu.memory_space<hbm>>
    %dma_start3A_930 = arith.constant 0 : i32
    %dma_start3A_931 = arith.constant 0 : i32
    %dma_start3A_932 = tpu.memref_slice %arg16[%dma_start3A_930, %dma_start3A_931] : memref<80x144xf32, #tpu.memory_space<vmem>> -> memref<80x144xf32, #tpu.memory_space<vmem>>
    tpu.enqueue_dma source(%dma_start3A_932 : memref<80x144xf32, #tpu.memory_space<vmem>>) target(%dma_start3A_929 : memref<80x144xf32, #tpu.memory_space<hbm>>) target_semaphore(%arg25 : memref<!tpu.dma_semaphore, #tpu.memory_space<semaphore_mem>>)
    %mul3A_933 = arith.constant 625 : i32
    %mul3A_934 = arith.muli %arg1, %mul3A_933 : i32
    %add3A_935 = arith.constant 240 : i32
    %add3A_936 = arith.addi %mul3A_934, %add3A_935 : i32
    %mul3A_937 = arith.constant 10000 : i32
    %mul3A_938 = arith.muli %arg0, %mul3A_937 : i32
    %mul3A_939 = arith.constant 625 : i32
    %mul3A_940 = arith.muli %arg1, %mul3A_939 : i32
    %add3A_941 = arith.addi %mul3A_938, %mul3A_940 : i32
    %add3A_942 = arith.constant 240 : i32
    %add3A_943 = arith.addi %add3A_941, %add3A_942 : i32
    %dma_wait3A_944 = arith.constant 0 : i32
    %dma_wait3A_945 = arith.constant 0 : i32
    %dma_wait3A_946 = tpu.memref_slice %arg15[%dma_wait3A_944, %dma_wait3A_945] : memref<80x144xf32, #tpu.memory_space<vmem>> -> memref<80x144xf32, #tpu.memory_space<vmem>>
    %dma_wait3A_947 = arith.constant 0 : i32
    %dma_wait3A_948 = tpu.memref_slice %arg4[%add3A_943, %dma_wait3A_947] : memref<20000x144xf32, #tpu.memory_space<hbm>> -> memref<80x144xf32, #tpu.memory_space<hbm>>
    %dma_wait3A_949 = arith.constant 0 : i32
    %dma_wait3A_950 = tpu.memref_slice %arg4[%add3A_943, %dma_wait3A_949] : memref<20000x144xf32, #tpu.memory_space<hbm>> -> memref<80x144xf32, #tpu.memory_space<hbm>>
    %dma_wait3A_951 = arith.constant 0 : i32
    %dma_wait3A_952 = arith.constant 0 : i32
    %dma_wait3A_953 = tpu.memref_slice %arg15[%dma_wait3A_951, %dma_wait3A_952] : memref<80x144xf32, #tpu.memory_space<vmem>> -> memref<80x144xf32, #tpu.memory_space<vmem>>
    tpu.wait_dma2 semaphore(%arg24 : memref<!tpu.dma_semaphore, #tpu.memory_space<semaphore_mem>>) src(%dma_wait3A_953 : memref<80x144xf32, #tpu.memory_space<vmem>>) dst(%dma_wait3A_950 : memref<80x144xf32, #tpu.memory_space<hbm>>)
    %mul3A_954 = arith.constant 625 : i32
    %mul3A_955 = arith.muli %arg1, %mul3A_954 : i32
    %add3A_956 = arith.constant 480 : i32
    %add3A_957 = arith.addi %mul3A_955, %add3A_956 : i32
    %mul3A_958 = arith.constant 10000 : i32
    %mul3A_959 = arith.muli %arg0, %mul3A_958 : i32
    %mul3A_960 = arith.constant 625 : i32
    %mul3A_961 = arith.muli %arg1, %mul3A_960 : i32
    %add3A_962 = arith.addi %mul3A_959, %mul3A_961 : i32
    %add3A_963 = arith.constant 480 : i32
    %add3A_964 = arith.addi %add3A_962, %add3A_963 : i32
    %dma_start3A_965 = arith.constant 0 : i32
    %dma_start3A_966 = arith.constant 0 : i32
    %dma_start3A_967 = tpu.memref_slice %arg15[%dma_start3A_965, %dma_start3A_966] : memref<80x144xf32, #tpu.memory_space<vmem>> -> memref<80x144xf32, #tpu.memory_space<vmem>>
    %dma_start3A_968 = arith.constant 0 : i32
    %dma_start3A_969 = tpu.memref_slice %arg5[%add3A_957, %dma_start3A_968] : memref<10000x144xf32, #tpu.memory_space<vmem_shared>> -> memref<80x144xf32, #tpu.memory_space<vmem_shared>>
    %dma_start3A_970 = arith.constant 0 : i32
    %dma_start3A_971 = arith.constant 0 : i32
    %dma_start3A_972 = tpu.memref_slice %arg15[%dma_start3A_970, %dma_start3A_971] : memref<80x144xf32, #tpu.memory_space<vmem>> -> memref<80x144xf32, #tpu.memory_space<vmem>>
    %dma_start3A_973 = arith.constant 0 : i32
    %dma_start3A_974 = tpu.memref_slice %arg5[%add3A_957, %dma_start3A_973] : memref<10000x144xf32, #tpu.memory_space<vmem_shared>> -> memref<80x144xf32, #tpu.memory_space<vmem_shared>>
    tpu.enqueue_dma source(%dma_start3A_974 : memref<80x144xf32, #tpu.memory_space<vmem_shared>>) target(%dma_start3A_972 : memref<80x144xf32, #tpu.memory_space<vmem>>) target_semaphore(%arg21 : memref<!tpu.dma_semaphore, #tpu.memory_space<semaphore_mem>>)
    %mul3A_975 = arith.constant 625 : i32
    %mul3A_976 = arith.muli %arg1, %mul3A_975 : i32
    %add3A_977 = arith.constant 400 : i32
    %add3A_978 = arith.addi %mul3A_976, %add3A_977 : i32
    %mul3A_979 = arith.constant 10000 : i32
    %mul3A_980 = arith.muli %arg0, %mul3A_979 : i32
    %mul3A_981 = arith.constant 625 : i32
    %mul3A_982 = arith.muli %arg1, %mul3A_981 : i32
    %add3A_983 = arith.addi %mul3A_980, %mul3A_982 : i32
    %add3A_984 = arith.constant 400 : i32
    %add3A_985 = arith.addi %add3A_983, %add3A_984 : i32
    %dma_wait3A_986 = arith.constant 0 : i32
    %dma_wait3A_987 = arith.constant 0 : i32
    %dma_wait3A_988 = tpu.memref_slice %arg17[%dma_wait3A_986, %dma_wait3A_987] : memref<80x144xf32, #tpu.memory_space<vmem>> -> memref<80x144xf32, #tpu.memory_space<vmem>>
    %dma_wait3A_989 = arith.constant 0 : i32
    %dma_wait3A_990 = tpu.memref_slice %arg5[%add3A_978, %dma_wait3A_989] : memref<10000x144xf32, #tpu.memory_space<vmem_shared>> -> memref<80x144xf32, #tpu.memory_space<vmem_shared>>
    %dma_wait3A_991 = arith.constant 0 : i32
    %dma_wait3A_992 = arith.constant 0 : i32
    %dma_wait3A_993 = tpu.memref_slice %arg17[%dma_wait3A_991, %dma_wait3A_992] : memref<80x144xf32, #tpu.memory_space<vmem>> -> memref<80x144xf32, #tpu.memory_space<vmem>>
    %dma_wait3A_994 = arith.constant 0 : i32
    %dma_wait3A_995 = tpu.memref_slice %arg5[%add3A_978, %dma_wait3A_994] : memref<10000x144xf32, #tpu.memory_space<vmem_shared>> -> memref<80x144xf32, #tpu.memory_space<vmem_shared>>
    tpu.wait_dma2 semaphore(%arg23 : memref<!tpu.dma_semaphore, #tpu.memory_space<semaphore_mem>>) src(%dma_wait3A_995 : memref<80x144xf32, #tpu.memory_space<vmem_shared>>) dst(%dma_wait3A_993 : memref<80x144xf32, #tpu.memory_space<vmem>>)
    %mul3A_996 = arith.constant 625 : i32
    %mul3A_997 = arith.muli %arg1, %mul3A_996 : i32
    %add3A_998 = arith.constant 400 : i32
    %add3A_999 = arith.addi %mul3A_997, %add3A_998 : i32
    %mul3A_1000 = arith.constant 10000 : i32
    %mul3A_1001 = arith.muli %arg0, %mul3A_1000 : i32
    %mul3A_1002 = arith.constant 625 : i32
    %mul3A_1003 = arith.muli %arg1, %mul3A_1002 : i32
    %add3A_1004 = arith.addi %mul3A_1001, %mul3A_1003 : i32
    %add3A_1005 = arith.constant 400 : i32
    %add3A_1006 = arith.addi %add3A_1004, %add3A_1005 : i32
    %dma_start3A_1007 = arith.constant 0 : i32
    %dma_start3A_1008 = arith.constant 0 : i32
    %dma_start3A_1009 = tpu.memref_slice %arg17[%dma_start3A_1007, %dma_start3A_1008] : memref<80x144xf32, #tpu.memory_space<vmem>> -> memref<80x144xf32, #tpu.memory_space<vmem>>
    %dma_start3A_1010 = arith.constant 0 : i32
    %dma_start3A_1011 = tpu.memref_slice %arg4[%add3A_1006, %dma_start3A_1010] : memref<20000x144xf32, #tpu.memory_space<hbm>> -> memref<80x144xf32, #tpu.memory_space<hbm>>
    %dma_start3A_1012 = arith.constant 0 : i32
    %dma_start3A_1013 = tpu.memref_slice %arg4[%add3A_1006, %dma_start3A_1012] : memref<20000x144xf32, #tpu.memory_space<hbm>> -> memref<80x144xf32, #tpu.memory_space<hbm>>
    %dma_start3A_1014 = arith.constant 0 : i32
    %dma_start3A_1015 = arith.constant 0 : i32
    %dma_start3A_1016 = tpu.memref_slice %arg17[%dma_start3A_1014, %dma_start3A_1015] : memref<80x144xf32, #tpu.memory_space<vmem>> -> memref<80x144xf32, #tpu.memory_space<vmem>>
    tpu.enqueue_dma source(%dma_start3A_1016 : memref<80x144xf32, #tpu.memory_space<vmem>>) target(%dma_start3A_1013 : memref<80x144xf32, #tpu.memory_space<hbm>>) target_semaphore(%arg26 : memref<!tpu.dma_semaphore, #tpu.memory_space<semaphore_mem>>)
    %mul3A_1017 = arith.constant 625 : i32
    %mul3A_1018 = arith.muli %arg1, %mul3A_1017 : i32
    %add3A_1019 = arith.constant 320 : i32
    %add3A_1020 = arith.addi %mul3A_1018, %add3A_1019 : i32
    %mul3A_1021 = arith.constant 10000 : i32
    %mul3A_1022 = arith.muli %arg0, %mul3A_1021 : i32
    %mul3A_1023 = arith.constant 625 : i32
    %mul3A_1024 = arith.muli %arg1, %mul3A_1023 : i32
    %add3A_1025 = arith.addi %mul3A_1022, %mul3A_1024 : i32
    %add3A_1026 = arith.constant 320 : i32
    %add3A_1027 = arith.addi %add3A_1025, %add3A_1026 : i32
    %dma_wait3A_1028 = arith.constant 0 : i32
    %dma_wait3A_1029 = arith.constant 0 : i32
    %dma_wait3A_1030 = tpu.memref_slice %arg16[%dma_wait3A_1028, %dma_wait3A_1029] : memref<80x144xf32, #tpu.memory_space<vmem>> -> memref<80x144xf32, #tpu.memory_space<vmem>>
    %dma_wait3A_1031 = arith.constant 0 : i32
    %dma_wait3A_1032 = tpu.memref_slice %arg4[%add3A_1027, %dma_wait3A_1031] : memref<20000x144xf32, #tpu.memory_space<hbm>> -> memref<80x144xf32, #tpu.memory_space<hbm>>
    %dma_wait3A_1033 = arith.constant 0 : i32
    %dma_wait3A_1034 = tpu.memref_slice %arg4[%add3A_1027, %dma_wait3A_1033] : memref<20000x144xf32, #tpu.memory_space<hbm>> -> memref<80x144xf32, #tpu.memory_space<hbm>>
    %dma_wait3A_1035 = arith.constant 0 : i32
    %dma_wait3A_1036 = arith.constant 0 : i32
    %dma_wait3A_1037 = tpu.memref_slice %arg16[%dma_wait3A_1035, %dma_wait3A_1036] : memref<80x144xf32, #tpu.memory_space<vmem>> -> memref<80x144xf32, #tpu.memory_space<vmem>>
    tpu.wait_dma2 semaphore(%arg25 : memref<!tpu.dma_semaphore, #tpu.memory_space<semaphore_mem>>) src(%dma_wait3A_1037 : memref<80x144xf32, #tpu.memory_space<vmem>>) dst(%dma_wait3A_1034 : memref<80x144xf32, #tpu.memory_space<hbm>>)
    %mul3A_1038 = arith.constant 625 : i32
    %mul3A_1039 = arith.muli %arg1, %mul3A_1038 : i32
    %add3A_1040 = arith.constant 560 : i32
    %add3A_1041 = arith.addi %mul3A_1039, %add3A_1040 : i32
    %mul3A_1042 = arith.constant 10000 : i32
    %mul3A_1043 = arith.muli %arg0, %mul3A_1042 : i32
    %mul3A_1044 = arith.constant 625 : i32
    %mul3A_1045 = arith.muli %arg1, %mul3A_1044 : i32
    %add3A_1046 = arith.addi %mul3A_1043, %mul3A_1045 : i32
    %add3A_1047 = arith.constant 560 : i32
    %add3A_1048 = arith.addi %add3A_1046, %add3A_1047 : i32
    %dma_start3A_1049 = arith.constant 0 : i32
    %dma_start3A_1050 = arith.constant 0 : i32
    %dma_start3A_1051 = tpu.memref_slice %arg16[%dma_start3A_1049, %dma_start3A_1050] : memref<80x144xf32, #tpu.memory_space<vmem>> -> memref<65x144xf32, #tpu.memory_space<vmem>>
    %dma_start3A_1052 = arith.constant 0 : i32
    %dma_start3A_1053 = tpu.memref_slice %arg5[%add3A_1041, %dma_start3A_1052] : memref<10000x144xf32, #tpu.memory_space<vmem_shared>> -> memref<65x144xf32, #tpu.memory_space<vmem_shared>>
    %dma_start3A_1054 = arith.constant 0 : i32
    %dma_start3A_1055 = arith.constant 0 : i32
    %dma_start3A_1056 = tpu.memref_slice %arg16[%dma_start3A_1054, %dma_start3A_1055] : memref<80x144xf32, #tpu.memory_space<vmem>> -> memref<65x144xf32, #tpu.memory_space<vmem>>
    %dma_start3A_1057 = arith.constant 0 : i32
    %dma_start3A_1058 = tpu.memref_slice %arg5[%add3A_1041, %dma_start3A_1057] : memref<10000x144xf32, #tpu.memory_space<vmem_shared>> -> memref<65x144xf32, #tpu.memory_space<vmem_shared>>
    tpu.enqueue_dma source(%dma_start3A_1058 : memref<65x144xf32, #tpu.memory_space<vmem_shared>>) target(%dma_start3A_1056 : memref<65x144xf32, #tpu.memory_space<vmem>>) target_semaphore(%arg22 : memref<!tpu.dma_semaphore, #tpu.memory_space<semaphore_mem>>)
    %mul3A_1059 = arith.constant 625 : i32
    %mul3A_1060 = arith.muli %arg1, %mul3A_1059 : i32
    %add3A_1061 = arith.constant 480 : i32
    %add3A_1062 = arith.addi %mul3A_1060, %add3A_1061 : i32
    %mul3A_1063 = arith.constant 10000 : i32
    %mul3A_1064 = arith.muli %arg0, %mul3A_1063 : i32
    %mul3A_1065 = arith.constant 625 : i32
    %mul3A_1066 = arith.muli %arg1, %mul3A_1065 : i32
    %add3A_1067 = arith.addi %mul3A_1064, %mul3A_1066 : i32
    %add3A_1068 = arith.constant 480 : i32
    %add3A_1069 = arith.addi %add3A_1067, %add3A_1068 : i32
    %dma_wait3A_1070 = arith.constant 0 : i32
    %dma_wait3A_1071 = arith.constant 0 : i32
    %dma_wait3A_1072 = tpu.memref_slice %arg15[%dma_wait3A_1070, %dma_wait3A_1071] : memref<80x144xf32, #tpu.memory_space<vmem>> -> memref<80x144xf32, #tpu.memory_space<vmem>>
    %dma_wait3A_1073 = arith.constant 0 : i32
    %dma_wait3A_1074 = tpu.memref_slice %arg5[%add3A_1062, %dma_wait3A_1073] : memref<10000x144xf32, #tpu.memory_space<vmem_shared>> -> memref<80x144xf32, #tpu.memory_space<vmem_shared>>
    %dma_wait3A_1075 = arith.constant 0 : i32
    %dma_wait3A_1076 = arith.constant 0 : i32
    %dma_wait3A_1077 = tpu.memref_slice %arg15[%dma_wait3A_1075, %dma_wait3A_1076] : memref<80x144xf32, #tpu.memory_space<vmem>> -> memref<80x144xf32, #tpu.memory_space<vmem>>
    %dma_wait3A_1078 = arith.constant 0 : i32
    %dma_wait3A_1079 = tpu.memref_slice %arg5[%add3A_1062, %dma_wait3A_1078] : memref<10000x144xf32, #tpu.memory_space<vmem_shared>> -> memref<80x144xf32, #tpu.memory_space<vmem_shared>>
    tpu.wait_dma2 semaphore(%arg21 : memref<!tpu.dma_semaphore, #tpu.memory_space<semaphore_mem>>) src(%dma_wait3A_1079 : memref<80x144xf32, #tpu.memory_space<vmem_shared>>) dst(%dma_wait3A_1077 : memref<80x144xf32, #tpu.memory_space<vmem>>)
    %mul3A_1080 = arith.constant 625 : i32
    %mul3A_1081 = arith.muli %arg1, %mul3A_1080 : i32
    %add3A_1082 = arith.constant 480 : i32
    %add3A_1083 = arith.addi %mul3A_1081, %add3A_1082 : i32
    %mul3A_1084 = arith.constant 10000 : i32
    %mul3A_1085 = arith.muli %arg0, %mul3A_1084 : i32
    %mul3A_1086 = arith.constant 625 : i32
    %mul3A_1087 = arith.muli %arg1, %mul3A_1086 : i32
    %add3A_1088 = arith.addi %mul3A_1085, %mul3A_1087 : i32
    %add3A_1089 = arith.constant 480 : i32
    %add3A_1090 = arith.addi %add3A_1088, %add3A_1089 : i32
    %dma_start3A_1091 = arith.constant 0 : i32
    %dma_start3A_1092 = arith.constant 0 : i32
    %dma_start3A_1093 = tpu.memref_slice %arg15[%dma_start3A_1091, %dma_start3A_1092] : memref<80x144xf32, #tpu.memory_space<vmem>> -> memref<80x144xf32, #tpu.memory_space<vmem>>
    %dma_start3A_1094 = arith.constant 0 : i32
    %dma_start3A_1095 = tpu.memref_slice %arg4[%add3A_1090, %dma_start3A_1094] : memref<20000x144xf32, #tpu.memory_space<hbm>> -> memref<80x144xf32, #tpu.memory_space<hbm>>
    %dma_start3A_1096 = arith.constant 0 : i32
    %dma_start3A_1097 = tpu.memref_slice %arg4[%add3A_1090, %dma_start3A_1096] : memref<20000x144xf32, #tpu.memory_space<hbm>> -> memref<80x144xf32, #tpu.memory_space<hbm>>
    %dma_start3A_1098 = arith.constant 0 : i32
    %dma_start3A_1099 = arith.constant 0 : i32
    %dma_start3A_1100 = tpu.memref_slice %arg15[%dma_start3A_1098, %dma_start3A_1099] : memref<80x144xf32, #tpu.memory_space<vmem>> -> memref<80x144xf32, #tpu.memory_space<vmem>>
    tpu.enqueue_dma source(%dma_start3A_1100 : memref<80x144xf32, #tpu.memory_space<vmem>>) target(%dma_start3A_1097 : memref<80x144xf32, #tpu.memory_space<hbm>>) target_semaphore(%arg24 : memref<!tpu.dma_semaphore, #tpu.memory_space<semaphore_mem>>)
    %mul3A_1101 = arith.constant 625 : i32
    %mul3A_1102 = arith.muli %arg1, %mul3A_1101 : i32
    %add3A_1103 = arith.constant 560 : i32
    %add3A_1104 = arith.addi %mul3A_1102, %add3A_1103 : i32
    %mul3A_1105 = arith.constant 10000 : i32
    %mul3A_1106 = arith.muli %arg0, %mul3A_1105 : i32
    %mul3A_1107 = arith.constant 625 : i32
    %mul3A_1108 = arith.muli %arg1, %mul3A_1107 : i32
    %add3A_1109 = arith.addi %mul3A_1106, %mul3A_1108 : i32
    %add3A_1110 = arith.constant 560 : i32
    %add3A_1111 = arith.addi %add3A_1109, %add3A_1110 : i32
    %dma_wait3A_1112 = arith.constant 0 : i32
    %dma_wait3A_1113 = arith.constant 0 : i32
    %dma_wait3A_1114 = tpu.memref_slice %arg16[%dma_wait3A_1112, %dma_wait3A_1113] : memref<80x144xf32, #tpu.memory_space<vmem>> -> memref<65x144xf32, #tpu.memory_space<vmem>>
    %dma_wait3A_1115 = arith.constant 0 : i32
    %dma_wait3A_1116 = tpu.memref_slice %arg5[%add3A_1104, %dma_wait3A_1115] : memref<10000x144xf32, #tpu.memory_space<vmem_shared>> -> memref<65x144xf32, #tpu.memory_space<vmem_shared>>
    %dma_wait3A_1117 = arith.constant 0 : i32
    %dma_wait3A_1118 = arith.constant 0 : i32
    %dma_wait3A_1119 = tpu.memref_slice %arg16[%dma_wait3A_1117, %dma_wait3A_1118] : memref<80x144xf32, #tpu.memory_space<vmem>> -> memref<65x144xf32, #tpu.memory_space<vmem>>
    %dma_wait3A_1120 = arith.constant 0 : i32
    %dma_wait3A_1121 = tpu.memref_slice %arg5[%add3A_1104, %dma_wait3A_1120] : memref<10000x144xf32, #tpu.memory_space<vmem_shared>> -> memref<65x144xf32, #tpu.memory_space<vmem_shared>>
    tpu.wait_dma2 semaphore(%arg22 : memref<!tpu.dma_semaphore, #tpu.memory_space<semaphore_mem>>) src(%dma_wait3A_1121 : memref<65x144xf32, #tpu.memory_space<vmem_shared>>) dst(%dma_wait3A_1119 : memref<65x144xf32, #tpu.memory_space<vmem>>)
    %mul3A_1122 = arith.constant 625 : i32
    %mul3A_1123 = arith.muli %arg1, %mul3A_1122 : i32
    %add3A_1124 = arith.constant 560 : i32
    %add3A_1125 = arith.addi %mul3A_1123, %add3A_1124 : i32
    %mul3A_1126 = arith.constant 10000 : i32
    %mul3A_1127 = arith.muli %arg0, %mul3A_1126 : i32
    %mul3A_1128 = arith.constant 625 : i32
    %mul3A_1129 = arith.muli %arg1, %mul3A_1128 : i32
    %add3A_1130 = arith.addi %mul3A_1127, %mul3A_1129 : i32
    %add3A_1131 = arith.constant 560 : i32
    %add3A_1132 = arith.addi %add3A_1130, %add3A_1131 : i32
    %dma_start3A_1133 = arith.constant 0 : i32
    %dma_start3A_1134 = arith.constant 0 : i32
    %dma_start3A_1135 = tpu.memref_slice %arg16[%dma_start3A_1133, %dma_start3A_1134] : memref<80x144xf32, #tpu.memory_space<vmem>> -> memref<65x144xf32, #tpu.memory_space<vmem>>
    %dma_start3A_1136 = arith.constant 0 : i32
    %dma_start3A_1137 = tpu.memref_slice %arg4[%add3A_1132, %dma_start3A_1136] : memref<20000x144xf32, #tpu.memory_space<hbm>> -> memref<65x144xf32, #tpu.memory_space<hbm>>
    %dma_start3A_1138 = arith.constant 0 : i32
    %dma_start3A_1139 = tpu.memref_slice %arg4[%add3A_1132, %dma_start3A_1138] : memref<20000x144xf32, #tpu.memory_space<hbm>> -> memref<65x144xf32, #tpu.memory_space<hbm>>
    %dma_start3A_1140 = arith.constant 0 : i32
    %dma_start3A_1141 = arith.constant 0 : i32
    %dma_start3A_1142 = tpu.memref_slice %arg16[%dma_start3A_1140, %dma_start3A_1141] : memref<80x144xf32, #tpu.memory_space<vmem>> -> memref<65x144xf32, #tpu.memory_space<vmem>>
    tpu.enqueue_dma source(%dma_start3A_1142 : memref<65x144xf32, #tpu.memory_space<vmem>>) target(%dma_start3A_1139 : memref<65x144xf32, #tpu.memory_space<hbm>>) target_semaphore(%arg25 : memref<!tpu.dma_semaphore, #tpu.memory_space<semaphore_mem>>)
    %mul3A_1143 = arith.constant 625 : i32
    %mul3A_1144 = arith.muli %arg1, %mul3A_1143 : i32
    %add3A_1145 = arith.constant 400 : i32
    %add3A_1146 = arith.addi %mul3A_1144, %add3A_1145 : i32
    %mul3A_1147 = arith.constant 10000 : i32
    %mul3A_1148 = arith.muli %arg0, %mul3A_1147 : i32
    %mul3A_1149 = arith.constant 625 : i32
    %mul3A_1150 = arith.muli %arg1, %mul3A_1149 : i32
    %add3A_1151 = arith.addi %mul3A_1148, %mul3A_1150 : i32
    %add3A_1152 = arith.constant 400 : i32
    %add3A_1153 = arith.addi %add3A_1151, %add3A_1152 : i32
    %dma_wait3A_1154 = arith.constant 0 : i32
    %dma_wait3A_1155 = arith.constant 0 : i32
    %dma_wait3A_1156 = tpu.memref_slice %arg17[%dma_wait3A_1154, %dma_wait3A_1155] : memref<80x144xf32, #tpu.memory_space<vmem>> -> memref<80x144xf32, #tpu.memory_space<vmem>>
    %dma_wait3A_1157 = arith.constant 0 : i32
    %dma_wait3A_1158 = tpu.memref_slice %arg4[%add3A_1153, %dma_wait3A_1157] : memref<20000x144xf32, #tpu.memory_space<hbm>> -> memref<80x144xf32, #tpu.memory_space<hbm>>
    %dma_wait3A_1159 = arith.constant 0 : i32
    %dma_wait3A_1160 = tpu.memref_slice %arg4[%add3A_1153, %dma_wait3A_1159] : memref<20000x144xf32, #tpu.memory_space<hbm>> -> memref<80x144xf32, #tpu.memory_space<hbm>>
    %dma_wait3A_1161 = arith.constant 0 : i32
    %dma_wait3A_1162 = arith.constant 0 : i32
    %dma_wait3A_1163 = tpu.memref_slice %arg17[%dma_wait3A_1161, %dma_wait3A_1162] : memref<80x144xf32, #tpu.memory_space<vmem>> -> memref<80x144xf32, #tpu.memory_space<vmem>>
    tpu.wait_dma2 semaphore(%arg26 : memref<!tpu.dma_semaphore, #tpu.memory_space<semaphore_mem>>) src(%dma_wait3A_1163 : memref<80x144xf32, #tpu.memory_space<vmem>>) dst(%dma_wait3A_1160 : memref<80x144xf32, #tpu.memory_space<hbm>>)
    %mul3A_1164 = arith.constant 625 : i32
    %mul3A_1165 = arith.muli %arg1, %mul3A_1164 : i32
    %add3A_1166 = arith.constant 480 : i32
    %add3A_1167 = arith.addi %mul3A_1165, %add3A_1166 : i32
    %mul3A_1168 = arith.constant 10000 : i32
    %mul3A_1169 = arith.muli %arg0, %mul3A_1168 : i32
    %mul3A_1170 = arith.constant 625 : i32
    %mul3A_1171 = arith.muli %arg1, %mul3A_1170 : i32
    %add3A_1172 = arith.addi %mul3A_1169, %mul3A_1171 : i32
    %add3A_1173 = arith.constant 480 : i32
    %add3A_1174 = arith.addi %add3A_1172, %add3A_1173 : i32
    %dma_wait3A_1175 = arith.constant 0 : i32
    %dma_wait3A_1176 = arith.constant 0 : i32
    %dma_wait3A_1177 = tpu.memref_slice %arg15[%dma_wait3A_1175, %dma_wait3A_1176] : memref<80x144xf32, #tpu.memory_space<vmem>> -> memref<80x144xf32, #tpu.memory_space<vmem>>
    %dma_wait3A_1178 = arith.constant 0 : i32
    %dma_wait3A_1179 = tpu.memref_slice %arg4[%add3A_1174, %dma_wait3A_1178] : memref<20000x144xf32, #tpu.memory_space<hbm>> -> memref<80x144xf32, #tpu.memory_space<hbm>>
    %dma_wait3A_1180 = arith.constant 0 : i32
    %dma_wait3A_1181 = tpu.memref_slice %arg4[%add3A_1174, %dma_wait3A_1180] : memref<20000x144xf32, #tpu.memory_space<hbm>> -> memref<80x144xf32, #tpu.memory_space<hbm>>
    %dma_wait3A_1182 = arith.constant 0 : i32
    %dma_wait3A_1183 = arith.constant 0 : i32
    %dma_wait3A_1184 = tpu.memref_slice %arg15[%dma_wait3A_1182, %dma_wait3A_1183] : memref<80x144xf32, #tpu.memory_space<vmem>> -> memref<80x144xf32, #tpu.memory_space<vmem>>
    tpu.wait_dma2 semaphore(%arg24 : memref<!tpu.dma_semaphore, #tpu.memory_space<semaphore_mem>>) src(%dma_wait3A_1184 : memref<80x144xf32, #tpu.memory_space<vmem>>) dst(%dma_wait3A_1181 : memref<80x144xf32, #tpu.memory_space<hbm>>)
    %mul3A_1185 = arith.constant 625 : i32
    %mul3A_1186 = arith.muli %arg1, %mul3A_1185 : i32
    %add3A_1187 = arith.constant 560 : i32
    %add3A_1188 = arith.addi %mul3A_1186, %add3A_1187 : i32
    %mul3A_1189 = arith.constant 10000 : i32
    %mul3A_1190 = arith.muli %arg0, %mul3A_1189 : i32
    %mul3A_1191 = arith.constant 625 : i32
    %mul3A_1192 = arith.muli %arg1, %mul3A_1191 : i32
    %add3A_1193 = arith.addi %mul3A_1190, %mul3A_1192 : i32
    %add3A_1194 = arith.constant 560 : i32
    %add3A_1195 = arith.addi %add3A_1193, %add3A_1194 : i32
    %dma_wait3A_1196 = arith.constant 0 : i32
    %dma_wait3A_1197 = arith.constant 0 : i32
    %dma_wait3A_1198 = tpu.memref_slice %arg16[%dma_wait3A_1196, %dma_wait3A_1197] : memref<80x144xf32, #tpu.memory_space<vmem>> -> memref<65x144xf32, #tpu.memory_space<vmem>>
    %dma_wait3A_1199 = arith.constant 0 : i32
    %dma_wait3A_1200 = tpu.memref_slice %arg4[%add3A_1195, %dma_wait3A_1199] : memref<20000x144xf32, #tpu.memory_space<hbm>> -> memref<65x144xf32, #tpu.memory_space<hbm>>
    %dma_wait3A_1201 = arith.constant 0 : i32
    %dma_wait3A_1202 = tpu.memref_slice %arg4[%add3A_1195, %dma_wait3A_1201] : memref<20000x144xf32, #tpu.memory_space<hbm>> -> memref<65x144xf32, #tpu.memory_space<hbm>>
    %dma_wait3A_1203 = arith.constant 0 : i32
    %dma_wait3A_1204 = arith.constant 0 : i32
    %dma_wait3A_1205 = tpu.memref_slice %arg16[%dma_wait3A_1203, %dma_wait3A_1204] : memref<80x144xf32, #tpu.memory_space<vmem>> -> memref<65x144xf32, #tpu.memory_space<vmem>>
    tpu.wait_dma2 semaphore(%arg25 : memref<!tpu.dma_semaphore, #tpu.memory_space<semaphore_mem>>) src(%dma_wait3A_1205 : memref<65x144xf32, #tpu.memory_space<vmem>>) dst(%dma_wait3A_1202 : memref<65x144xf32, #tpu.memory_space<hbm>>)
    return
  }
}

module attributes {stable_mosaic.version = 14 : i64} {
  func.func @_table_body(%arg0: i32, %arg1: memref<2000x128xf32, #tpu.memory_space<vmem>>, %arg2: memref<2500x128xi32, #tpu.memory_space<vmem>>, %arg3: memref<2500x128xi32, #tpu.memory_space<vmem>>, %arg4: memref<2500x128xi32, #tpu.memory_space<vmem>>, %arg5: memref<128x64xf32, #tpu.memory_space<vmem>>, %arg6: memref<1x64xf32, #tpu.memory_space<vmem>>, %arg7: memref<64x64xf32, #tpu.memory_space<vmem>>, %arg8: memref<1x64xf32, #tpu.memory_space<vmem>>, %arg9: memref<64x128xf32, #tpu.memory_space<vmem>>, %arg10: memref<1x128xf32, #tpu.memory_space<vmem>>, %arg11: memref<2x2000x144xf32, #tpu.memory_space<vmem>>, %arg12: memref<2500x128xi32, #tpu.memory_space<vmem>>) attributes {dimension_semantics = [#tpu.dimension_semantics<arbitrary>], iteration_bounds = array<i64: 5>, scalar_prefetch = 0 : i64, scratch_operands = 0 : i64, tpu.core_type = #tpu.core_type<tc>, window_params = [{transform_indices = @transform_0, window_bounds = array<i64: 2000, 128>}, {pipeline_mode = #tpu.pipeline_mode<synchronous>, transform_indices = @transform_1, window_bounds = array<i64: 2500, 128>}, {pipeline_mode = #tpu.pipeline_mode<synchronous>, transform_indices = @transform_2, window_bounds = array<i64: 2500, 128>}, {pipeline_mode = #tpu.pipeline_mode<synchronous>, transform_indices = @transform_3, window_bounds = array<i64: 2500, 128>}, {pipeline_mode = #tpu.pipeline_mode<synchronous>, transform_indices = @transform_4, window_bounds = array<i64: 128, 64>}, {pipeline_mode = #tpu.pipeline_mode<synchronous>, transform_indices = @transform_5, window_bounds = array<i64: 1, 64>}, {pipeline_mode = #tpu.pipeline_mode<synchronous>, transform_indices = @transform_6, window_bounds = array<i64: 64, 64>}, {pipeline_mode = #tpu.pipeline_mode<synchronous>, transform_indices = @transform_7, window_bounds = array<i64: 1, 64>}, {pipeline_mode = #tpu.pipeline_mode<synchronous>, transform_indices = @transform_8, window_bounds = array<i64: 64, 128>}, {pipeline_mode = #tpu.pipeline_mode<synchronous>, transform_indices = @transform_9, window_bounds = array<i64: 1, 128>}, {transform_indices = @transform_10, window_bounds = array<i64: 2, 2000, 144>}, {pipeline_mode = #tpu.pipeline_mode<synchronous>, transform_indices = @transform_11, window_bounds = array<i64: 2500, 128>}]} {
    %get3A = arith.constant 0 : index
    %get3A_0 = arith.constant 0 : index
    %get3A_1 = vector.load %arg1[%get3A, %get3A_0] : memref<2000x128xf32, #tpu.memory_space<vmem>>, vector<2000x128xf32>
    %get3A_2 = arith.constant 0 : index
    %get3A_3 = arith.constant 0 : index
    %get3A_4 = vector.load %arg5[%get3A_2, %get3A_3] : memref<128x64xf32, #tpu.memory_space<vmem>>, vector<128x64xf32>
    %dot_general3A = arith.constant dense<0.000000e+00> : vector<2000x64xf32>
    %dot_general3A_5 = tpu.matmul %get3A_1, %get3A_4, %dot_general3A {dimension_numbers = #tpu.dot_dimension_numbers<[1], [0], [0], [1], [0, 0, 1, 1], [], []>, transpose_lhs_hint = false} : vector<2000x128xf32>, vector<128x64xf32>, vector<2000x64xf32> -> vector<2000x64xf32>
    %get3A_6 = arith.constant 0 : index
    %get3A_7 = arith.constant 0 : index
    %get3A_8 = vector.load %arg6[%get3A_6, %get3A_7] : memref<1x64xf32, #tpu.memory_space<vmem>>, vector<1x64xf32>
    %add3A = vector.broadcast %get3A_8 : vector<1x64xf32> to vector<2000x64xf32>
    %add3A_9 = arith.addf %dot_general3A_5, %add3A : vector<2000x64xf32>
    %gt3A = arith.constant 0.000000e+00 : f32
    %gt3A_10 = vector.broadcast %gt3A : f32 to vector<2000x64xf32>
    %gt3A_11 = arith.cmpf ogt, %add3A_9, %gt3A_10 : vector<2000x64xf32>
    %mul3A = arith.constant 0.00999999977 : f32
    %mul3A_12 = vector.broadcast %mul3A : f32 to vector<2000x64xf32>
    %mul3A_13 = arith.mulf %mul3A_12, %add3A_9 : vector<2000x64xf32>
    %select_n3A = arith.select %gt3A_11, %add3A_9, %mul3A_13 : vector<2000x64xi1>, vector<2000x64xf32>
    %get3A_14 = arith.constant 0 : index
    %get3A_15 = arith.constant 0 : index
    %get3A_16 = vector.load %arg7[%get3A_14, %get3A_15] : memref<64x64xf32, #tpu.memory_space<vmem>>, vector<64x64xf32>
    %dot_general3A_17 = arith.constant dense<0.000000e+00> : vector<2000x64xf32>
    %dot_general3A_18 = tpu.matmul %select_n3A, %get3A_16, %dot_general3A_17 {dimension_numbers = #tpu.dot_dimension_numbers<[1], [0], [0], [1], [0, 0, 1, 1], [], []>, transpose_lhs_hint = false} : vector<2000x64xf32>, vector<64x64xf32>, vector<2000x64xf32> -> vector<2000x64xf32>
    %get3A_19 = arith.constant 0 : index
    %get3A_20 = arith.constant 0 : index
    %get3A_21 = vector.load %arg8[%get3A_19, %get3A_20] : memref<1x64xf32, #tpu.memory_space<vmem>>, vector<1x64xf32>
    %add3A_22 = vector.broadcast %get3A_21 : vector<1x64xf32> to vector<2000x64xf32>
    %add3A_23 = arith.addf %dot_general3A_18, %add3A_22 : vector<2000x64xf32>
    %gt3A_24 = arith.constant 0.000000e+00 : f32
    %gt3A_25 = vector.broadcast %gt3A_24 : f32 to vector<2000x64xf32>
    %gt3A_26 = arith.cmpf ogt, %add3A_23, %gt3A_25 : vector<2000x64xf32>
    %mul3A_27 = arith.constant 0.00999999977 : f32
    %mul3A_28 = vector.broadcast %mul3A_27 : f32 to vector<2000x64xf32>
    %mul3A_29 = arith.mulf %mul3A_28, %add3A_23 : vector<2000x64xf32>
    %select_n3A_30 = arith.select %gt3A_26, %add3A_23, %mul3A_29 : vector<2000x64xi1>, vector<2000x64xf32>
    %get3A_31 = arith.constant 0 : index
    %get3A_32 = arith.constant 0 : index
    %get3A_33 = vector.load %arg9[%get3A_31, %get3A_32] : memref<64x128xf32, #tpu.memory_space<vmem>>, vector<64x128xf32>
    %dot_general3A_34 = arith.constant dense<0.000000e+00> : vector<2000x128xf32>
    %dot_general3A_35 = tpu.matmul %select_n3A_30, %get3A_33, %dot_general3A_34 {dimension_numbers = #tpu.dot_dimension_numbers<[1], [0], [0], [1], [0, 0, 1, 1], [], []>, transpose_lhs_hint = false} : vector<2000x64xf32>, vector<64x128xf32>, vector<2000x128xf32> -> vector<2000x128xf32>
    %get3A_36 = arith.constant 0 : index
    %get3A_37 = arith.constant 0 : index
    %get3A_38 = vector.load %arg10[%get3A_36, %get3A_37] : memref<1x128xf32, #tpu.memory_space<vmem>>, vector<1x128xf32>
    %add3A_39 = vector.broadcast %get3A_38 : vector<1x128xf32> to vector<2000x128xf32>
    %add3A_40 = arith.addf %dot_general3A_35, %add3A_39 : vector<2000x128xf32>
    %iota3A = tpu.iota {dimensions = array<i32: 1>} : vector<2000x16xi32>
    %eq3A = arith.constant 0 : i32
    %eq3A_41 = vector.broadcast %eq3A : i32 to vector<2000x16xi32>
    %eq3A_42 = arith.cmpi eq, %iota3A, %eq3A_41 : vector<2000x16xi32>
    %jit3A = arith.constant 1.000000e+00 : f32
    %jit3A_43 = arith.constant 0.000000e+00 : f32
    %broadcast_in_dim3A = vector.broadcast %jit3A : f32 to vector<2000x16xf32>
    %broadcast_in_dim3A_44 = vector.broadcast %jit3A_43 : f32 to vector<2000x16xf32>
    %select_n3A_45 = arith.select %eq3A_42, %broadcast_in_dim3A, %broadcast_in_dim3A_44 : vector<2000x16xi1>, vector<2000x16xf32>
    %swap3A = arith.constant 0 : index
    %swap3A_46 = arith.constant 0 : index
    %swap3A_47 = arith.constant 0 : index
    %swap3A_48 = vector.load %arg11[%swap3A, %swap3A_46, %swap3A_47] : memref<2x2000x144xf32, #tpu.memory_space<vmem>>, vector<1x2000x128xf32>
    %swap3A_49 = vector.shape_cast %swap3A_48 : vector<1x2000x128xf32> to vector<2000x128xf32>
    %swap3A_50 = vector.shape_cast %get3A_1 : vector<2000x128xf32> to vector<1x2000x128xf32>
    tpu.vector_store %arg11[%swap3A, %swap3A_46, %swap3A_47], %swap3A_50 {strides = array<i32>} : memref<2x2000x144xf32, #tpu.memory_space<vmem>>, vector<1x2000x128xf32>,
    %swap3A_51 = arith.constant 0 : index
    %swap3A_52 = arith.constant 0 : index
    %swap3A_53 = arith.constant 128 : index
    %swap3A_54 = vector.load %arg11[%swap3A_51, %swap3A_52, %swap3A_53] : memref<2x2000x144xf32, #tpu.memory_space<vmem>>, vector<1x2000x16xf32>
    %swap3A_55 = vector.shape_cast %swap3A_54 : vector<1x2000x16xf32> to vector<2000x16xf32>
    %swap3A_56 = vector.shape_cast %select_n3A_45 : vector<2000x16xf32> to vector<1x2000x16xf32>
    tpu.vector_store %arg11[%swap3A_51, %swap3A_52, %swap3A_53], %swap3A_56 {strides = array<i32>} : memref<2x2000x144xf32, #tpu.memory_space<vmem>>, vector<1x2000x16xf32>,
    %swap3A_57 = arith.constant 1 : index
    %swap3A_58 = arith.constant 0 : index
    %swap3A_59 = arith.constant 0 : index
    %swap3A_60 = vector.load %arg11[%swap3A_57, %swap3A_58, %swap3A_59] : memref<2x2000x144xf32, #tpu.memory_space<vmem>>, vector<1x2000x128xf32>
    %swap3A_61 = vector.shape_cast %swap3A_60 : vector<1x2000x128xf32> to vector<2000x128xf32>
    %swap3A_62 = vector.shape_cast %add3A_40 : vector<2000x128xf32> to vector<1x2000x128xf32>
    tpu.vector_store %arg11[%swap3A_57, %swap3A_58, %swap3A_59], %swap3A_62 {strides = array<i32>} : memref<2x2000x144xf32, #tpu.memory_space<vmem>>, vector<1x2000x128xf32>,
    %swap3A_63 = arith.constant 1 : index
    %swap3A_64 = arith.constant 0 : index
    %swap3A_65 = arith.constant 128 : index
    %swap3A_66 = vector.load %arg11[%swap3A_63, %swap3A_64, %swap3A_65] : memref<2x2000x144xf32, #tpu.memory_space<vmem>>, vector<1x2000x16xf32>
    %swap3A_67 = vector.shape_cast %swap3A_66 : vector<1x2000x16xf32> to vector<2000x16xf32>
    %swap3A_68 = vector.shape_cast %select_n3A_45 : vector<2000x16xf32> to vector<1x2000x16xf32>
    tpu.vector_store %arg11[%swap3A_63, %swap3A_64, %swap3A_65], %swap3A_68 {strides = array<i32>} : memref<2x2000x144xf32, #tpu.memory_space<vmem>>, vector<1x2000x16xf32>,
    %eq3A_69 = arith.constant 0 : i32
    %eq3A_70 = arith.cmpi eq, %arg0, %eq3A_69 : i32
    %convert_element_type3A = arith.extui %eq3A_70 : i1 to i32
    %cond3A = arith.constant 0 : i32
    %cond3A_71 = arith.cmpi ne, %convert_element_type3A, %cond3A : i32
    scf.if %cond3A_71 {
      %get3A_72 = arith.constant 0 : index
      %get3A_73 = arith.constant 0 : index
      %get3A_74 = vector.load %arg2[%get3A_72, %get3A_73] : memref<2500x128xi32, #tpu.memory_space<vmem>>, vector<2500x128xi32>
      %get3A_75 = arith.constant 0 : index
      %get3A_76 = arith.constant 0 : index
      %get3A_77 = vector.load %arg3[%get3A_75, %get3A_76] : memref<2500x128xi32, #tpu.memory_space<vmem>>, vector<2500x128xi32>
      %mul3A_78 = arith.constant 10000 : i32
      %mul3A_79 = vector.broadcast %mul3A_78 : i32 to vector<2500x128xi32>
      %mul3A_80 = arith.muli %get3A_77, %mul3A_79 : vector<2500x128xi32>
      %add3A_81 = arith.addi %get3A_74, %mul3A_80 : vector<2500x128xi32>
      %mul3A_82 = arith.constant 32768 : i32
      %mul3A_83 = vector.broadcast %mul3A_82 : i32 to vector<2500x128xi32>
      %mul3A_84 = arith.muli %add3A_81, %mul3A_83 : vector<2500x128xi32>
      %get3A_85 = arith.constant 0 : index
      %get3A_86 = arith.constant 0 : index
      %get3A_87 = vector.load %arg4[%get3A_85, %get3A_86] : memref<2500x128xi32, #tpu.memory_space<vmem>>, vector<2500x128xi32>
      %add3A_88 = arith.addi %mul3A_84, %get3A_87 : vector<2500x128xi32>
      %swap3A_89 = arith.constant 0 : index
      %swap3A_90 = arith.constant 0 : index
      %swap3A_91 = vector.load %arg12[%swap3A_89, %swap3A_90] : memref<2500x128xi32, #tpu.memory_space<vmem>>, vector<2500x128xi32>
      tpu.vector_store %arg12[%swap3A_89, %swap3A_90], %add3A_88 {strides = array<i32>} : memref<2500x128xi32, #tpu.memory_space<vmem>>, vector<2500x128xi32>,
    } else {
    }
    return
  }
  func.func @transform_0(%arg0: i32) -> (i32, i32) {
    %c0_i32 = arith.constant 0 : i32
    %c0_i32_0 = arith.constant 0 : i32
    return %arg0, %c0_i32 : i32, i32
  }
  func.func @transform_1(%arg0: i32) -> (i32, i32) {
    %c0_i32 = arith.constant 0 : i32
    %c0_i32_0 = arith.constant 0 : i32
    %c0_i32_1 = arith.constant 0 : i32
    return %c0_i32, %c0_i32_0 : i32, i32
  }
  func.func @transform_2(%arg0: i32) -> (i32, i32) {
    %c0_i32 = arith.constant 0 : i32
    %c0_i32_0 = arith.constant 0 : i32
    %c0_i32_1 = arith.constant 0 : i32
    return %c0_i32, %c0_i32_0 : i32, i32
  }
  func.func @transform_3(%arg0: i32) -> (i32, i32) {
    %c0_i32 = arith.constant 0 : i32
    %c0_i32_0 = arith.constant 0 : i32
    %c0_i32_1 = arith.constant 0 : i32
    return %c0_i32, %c0_i32_0 : i32, i32
  }
  func.func @transform_4(%arg0: i32) -> (i32, i32) {
    %c0_i32 = arith.constant 0 : i32
    %c0_i32_0 = arith.constant 0 : i32
    %c0_i32_1 = arith.constant 0 : i32
    return %c0_i32, %c0_i32_0 : i32, i32
  }
  func.func @transform_5(%arg0: i32) -> (i32, i32) {
    %c0_i32 = arith.constant 0 : i32
    %c0_i32_0 = arith.constant 0 : i32
    %c0_i32_1 = arith.constant 0 : i32
    return %c0_i32, %c0_i32_0 : i32, i32
  }
  func.func @transform_6(%arg0: i32) -> (i32, i32) {
    %c0_i32 = arith.constant 0 : i32
    %c0_i32_0 = arith.constant 0 : i32
    %c0_i32_1 = arith.constant 0 : i32
    return %c0_i32, %c0_i32_0 : i32, i32
  }
  func.func @transform_7(%arg0: i32) -> (i32, i32) {
    %c0_i32 = arith.constant 0 : i32
    %c0_i32_0 = arith.constant 0 : i32
    %c0_i32_1 = arith.constant 0 : i32
    return %c0_i32, %c0_i32_0 : i32, i32
  }
  func.func @transform_8(%arg0: i32) -> (i32, i32) {
    %c0_i32 = arith.constant 0 : i32
    %c0_i32_0 = arith.constant 0 : i32
    %c0_i32_1 = arith.constant 0 : i32
    return %c0_i32, %c0_i32_0 : i32, i32
  }
  func.func @transform_9(%arg0: i32) -> (i32, i32) {
    %c0_i32 = arith.constant 0 : i32
    %c0_i32_0 = arith.constant 0 : i32
    %c0_i32_1 = arith.constant 0 : i32
    return %c0_i32, %c0_i32_0 : i32, i32
  }
  func.func @transform_10(%arg0: i32) -> (i32, i32, i32) {
    %c0_i32 = arith.constant 0 : i32
    %c0_i32_0 = arith.constant 0 : i32
    %c0_i32_1 = arith.constant 0 : i32
    return %c0_i32, %arg0, %c0_i32_0 : i32, i32, i32
  }
  func.func @transform_11(%arg0: i32) -> (i32, i32) {
    %c0_i32 = arith.constant 0 : i32
    %c0_i32_0 = arith.constant 0 : i32
    %c0_i32_1 = arith.constant 0 : i32
    return %c0_i32, %c0_i32_0 : i32, i32
  }
}

module attributes {stable_mosaic.version = 14 : i64} {
  func.func @_final_body(%arg0: i32, %arg1: memref<2x2000x144xf32, #tpu.memory_space<vmem>>, %arg2: memref<128x64xf32, #tpu.memory_space<vmem>>, %arg3: memref<1x64xf32, #tpu.memory_space<vmem>>, %arg4: memref<64x64xf32, #tpu.memory_space<vmem>>, %arg5: memref<1x64xf32, #tpu.memory_space<vmem>>, %arg6: memref<64x128xf32, #tpu.memory_space<vmem>>, %arg7: memref<1x128xf32, #tpu.memory_space<vmem>>, %arg8: memref<2000x128xf32, #tpu.memory_space<vmem>>) attributes {dimension_semantics = [#tpu.dimension_semantics<arbitrary>], iteration_bounds = array<i64: 5>, scalar_prefetch = 0 : i64, scratch_operands = 0 : i64, tpu.core_type = #tpu.core_type<tc>, window_params = [{transform_indices = @transform_0, window_bounds = array<i64: 2, 2000, 144>}, {pipeline_mode = #tpu.pipeline_mode<synchronous>, transform_indices = @transform_1, window_bounds = array<i64: 128, 64>}, {pipeline_mode = #tpu.pipeline_mode<synchronous>, transform_indices = @transform_2, window_bounds = array<i64: 1, 64>}, {pipeline_mode = #tpu.pipeline_mode<synchronous>, transform_indices = @transform_3, window_bounds = array<i64: 64, 64>}, {pipeline_mode = #tpu.pipeline_mode<synchronous>, transform_indices = @transform_4, window_bounds = array<i64: 1, 64>}, {pipeline_mode = #tpu.pipeline_mode<synchronous>, transform_indices = @transform_5, window_bounds = array<i64: 64, 128>}, {pipeline_mode = #tpu.pipeline_mode<synchronous>, transform_indices = @transform_6, window_bounds = array<i64: 1, 128>}, {transform_indices = @transform_7, window_bounds = array<i64: 2000, 128>}]} {
    %get3A = arith.constant 0 : index
    %get3A_0 = arith.constant 0 : index
    %get3A_1 = arith.constant 0 : index
    %get3A_2 = vector.load %arg1[%get3A, %get3A_0, %get3A_1] : memref<2x2000x144xf32, #tpu.memory_space<vmem>>, vector<1x2000x144xf32>
    %get3A_3 = vector.shape_cast %get3A_2 : vector<1x2000x144xf32> to vector<2000x144xf32>
    %get3A_4 = arith.constant 1 : index
    %get3A_5 = arith.constant 0 : index
    %get3A_6 = arith.constant 0 : index
    %get3A_7 = vector.load %arg1[%get3A_4, %get3A_5, %get3A_6] : memref<2x2000x144xf32, #tpu.memory_space<vmem>>, vector<1x2000x144xf32>
    %get3A_8 = vector.shape_cast %get3A_7 : vector<1x2000x144xf32> to vector<2000x144xf32>
    %add3A = arith.addf %get3A_3, %get3A_8 : vector<2000x144xf32>
    %slice3A = vector.extract_strided_slice %add3A {offsets = [0, 128], sizes = [2000, 1], strides = [1, 1]} : vector<2000x144xf32> to vector<2000x1xf32>
    %slice3A_9 = vector.extract_strided_slice %add3A {offsets = [0, 0], sizes = [2000, 128], strides = [1, 1]} : vector<2000x144xf32> to vector<2000x128xf32>
    %max3A = arith.constant 1.000000e+00 : f32
    %max3A_10 = vector.broadcast %max3A : f32 to vector<2000x1xf32>
    %max3A_11 = arith.maximumf %slice3A, %max3A_10 : vector<2000x1xf32>
    %div3A = vector.broadcast %max3A_11 : vector<2000x1xf32> to vector<2000x128xf32>
    %div3A_12 = arith.divf %slice3A_9, %div3A : vector<2000x128xf32>
    %get3A_13 = arith.constant 0 : index
    %get3A_14 = arith.constant 0 : index
    %get3A_15 = vector.load %arg2[%get3A_13, %get3A_14] : memref<128x64xf32, #tpu.memory_space<vmem>>, vector<128x64xf32>
    %dot_general3A = arith.constant dense<0.000000e+00> : vector<2000x64xf32>
    %dot_general3A_16 = tpu.matmul %div3A_12, %get3A_15, %dot_general3A {dimension_numbers = #tpu.dot_dimension_numbers<[1], [0], [0], [1], [0, 0, 1, 1], [], []>, transpose_lhs_hint = false} : vector<2000x128xf32>, vector<128x64xf32>, vector<2000x64xf32> -> vector<2000x64xf32>
    %get3A_17 = arith.constant 0 : index
    %get3A_18 = arith.constant 0 : index
    %get3A_19 = vector.load %arg3[%get3A_17, %get3A_18] : memref<1x64xf32, #tpu.memory_space<vmem>>, vector<1x64xf32>
    %add3A_20 = vector.broadcast %get3A_19 : vector<1x64xf32> to vector<2000x64xf32>
    %add3A_21 = arith.addf %dot_general3A_16, %add3A_20 : vector<2000x64xf32>
    %gt3A = arith.constant 0.000000e+00 : f32
    %gt3A_22 = vector.broadcast %gt3A : f32 to vector<2000x64xf32>
    %gt3A_23 = arith.cmpf ogt, %add3A_21, %gt3A_22 : vector<2000x64xf32>
    %mul3A = arith.constant 0.00999999977 : f32
    %mul3A_24 = vector.broadcast %mul3A : f32 to vector<2000x64xf32>
    %mul3A_25 = arith.mulf %mul3A_24, %add3A_21 : vector<2000x64xf32>
    %select_n3A = arith.select %gt3A_23, %add3A_21, %mul3A_25 : vector<2000x64xi1>, vector<2000x64xf32>
    %get3A_26 = arith.constant 0 : index
    %get3A_27 = arith.constant 0 : index
    %get3A_28 = vector.load %arg4[%get3A_26, %get3A_27] : memref<64x64xf32, #tpu.memory_space<vmem>>, vector<64x64xf32>
    %dot_general3A_29 = arith.constant dense<0.000000e+00> : vector<2000x64xf32>
    %dot_general3A_30 = tpu.matmul %select_n3A, %get3A_28, %dot_general3A_29 {dimension_numbers = #tpu.dot_dimension_numbers<[1], [0], [0], [1], [0, 0, 1, 1], [], []>, transpose_lhs_hint = false} : vector<2000x64xf32>, vector<64x64xf32>, vector<2000x64xf32> -> vector<2000x64xf32>
    %get3A_31 = arith.constant 0 : index
    %get3A_32 = arith.constant 0 : index
    %get3A_33 = vector.load %arg5[%get3A_31, %get3A_32] : memref<1x64xf32, #tpu.memory_space<vmem>>, vector<1x64xf32>
    %add3A_34 = vector.broadcast %get3A_33 : vector<1x64xf32> to vector<2000x64xf32>
    %add3A_35 = arith.addf %dot_general3A_30, %add3A_34 : vector<2000x64xf32>
    %gt3A_36 = arith.constant 0.000000e+00 : f32
    %gt3A_37 = vector.broadcast %gt3A_36 : f32 to vector<2000x64xf32>
    %gt3A_38 = arith.cmpf ogt, %add3A_35, %gt3A_37 : vector<2000x64xf32>
    %mul3A_39 = arith.constant 0.00999999977 : f32
    %mul3A_40 = vector.broadcast %mul3A_39 : f32 to vector<2000x64xf32>
    %mul3A_41 = arith.mulf %mul3A_40, %add3A_35 : vector<2000x64xf32>
    %select_n3A_42 = arith.select %gt3A_38, %add3A_35, %mul3A_41 : vector<2000x64xi1>, vector<2000x64xf32>
    %get3A_43 = arith.constant 0 : index
    %get3A_44 = arith.constant 0 : index
    %get3A_45 = vector.load %arg6[%get3A_43, %get3A_44] : memref<64x128xf32, #tpu.memory_space<vmem>>, vector<64x128xf32>
    %dot_general3A_46 = arith.constant dense<0.000000e+00> : vector<2000x128xf32>
    %dot_general3A_47 = tpu.matmul %select_n3A_42, %get3A_45, %dot_general3A_46 {dimension_numbers = #tpu.dot_dimension_numbers<[1], [0], [0], [1], [0, 0, 1, 1], [], []>, transpose_lhs_hint = false} : vector<2000x64xf32>, vector<64x128xf32>, vector<2000x128xf32> -> vector<2000x128xf32>
    %get3A_48 = arith.constant 0 : index
    %get3A_49 = arith.constant 0 : index
    %get3A_50 = vector.load %arg7[%get3A_48, %get3A_49] : memref<1x128xf32, #tpu.memory_space<vmem>>, vector<1x128xf32>
    %add3A_51 = vector.broadcast %get3A_50 : vector<1x128xf32> to vector<2000x128xf32>
    %add3A_52 = arith.addf %dot_general3A_47, %add3A_51 : vector<2000x128xf32>
    %swap3A = arith.constant 0 : index
    %swap3A_53 = arith.constant 0 : index
    %swap3A_54 = vector.load %arg8[%swap3A, %swap3A_53] : memref<2000x128xf32, #tpu.memory_space<vmem>>, vector<2000x128xf32>
    tpu.vector_store %arg8[%swap3A, %swap3A_53], %add3A_52 {strides = array<i32>} : memref<2000x128xf32, #tpu.memory_space<vmem>>, vector<2000x128xf32>,
    return
  }
  func.func @transform_0(%arg0: i32) -> (i32, i32, i32) {
    %c0_i32 = arith.constant 0 : i32
    %c0_i32_0 = arith.constant 0 : i32
    %c0_i32_1 = arith.constant 0 : i32
    return %c0_i32, %arg0, %c0_i32_0 : i32, i32, i32
  }
  func.func @transform_1(%arg0: i32) -> (i32, i32) {
    %c0_i32 = arith.constant 0 : i32
    %c0_i32_0 = arith.constant 0 : i32
    %c0_i32_1 = arith.constant 0 : i32
    return %c0_i32, %c0_i32_0 : i32, i32
  }
  func.func @transform_2(%arg0: i32) -> (i32, i32) {
    %c0_i32 = arith.constant 0 : i32
    %c0_i32_0 = arith.constant 0 : i32
    %c0_i32_1 = arith.constant 0 : i32
    return %c0_i32, %c0_i32_0 : i32, i32
  }
  func.func @transform_3(%arg0: i32) -> (i32, i32) {
    %c0_i32 = arith.constant 0 : i32
    %c0_i32_0 = arith.constant 0 : i32
    %c0_i32_1 = arith.constant 0 : i32
    return %c0_i32, %c0_i32_0 : i32, i32
  }
  func.func @transform_4(%arg0: i32) -> (i32, i32) {
    %c0_i32 = arith.constant 0 : i32
    %c0_i32_0 = arith.constant 0 : i32
    %c0_i32_1 = arith.constant 0 : i32
    return %c0_i32, %c0_i32_0 : i32, i32
  }
  func.func @transform_5(%arg0: i32) -> (i32, i32) {
    %c0_i32 = arith.constant 0 : i32
    %c0_i32_0 = arith.constant 0 : i32
    %c0_i32_1 = arith.constant 0 : i32
    return %c0_i32, %c0_i32_0 : i32, i32
  }
  func.func @transform_6(%arg0: i32) -> (i32, i32) {
    %c0_i32 = arith.constant 0 : i32
    %c0_i32_0 = arith.constant 0 : i32
    %c0_i32_1 = arith.constant 0 : i32
    return %c0_i32, %c0_i32_0 : i32, i32
  }
  func.func @transform_7(%arg0: i32) -> (i32, i32) {
    %c0_i32 = arith.constant 0 : i32
    %c0_i32_0 = arith.constant 0 : i32
    return %arg0, %c0_i32 : i32, i32
  }
}

</mosaic_0001>

<sc_bundles>
// kernel: kernel.5.cloned.1.call-start
scs
__scs_entry_jumppad:
0x0: {  	(pc) =	sbr.rel $0x88, $3  }
0x1: {  	(tag) =	ssettag $0x0;
	lr =	simm.s32 $0x1  }
0x2: {  	[smem:$0x3F92] =	sst lr;
	_ =	strace $0xD0000000  }
0x3: {  	_ = 	snop  }
0x4: {  	_ = 	snop  }
0x5: {  	_ = 	snop  }
0x6: {  	_ = 	snop  }
0x7: {  	_ = 	snop  }
__scs_overlays_trampoline_lowered:
0x8: {  	[smem:$0x3FA1] =	sst s0  }
0x9: {  	[smem:$0x3FA2] =	sst s1  }
0xa: {  	[smem:$0x3FA3] =	sst s2  }
0xb: {  	[smem:$0x3FA4] =	sst s3  }
0xc: {  	[smem:$0x3FA5] =	sst s4  }
0xd: {  	[smem:$0x3FA6] =	sst s5  }
0xe: {  	[smem:$0x3FA7] =	sst s6  }
0xf: {  	[smem:$0x3FA8] =	sst s7  }
0x10: {  	[smem:$0x3FA9] =	sst s8  }
0x11: {  	[smem:$0x3FAA] =	sst s9;
	s0 =	simm.s32 @!p0 $0x0  }
0x12: {  	s1 =	sld [smem:$0x3F90];
	s0 =	simm.s32 @p0 $0x1  }
0x13: {  	[smem:$0x3FAB] =	sst s0;
	s0 =	simm.s32 @!p1 $0x0  }
0x14: {  	s2 =	sld [smem:$0x3F8F];
	s0 =	simm.s32 @p1 $0x1  }
0x15: {  	[smem:$0x3FAC] =	sst s0;
	s0 =	simm.s32 @!p2 $0x0  }
0x16: {  	s3 =	sld [smem:$0x3FDB];
	s0 =	simm.s32 @p2 $0x1  }
0x17: {  	s4 =	simm.s32 $0x1BF5;
	[smem:$0x3FAE] =	sst s0  }
0x18: {  	s0 =	sld [smem:$0x3F91];
	_ =	swait.ge [sflag:s4], $0x0  }
0x19: {  	s7 =	sld [smem:$0x3F92]  }
0x1a: {  	s8 =	sadd.s32 $0xFFFFE003, lr  }
0x1b: {  	s9 =	sadd.s32 $0xFFFFFEF7, lr;
	s5 =	simm.s32 $0xFFFFFFFF;
	p2 =	slt.u32 s8, $0xFFFFF086  }
0x1c: {  	p1 =	slt.u32 s9, $0xF7A;
	s5 =	simm.s32 @!p2 $0x0  }
0x1d: {  	s5 =	simm.s32 @p1 $0x1;
	p0 =	seq.s32 s7, s2  }
0x1e: {  	s7 =	smul.u32 @!p0 $0xF7A, s2;
	p2 =	seq.s32 @!p0 s5, $0x0  }
0x1f: {  	s9 =	smul.u32 $0xF7A, s1;
	s8 =	simm.s32 @!p0 $0x1BF5;
	p2 =	por !p2, p0  }
0x20: {  	[sflag:s8] =	ssyncset.s32 @!p0 $0xFFFFF086;
	s6 =	sadd.s32 @!p0 s3, s7;
	s7 =	simm.s32 @!p0 $0x108  }
0x21: {  	s3 =	sadd.s32 s3, s9;
	s6 =	sadd.s32 @!p0 $0x88, s6;
	s7 =	simm.s32 @p2 $0x1082  }
0x22: {  	[simem:s7], [sflag:s8] =	dma.local @!p0 [hbm:s6], $0xF7A  }
0x23: {  	s9 =	sor.u32 $0xD0000000, s2;
	s6 =	simm.s32 $0x108;
	_ =	swait.ge @!p0 [sflag:s8], $0x0  }
0x24: {  	s3 =	sadd.s32 $0x88, s3;
	s6 =	simm.s32 @!p1 $0x1082;
	[sflag:s4] =	ssyncset.s32 $0xFFFFF086  }
0x25: {  	[simem:s6], [sflag:s4] =	dma.local [hbm:s3], $0xF7A  }
0x26: {  	[smem:$0x3F92] =	sst s1;
	(tag) =	ssettag s2;
	_ =	strace s9  }
0x27: {  	s1 =	sld [smem:$0x3FA2]  }
0x28: {  	s2 =	sld [smem:$0x3FA3]  }
0x29: {  	s4 =	sld [smem:$0x3FA5]  }
0x2a: {  	p0 =	seq.s32 s5, $0x0;
	s5 =	sld [smem:$0x3FA6]  }
0x2b: {  	s6 =	sld [smem:$0x3FA7]  }
0x2c: {  	s7 =	sld [smem:$0x3FA8]  }
0x2d: {  	s3 =	simm.s32 $0x108;
	s8 =	sld [smem:$0x3FA9]  }
0x2e: {  	s3 =	simm.s32 @!p0 $0x1082;
	s9 =	sld [smem:$0x3FAA]  }
0x2f: {  	lr =	sadd.s32 s0, s3;
	s0 =	sld [smem:$0x3FA1]  }
0x30: {  	s3 =	sld [smem:$0x3FA4]  }
0x31: {  	[smem:$0x3FAD] =	sst s10  }
0x32: {  	s10 =	sld [smem:$0x3FAB];
	_ =	sdelay $0x3  }
0x33: {  	p0 =	seq.s32 s10, $0x1;
	s10 =	sld [smem:$0x3FAD];
	_ =	sdelay $0x3  }
0x34: {  	[smem:$0x3FAD] =	sst s10  }
0x35: {  	s10 =	sld [smem:$0x3FAC];
	_ =	sdelay $0x3  }
0x36: {  	p1 =	seq.s32 s10, $0x1;
	s10 =	sld [smem:$0x3FAD];
	_ =	sdelay $0x3  }
0x37: {  	[smem:$0x3FAD] =	sst s10  }
0x38: {  	s10 =	sld [smem:$0x3FAE]  }
0x39: {  	_ = 	snop;
	(pc) =	sbr.ind lr, $3  }
0x3a: {  	_ = 	snop  }
0x3b: {  	_ = 	snop  }
0x3c: {  	p2 =	seq.s32 s10, $0x1;
	s10 =	sld [smem:$0x3FAD]  }
0x3d: {  	_ =	shalt  }
0x3e: {  	_ =	shalt  }
0x3f: {  	_ =	shalt  }
0x40: {  	_ =	shalt  }
0x41: {  	_ =	shalt  }
0x42: {  	_ =	shalt  }
0x43: {  	_ =	shalt  }
0x44: {  	_ =	shalt  }
0x45: {  	_ =	shalt  }
0x46: {  	_ =	shalt  }
0x47: {  	_ =	shalt  }
0x48: {  	_ =	shalt  }
0x49: {  	_ =	shalt  }
0x4a: {  	_ =	shalt  }
0x4b: {  	_ =	shalt  }
0x4c: {  	_ =	shalt  }
0x4d: {  	_ =	shalt  }
0x4e: {  	_ =	shalt  }
0x4f: {  	_ =	shalt  }
0x50: {  	_ =	shalt  }
0x51: {  	_ =	shalt  }
0x52: {  	_ =	shalt  }
0x53: {  	_ =	shalt  }
0x54: {  	_ =	shalt  }
0x55: {  	_ =	shalt  }
0x56: {  	_ =	shalt  }
0x57: {  	_ =	shalt  }
0x58: {  	_ =	shalt  }
0x59: {  	_ =	shalt  }
0x5a: {  	_ =	shalt  }
0x5b: {  	_ =	shalt  }
0x5c: {  	_ =	shalt  }
0x5d: {  	_ =	shalt  }
0x5e: {  	_ =	shalt  }
0x5f: {  	_ =	shalt  }
0x60: {  	_ =	shalt  }
0x61: {  	_ =	shalt  }
0x62: {  	_ =	shalt  }
0x63: {  	_ =	shalt  }
0x64: {  	_ =	shalt  }
0x65: {  	_ =	shalt  }
0x66: {  	_ =	shalt  }
0x67: {  	_ =	shalt  }
0x68: {  	_ =	shalt  }
0x69: {  	_ =	shalt  }
0x6a: {  	_ =	shalt  }
0x6b: {  	_ =	shalt  }
0x6c: {  	_ =	shalt  }
0x6d: {  	_ =	shalt  }
0x6e: {  	_ =	shalt  }
0x6f: {  	_ =	shalt  }
0x70: {  	_ =	shalt  }
0x71: {  	_ =	shalt  }
0x72: {  	_ =	shalt  }
0x73: {  	_ =	shalt  }
0x74: {  	_ =	shalt  }
0x75: {  	_ =	shalt  }
0x76: {  	_ =	shalt  }
0x77: {  	_ =	shalt  }
0x78: {  	_ =	shalt  }
0x79: {  	_ =	shalt  }
0x7a: {  	_ =	shalt  }
0x7b: {  	_ =	shalt  }
0x7c: {  	_ =	shalt  }
0x7d: {  	_ =	shalt  }
0x7e: {  	_ =	shalt  }
0x7f: {  	_ =	shalt  }
0x80: {  	_ =	shalt  }
0x81: {  	_ =	shalt  }
0x82: {  	_ =	shalt  }
0x83: {  	_ =	shalt  }
0x84: {  	_ =	shalt  }
0x85: {  	_ =	shalt  }
0x86: {  	_ =	shalt  }
0x87: {  	_ =	shalt  }
.Lfunc_end0:
.L_simem_size_0:
called_computation_lowered:
.L_overlay_start_0:
0x88: {  	s2 =	sld [smem:$0x3FD9]  }
0x89: {  	s3 =	sld [smem:$0x3FFE];
	_ =	sdelay $0x1  }
0x8a: {  	s1 =	srdreg.scid  }
0x8b: {  	s0 =	sand.u32 $0x1, s1  }
0x8c: {  	s17 =	sshll.u32 s0, $0xA;
	s2 =	sadd.s32 s3, s2  }
0x8d: {  	s2 =	sadd.s32 s2, s17  }
0x8e: {  	[smem:$0x3FB9] =	sst s2  }
0x8f: {  	_ = 	snop  }
0x90: {  	s2 =	sld [smem:$0x3FD0];
	(tm) =	ssettm $0x1  }
0x91: {  	s18 =	sld [smem:$0x3FFB];
	_ =	sdelay $0x3  }
0x92: {  	_ =	strace s18  }
0x93: {  	s3 =	sld [smem:$0x3FFC];
	_ =	sdelay $0x3  }
0x94: {  	_ =	strace s3  }
0x95: {  	s3 =	sld [smem:$0x3FFD];
	_ =	sdelay $0x3  }
0x96: {  	_ =	strace s3  }
0x97: {  	_ =	strace $0x8FFFFFFF  }
0x98: {  	s19 =	sld [smem:$0x3FDB];
	_ =	sdelay $0x1  }
0x99: {  	s4 =	simm.s32 $_scs_section_size  }
0x9a: {  	s5 =	simm.s32 $_size__tile_overlayer_lowered;
	s6 =	simm.s32 $_tile_overlayer_lowered  }
0x9b: {  	s22 =	simm.s32 $0x1BFF;
	s21 =	sshll.u32 s6, $0x1;
	s3 =	sadd.s32 s4, s19  }
0x9c: {  	s7 =	simm.s32 $0x0;
	s20 =	sshll.u32 s5, $0x1;
	s5 =	sadd.s32 s21, s3  }
0x9d: {  	[timem:s7], [sflag:s22] =	dma.local [hbm:s5], s20  }
0x9e: {  	_ =	swait.ge [sflag:s22], s20  }
0x9f: {  	s4 =	ssub.s32 $0x0, s20;
	[sflag:s22] =	ssyncset.done $0x0  }
0xa0: {  	[sflag:s22] =	ssyncadd.s32 s4;
	_ =	sdelay $0x1  }
0xa1: {  	s23 =	simm.s32 $0x1B8B  }
0xa2: {  	_ =	swait.ge [sflag:s23], $0x1  }
0xa3: {  	[sflag:s23] =	ssyncset.done $0x0  }
0xa4: {  	s25 =	simm.s32 $0x1B8E;
	s24 =	sld [smem:$0x3FFE];
	[sflag:s23] =	ssyncadd.s32 $0xFFFFFFFF  }
0xa5: {  	s26 =	simm.s32 $execute0_lowered;
	[smem:$0x3FD2] =	sst s25  }
0xa6: {  	s5 =	sshll.u32 s26, $0x1;
	_ =	strace $0x80000046;
	[dreg:$0x1] =	wrdreg $0xFFFFFFFF  }
0xa7: {  	s28 =	simm.s32 $_size_execute0_lowered;
	s3 =	sadd.s32 s3, s5;
	[dreg:$0x0] =	wrdreg $0x0  }
0xa8: {  	s5 =	sshll.u32 s28, $0x1;
	[dreg:$0x2] =	wrdreg s3  }
0xa9: {  	[dreg:$0x3] =	wrdreg s5  }
0xaa: {  	[dreg:$0x4] =	wrdreg $0xC0  }
0xab: {  	_ =	task [dreg:s7], $0x5FFFF  }
0xac: {  	[dreg:$0x1] =	wrdreg $0xFFFFFFFF  }
0xad: {  	[dreg:$0x0] =	wrdreg $0x60  }
0xae: {  	[dreg:$0x2] =	wrdreg s24  }
0xaf: {  	[dreg:$0x3] =	wrdreg s2  }
0xb0: {  	[dreg:$0x4] =	wrdreg $0x0  }
0xb1: {  	[dreg:$0x5] =	wrdreg $0x9  }
0xb2: {  	_ =	task.clear_ibuf [dreg:s7], $0x6FFFF;
	_ =	strace $0x90000046  }
0xb3: {  	s29 =	simm.s32 $0x9;
	_ =	strace $0x80000048  }
0xb4: {  	_ =	swait.ge [sflag:s29], $0x1  }
0xb5: {  	[sflag:s29] =	ssyncadd.s32 $0xFFFFFFFF  }
0xb6: {  	_ =	strace $0x90000048  }
0xb7: {  	_ =	sfence  }
0xb8: {  	s30 =	sld [smem:$0x0];
	_ =	sdelay $0x2  }
0xb9: {  	s31 =	sshll.u32 s1, $0xD;
	s1 =	sshrl.u32 s1, $0x2  }
0xba: {  	s3 =	sand.u32 $0x4000, s31;
	s1 =	sadd.s32 s1, s30  }
0xbb: {  	s0 =	sor.u32 s3, s0;
	s1 =	sshll.u32 s1, $0x11  }
0xbc: {  	s0 =	sor.u32 s1, s0  }
0xbd: {  	s0 =	sadd.s32 $0x8F2B, s0  }
0xbe: {  	[sflag:s0] =	ssyncadd.remote.s32 $0x1  }
0xbf: {  	_ =	sfence.sel $0xFFFF  }
0xc0: {  	[dreg:$0x0] =	wrdreg $0xFFFFFFFF;
	(pc) =	sbr.abs _section_cstart, $3  }
0xc1: {  	[dreg:$0x1] =	wrdreg $0xFFFFFFFF  }
0xc2: {  	_ =	task.clear_ibuf [dreg:s7], $0x2FFFF;
	_ =	strace $0x9FFFFFFF  }
0xc3: {  	(tm) =	ssettm $0x7FFFFFFF  }
tec
execute0_lowered:
.L_overlay_start_1:
0x0: {  	(tag) =	ssettag $0x1  }
0x1: {  	s0 =	srdreg.scid;
	s1 =	rddreg [dreg:$0x0]  }
0x2: {  	s10 =	stileid.u32;
	s11 =	rddreg [dreg:$0x1]  }
0x3: {  	s3 =	rddreg [dreg:$0x2];
	s4 =	simm.s32 $0x0;
	s28 =	simm.s32 $0x5  }
0x4: {  	s29 =	simm.s32 $0x161C0;
	s30 =	simm.s32 $0x8;
	s31 =	simm.s32 $0x9  }
0x5: {  	s0 =	sand.u32 $0x1, s0;
	s2 =	sshll.u32 s10, $0x1;
	s6 =	smul.u32 $0x271, s10  }
0x6: {  	[smem:$0x7FF] =	sst s4;
	s8 =	smul.u32 $0x57E40, s10;
	s5 =	sadd.s32 $0x9DE00, s1  }
0x7: {  	s1 =	sadd.s32 $0x1A00, s1;
	s14 =	smul.u32 $0x4E20, s10;
	s10 =	simm.s32 $0x0  }
0x8: {  	s2 =	sor.u32 s0, s2;
	s7 =	ssub.s32 $0x2, s0;
	_ =	strace $0x80000047  }
0x9: {  	s0 =	smul.u32 $0x2710, s0;
	s9 =	sshrl.u32 s7, $0x1;
	s8 =	sshrl.u32 s8, $0x2  }
0xa: {  	s2 =	smul.u32 $0x2710, s2;
	s7 =	ssub.s32 s7, s9;
	s15 =	sadd.s32 s8, s3  }
0xb: {  	s6 =	sadd.s32 s6, s0;
	s25 =	sadd.s32 $0x2D00, s15;
	[dreg:$0x5] =	wrdreg s15  }
0xc: {  	s0 =	sadd.s32 s0, s14;
	s26 =	sadd.s32 $0x5A00, s15;
	[dreg:$0x8] =	wrdreg s25  }
0xd: {  	s8 =	simm.s32 $0x28;
	s9 =	sadd.s32 $0x8700, s15;
	[dreg:$0x9] =	wrdreg s26  }
0xe: {  	s2 =	sshrl.u32 s2, $0x3;
	s12 =	sadd.s32 $0xB400, s15;
	[dreg:$0xa] =	wrdreg s9  }
0xf: {  	s14 =	simm.s32 $0x16260;
	s21 =	sadd.s32 s11, s2;
	[dreg:$0xb] =	wrdreg s12  }
0x10: {  	s22 =	smul.u32 $0x90, s6;
	s25 =	sadd.s32 $0x10E00, s15;
	[dreg:$0x4] =	wrdreg s21  }
0x11: {  	s6 =	smul.u32 $0x12, s6;
	s26 =	sadd.s32 $0x13B00, s15;
	[dreg:$0x17] =	wrdreg s25  }
0x12: {  	s12 =	simm.s32 $0x4;
	s23 =	sadd.s32 $0xA, s21;
	[dreg:$0x18] =	wrdreg s26  }
0x13: {  	s24 =	sadd.s32 $0x14, s21;
	s2 =	sshrl.u32 s22, $0x3;
	[dreg:$0x6] =	wrdreg s23  }
0x14: {  	[dreg:$0x7] =	wrdreg s24;
	s2 =	sadd.s32 s1, s2;
	s1 =	sadd.s32 s1, s6  }
0x15: {  	s22 =	sadd.s32 $0x190, s0;
	s24 =	smax.u32 s7, $0x1;
	[dreg:$0xc] =	wrdreg s1  }
0x16: {  	s23 =	sadd.s32 $0x140, s0;
	s0 =	sadd.s32 $0xF0, s0;
	[dreg:$0x14] =	wrdreg s24  }
0x17: {  	s26 =	simm.s32 $0x16170;
	s13 =	sadd.s32 $0x5A0, s2;
	[dreg:$0x15] =	wrdreg s0  }
0x18: {  	s6 =	simm.s32 $0x3;
	s16 =	sadd.s32 $0xB40, s2;
	[dreg:$0xd] =	wrdreg s13  }
0x19: {  	s7 =	simm.s32 $0x6;
	s17 =	sadd.s32 $0x10E0, s2;
	[dreg:$0xe] =	wrdreg s16  }
0x1a: {  	s18 =	sadd.s32 $0x1680, s2;
	s19 =	sadd.s32 $0x1C20, s2;
	[dreg:$0xf] =	wrdreg s17  }
0x1b: {  	s20 =	sadd.s32 $0x21C0, s2;
	s21 =	sadd.s32 $0x2760, s2;
	[dreg:$0x10] =	wrdreg s18  }
0x1c: {  	s1 =	sshrl.u32 s22, $0x3;
	s2 =	sshrl.u32 s23, $0x3;
	[dreg:$0x11] =	wrdreg s19  }
0x1d: {  	s0 =	simm.s32 $0x1BC60;
	s22 =	simm.s32 $0x7;
	[dreg:$0x12] =	wrdreg s20  }
.Ltmp0:
0x1e: {  	[dreg:$0x13] =	wrdreg s21;
	s23 =	sadd.s32 s1, s11;
	(pc) =	sbr.rel .LBB2_1-.Ltmp0, $4  }
0x1f: {  	s24 =	sadd.s32 s2, s11;
	s11 =	sadd.s32 $0xE100, s15;
	s1 =	simm.s32 $0x1  }
0x20: {  	s16 =	simm.s32 $0x178E0;
	s17 =	simm.s32 $0x2;
	s18 =	simm.s32 $0x160D0  }
0x21: {  	s19 =	simm.s32 $0x18F60;
	s20 =	simm.s32 $0x160F8;
	s21 =	simm.s32 $0x1A5E0  }
0x22: {  	v0 =	vimm.f32 $0.0e+00;
	s13 =	simm.s32 $0x50;
	s2 =	simm.s32 $0x16210;
	[dreg:$0x16] =	wrdreg s11  }
.LBB2_6:
0x23: {  	_ =	swait.ge [sflag:s12], $0x1680  }
0x24: {  	[sflag:s12] =	ssyncset.done $0x0  }
0x25: {  	[sflag:s12] =	ssyncadd.s32 $0xFFFFE980  }
0x26: {  	_ =	swait.ge [sflag:s12], $0x1680  }
0x27: {  	[sflag:s12] =	ssyncset.done $0x0  }
0x28: {  	[sflag:s12] =	ssyncadd.s32 $0xFFFFE980  }
0x29: {  	[spmem:s3] =	stream.indirect.scatter.add.f32 [tilespmem:s14], [sflag:$0x7], $0x90, s26, s13, $0xb8;
	[tilespmem:$0x1E960] =	vst v63  }
0x2a: {  	_ =	swait.ge [sflag:s28], $0x1680  }
0x2b: {  	[sflag:s28] =	ssyncset.done $0x0  }
0x2c: {  	[sflag:s28] =	ssyncadd.s32 $0xFFFFE980  }
0x2d: {  	_ =	swait.ge [sflag:s28], $0x1680  }
0x2e: {  	[sflag:s28] =	ssyncset.done $0x0  }
0x2f: {  	[sflag:s28] =	ssyncadd.s32 $0xFFFFE980  }
0x30: {  	[spmem:s3] =	stream.indirect.scatter.add.f32 [tilespmem:s19], [sflag:$0x8], $0x90, s29, s13, $0xb8;
	[tilespmem:$0x1E960] =	vst v63  }
0x31: {  	_ =	swait.ge [sflag:s22], $0x2D00  }
0x32: {  	[sflag:s22] =	ssyncset.done $0x0  }
0x33: {  	[sflag:s22] =	ssyncadd.s32 $0xFFFFD300  }
0x34: {  	_ =	swait.ge [sflag:s30], $0x2D00  }
0x35: {  	[sflag:s30] =	ssyncset.done $0x0  }
0x36: {  	[sflag:s30] =	ssyncadd.s32 $0xFFFFD300  }
0x37: {  	[bflag:$0x0] =	sbarrier.arrive $0xFFFF  }
0x38: {  	s15 =	rddreg [dreg:$0x5]  }
0x39: {  	[tilespmem:s14], [sflag:$0x4] =	stream.linear.gather [spmem:s15], $0x2D00, $0x38;
	[tilespmem:$0x1E960] =	vst v63  }
0x3a: {  	s9 =	rddreg [dreg:$0x8]  }
0x3b: {  	[tilespmem:s19], [sflag:$0x5] =	stream.linear.gather [spmem:s9], $0x2D00, $0x38;
	[tilespmem:$0x1E960] =	vst v63  }
0x3c: {  	_ =	swait.ge [sflag:s12], $0x2D00  }
0x3d: {  	[sflag:s12] =	ssyncset.done $0x0  }
0x3e: {  	s11 =	rddreg [dreg:$0xc];
	[sflag:s12] =	ssyncadd.s32 $0xFFFFD300  }
0x3f: {  	[hbm4b:s11+s4] =	stream.linear.scatter [tilespmem:s14], [sflag:$0x7], $0x2D00, $0x38;
	[tilespmem:$0x1E960] =	vst v63  }
0x40: {  	s25 =	rddreg [dreg:$0x9]  }
0x41: {  	[tilespmem:s0], [sflag:$0x6] =	stream.linear.gather [spmem:s25], $0x2D00, $0x38;
	[tilespmem:$0x1E960] =	vst v63  }
0x42: {  	_ =	swait.ge [sflag:s28], $0x2D00  }
0x43: {  	[sflag:s28] =	ssyncset.done $0x0  }
0x44: {  	s10 =	rddreg [dreg:$0xd];
	[sflag:s28] =	ssyncadd.s32 $0xFFFFD300  }
0x45: {  	[hbm4b:s10+s4] =	stream.linear.scatter [tilespmem:s19], [sflag:$0x8], $0x2D00, $0x38;
	[tilespmem:$0x1E960] =	vst v63  }
0x46: {  	_ =	swait.ge [sflag:s22], $0x2D00  }
0x47: {  	[sflag:s22] =	ssyncset.done $0x0  }
0x48: {  	s11 =	rddreg [dreg:$0xa];
	[sflag:s22] =	ssyncadd.s32 $0xFFFFD300  }
0x49: {  	[tilespmem:s14], [sflag:$0x4] =	stream.linear.gather [spmem:s11], $0x2D00, $0x38;
	[tilespmem:$0x1E960] =	vst v63  }
0x4a: {  	_ =	swait.ge [sflag:s7], $0x2D00  }
0x4b: {  	[sflag:s7] =	ssyncset.done $0x0  }
0x4c: {  	s25 =	rddreg [dreg:$0xe];
	[sflag:s7] =	ssyncadd.s32 $0xFFFFD300  }
0x4d: {  	[hbm4b:s25+s4] =	stream.linear.scatter [tilespmem:s0], [sflag:$0x9], $0x2D00, $0x38;
	[tilespmem:$0x1E960] =	vst v63  }
0x4e: {  	_ =	swait.ge [sflag:s30], $0x2D00  }
0x4f: {  	[sflag:s30] =	ssyncset.done $0x0  }
0x50: {  	s10 =	rddreg [dreg:$0xb];
	[sflag:s30] =	ssyncadd.s32 $0xFFFFD300  }
0x51: {  	[tilespmem:s19], [sflag:$0x5] =	stream.linear.gather [spmem:s10], $0x2D00, $0x38;
	[tilespmem:$0x1E960] =	vst v63  }
0x52: {  	_ =	swait.ge [sflag:s12], $0x2D00  }
0x53: {  	[sflag:s12] =	ssyncset.done $0x0  }
0x54: {  	s11 =	rddreg [dreg:$0xf];
	[sflag:s12] =	ssyncadd.s32 $0xFFFFD300  }
0x55: {  	[hbm4b:s11+s4] =	stream.linear.scatter [tilespmem:s14], [sflag:$0x7], $0x2D00, $0x38;
	[tilespmem:$0x1E960] =	vst v63  }
0x56: {  	_ =	swait.ge [sflag:s31], $0x2D00  }
0x57: {  	[sflag:s31] =	ssyncset.done $0x0  }
0x58: {  	s11 =	rddreg [dreg:$0x16];
	[sflag:s31] =	ssyncadd.s32 $0xFFFFD300  }
0x59: {  	[tilespmem:s0], [sflag:$0x6] =	stream.linear.gather [spmem:s11], $0x2D00, $0x38;
	[tilespmem:$0x1E960] =	vst v63  }
0x5a: {  	_ =	swait.ge [sflag:s28], $0x2D00  }
0x5b: {  	[sflag:s28] =	ssyncset.done $0x0  }
0x5c: {  	s25 =	rddreg [dreg:$0x10];
	[sflag:s28] =	ssyncadd.s32 $0xFFFFD300  }
0x5d: {  	[hbm4b:s25+s4] =	stream.linear.scatter [tilespmem:s19], [sflag:$0x8], $0x2D00, $0x38;
	[tilespmem:$0x1E960] =	vst v63  }
0x5e: {  	_ =	swait.ge [sflag:s22], $0x2D00  }
0x5f: {  	[sflag:s22] =	ssyncset.done $0x0  }
0x60: {  	s10 =	rddreg [dreg:$0x17];
	[sflag:s22] =	ssyncadd.s32 $0xFFFFD300  }
0x61: {  	[tilespmem:s14], [sflag:$0x4] =	stream.linear.gather [spmem:s10], $0x2D00, $0x38;
	[tilespmem:$0x1E960] =	vst v63  }
0x62: {  	_ =	swait.ge [sflag:s7], $0x2D00  }
0x63: {  	[sflag:s7] =	ssyncset.done $0x0  }
0x64: {  	s25 =	rddreg [dreg:$0x11];
	[sflag:s7] =	ssyncadd.s32 $0xFFFFD300  }
0x65: {  	[hbm4b:s25+s4] =	stream.linear.scatter [tilespmem:s0], [sflag:$0x9], $0x2D00, $0x38;
	[tilespmem:$0x1E960] =	vst v63  }
0x66: {  	_ =	swait.ge [sflag:s30], $0x2D00  }
0x67: {  	[sflag:s30] =	ssyncset.done $0x0  }
0x68: {  	s10 =	rddreg [dreg:$0x18];
	[sflag:s30] =	ssyncadd.s32 $0xFFFFD300  }
0x69: {  	[tilespmem:s19], [sflag:$0x5] =	stream.linear.gather [spmem:s10], $0x2490, $0x38;
	[tilespmem:$0x1E960] =	vst v63  }
0x6a: {  	_ =	swait.ge [sflag:s12], $0x2D00  }
0x6b: {  	[sflag:s12] =	ssyncset.done $0x0  }
0x6c: {  	s25 =	rddreg [dreg:$0x12];
	[sflag:s12] =	ssyncadd.s32 $0xFFFFD300  }
0x6d: {  	[hbm4b:s25+s4] =	stream.linear.scatter [tilespmem:s14], [sflag:$0x7], $0x2D00, $0x38;
	[tilespmem:$0x1E960] =	vst v63  }
0x6e: {  	_ =	swait.ge [sflag:s28], $0x2490  }
0x6f: {  	[sflag:s28] =	ssyncset.done $0x0  }
0x70: {  	s10 =	rddreg [dreg:$0x13];
	[sflag:s28] =	ssyncadd.s32 $0xFFFFDB70  }
0x71: {  	[hbm4b:s10+s4] =	stream.linear.scatter [tilespmem:s19], [sflag:$0x8], $0x2490, $0x38;
	[tilespmem:$0x1E960] =	vst v63  }
0x72: {  	_ =	swait.ge [sflag:s31], $0x2D00  }
0x73: {  	[sflag:s31] =	ssyncset.done $0x0  }
0x74: {  	[sflag:s31] =	ssyncadd.s32 $0xFFFFD300  }
0x75: {  	_ =	swait.ge [sflag:s22], $0x2D00  }
0x76: {  	[sflag:s22] =	ssyncset.done $0x0  }
0x77: {  	[sflag:s22] =	ssyncadd.s32 $0xFFFFD300  }
0x78: {  	_ =	swait.ge [sflag:s30], $0x2490  }
0x79: {  	s10 =	rddreg [dreg:$0x19]  }
0x7a: {  	s25 =	rddreg [dreg:$0x14];
	s10 =	sadd.s32 $0x1, s10  }
0x7b: {  	p0 =	sne.s32 s10, s25  }
.Ltmp1:
0x7c: {  	_ = 	snop;
	(pc) =	sbr.rel @!p0 .LBB2_7-.Ltmp1, $3  }
0x7d: {  	_ =	sdelay $0x1  }
0x7e: {  	[sflag:s30] =	ssyncset.done $0x0  }
0x7f: {  	[sflag:s30] =	ssyncadd.s32 $0xFFFFDB70  }
.LBB2_1:
0x80: {  	[dreg:$0x19] =	wrdreg s10  }
0x81: {  	s9 =	rddreg [dreg:$0x4];
	s25 =	simm.s32 $0x15F90  }
0x82: {  	[tilespmem:s25], [sflag:$0x1] =	stream.linear.gather [hbm4b:s9+s4], $0x50, $0x38;
	[tilespmem:$0x1E960] =	vst v63  }
0x83: {  	s10 =	rddreg [dreg:$0x6];
	s25 =	simm.s32 $0x15FE0  }
0x84: {  	[tilespmem:s25], [sflag:$0x2] =	stream.linear.gather [hbm4b:s10+s4], $0x50, $0x38;
	[tilespmem:$0x1E960] =	vst v63  }
0x85: {  	s10 =	rddreg [dreg:$0x7];
	s25 =	simm.s32 $0x16030  }
0x86: {  	[tilespmem:s25], [sflag:$0x3] =	stream.linear.gather [hbm4b:s10+s4], $0x50, $0x38;
	[tilespmem:$0x1E960] =	vst v63  }
0x87: {  	s10 =	simm.s32 $0x0;
	s25 =	simm.s32 $0x240  }
.LBB2_2:
0x88: {  	p0 =	sne.s32 s25, $0xB1C0;
	[tilespmem:s10+$0x1BCE0] =	vst v0  }
0x89: {  	[tilespmem:s10+$0x1BC60] =	vst v0  }
0x8a: {  	[tilespmem:s10+$0x1BC70] =	vst v0  }
0x8b: {  	[tilespmem:s10+$0x1BC80] =	vst v0  }
.Ltmp2:
0x8c: {  	[tilespmem:s10+$0x1BC90] =	vst v0;
	(pc) =	sbr.rel @p0 .LBB2_2-.Ltmp2, $4  }
0x8d: {  	[tilespmem:s10+$0x1BCA0] =	vst v0  }
0x8e: {  	[tilespmem:s10+$0x1BCB0] =	vst v0  }
0x8f: {  	[tilespmem:s10+$0x1BCC0] =	vst v0  }
0x90: {  	[tilespmem:s10+$0x1BCD0] =	vst v0;
	s10 =	sshra.s32 s25, $0x2;
	s25 =	sadd.s32 $0x240, s25  }
0x91: {  	[tilespmem:s10+$0x1BCE0] =	vst v0  }
0x92: {  	[tilespmem:s10+$0x1BC60] =	vst v0  }
0x93: {  	[tilespmem:s10+$0x1BC70] =	vst v0  }
0x94: {  	[tilespmem:s10+$0x1BC80] =	vst v0  }
0x95: {  	[tilespmem:s10+$0x1BC90] =	vst v0  }
0x96: {  	[tilespmem:s10+$0x1BCA0] =	vst v0  }
0x97: {  	[tilespmem:s10+$0x1BCB0] =	vst v0  }
0x98: {  	[tilespmem:s10+$0x1BCC0] =	vst v0  }
0x99: {  	[tilespmem:s10+$0x1BCD0] =	vst v0  }
0x9a: {  	[spmem:s15] =	stream.linear.scatter [tilespmem:s0], [sflag:$0x7], $0x2D00, $0x38;
	[tilespmem:$0x1E960] =	vst v63  }
0x9b: {  	s9 =	rddreg [dreg:$0x8]  }
0x9c: {  	[spmem:s9] =	stream.linear.scatter [tilespmem:s0], [sflag:$0x7], $0x2D00, $0x38;
	[tilespmem:$0x1E960] =	vst v63  }
0x9d: {  	s15 =	rddreg [dreg:$0x9]  }
0x9e: {  	[spmem:s15] =	stream.linear.scatter [tilespmem:s0], [sflag:$0x7], $0x2D00, $0x38;
	[tilespmem:$0x1E960] =	vst v63  }
0x9f: {  	s25 =	rddreg [dreg:$0xa]  }
0xa0: {  	[spmem:s25] =	stream.linear.scatter [tilespmem:s0], [sflag:$0x7], $0x2D00, $0x38;
	[tilespmem:$0x1E960] =	vst v63  }
0xa1: {  	s10 =	rddreg [dreg:$0xb]  }
0xa2: {  	[spmem:s10] =	stream.linear.scatter [tilespmem:s0], [sflag:$0x7], $0x2D00, $0x38;
	[tilespmem:$0x1E960] =	vst v63  }
0xa3: {  	_ = 	snop  }
0xa4: {  	[spmem:s11] =	stream.linear.scatter [tilespmem:s0], [sflag:$0x7], $0x2D00, $0x38;
	[tilespmem:$0x1E960] =	vst v63  }
0xa5: {  	s11 =	rddreg [dreg:$0x17]  }
0xa6: {  	[spmem:s11] =	stream.linear.scatter [tilespmem:s0], [sflag:$0x7], $0x2D00, $0x38;
	[tilespmem:$0x1E960] =	vst v63  }
0xa7: {  	s15 =	rddreg [dreg:$0x18]  }
0xa8: {  	[spmem:s15] =	stream.linear.scatter [tilespmem:s0], [sflag:$0x7], $0x2490, $0x38;
	[tilespmem:$0x1E960] =	vst v63  }
0xa9: {  	_ =	swait.ge [sflag:s1], $0x50  }
0xaa: {  	[sflag:s1] =	ssyncset.done $0x0  }
0xab: {  	[sflag:s1] =	ssyncadd.s32 $0xFFFFFFB0  }
0xac: {  	v1 =	vld [tilespmem:$0x15F90];
	_ =	sdelay $0x1  }
0xad: {  	v2 =	vld [tilespmem:$0x15FA0];
	_ =	sdelay $0x1  }
0xae: {  	v3 =	vld [tilespmem:$0x15FB0]  }
0xaf: {  	v4 =	vshrl.u32 v1, $0xF  }
0xb0: {  	v59 =	vld [tilespmem:$0x15FC0];
	v1 =	vand.u32 $0x7FFF, v1;
	[tilespmem:$0x16080] =	vst v4  }
0xb1: {  	[tilespmem:$0x16170] =	vst v1;
	v1 =	vshrl.u32 v2, $0xF  }
0xb2: {  	[tilespmem:$0x16090] =	vst v1;
	v1 =	vand.u32 $0x7FFF, v2;
	v2 =	vld [tilespmem:$0x15FD0]  }
0xb3: {  	[tilespmem:$0x16180] =	vst v1;
	v1 =	vshrl.u32 v3, $0xF  }
0xb4: {  	[tilespmem:$0x160A0] =	vst v1;
	v1 =	vand.u32 $0x7FFF, v3  }
0xb5: {  	[tilespmem:$0x16190] =	vst v1;
	v1 =	vshrl.u32 v59, $0xF  }
0xb6: {  	[tilespmem:$0x160B0] =	vst v1;
	v1 =	vand.u32 $0x7FFF, v59  }
0xb7: {  	[tilespmem:$0x161A0] =	vst v1;
	v1 =	vshrl.u32 v2, $0xF  }
0xb8: {  	[tilespmem:$0x160C0] =	vst v1;
	v1 =	vand.u32 $0x7FFF, v2  }
0xb9: {  	s25 =	simm.s32 $0x16080;
	[tilespmem:$0x161B0] =	vst v1  }
0xba: {  	[tilespmem:s14], [sflag:$0x4] =	stream.indirect.gather [hbm4b:s5+s8], $0x90, s25, s8, $0xb8;
	[tilespmem:$0x1E960] =	vst v63  }
0xbb: {  	s10 =	simm.s32 $0x160A8  }
0xbc: {  	[tilespmem:s16], [sflag:$0x4] =	stream.indirect.gather [hbm4b:s5+s8], $0x90, s10, s8, $0xb8;
	[tilespmem:$0x1E960] =	vst v63  }
0xbd: {  	_ =	swait.ge [sflag:s17], $0x50  }
0xbe: {  	[sflag:s17] =	ssyncset.done $0x0  }
0xbf: {  	[sflag:s17] =	ssyncadd.s32 $0xFFFFFFB0  }
0xc0: {  	v1 =	vld [tilespmem:$0x15FE0];
	_ =	sdelay $0x1  }
0xc1: {  	v2 =	vld [tilespmem:$0x15FF0];
	_ =	sdelay $0x1  }
0xc2: {  	v3 =	vld [tilespmem:$0x16000]  }
0xc3: {  	v60 =	vshrl.u32 v1, $0xF  }
0xc4: {  	v61 =	vld [tilespmem:$0x16010];
	v1 =	vand.u32 $0x7FFF, v1;
	[tilespmem:$0x160D0] =	vst v60  }
0xc5: {  	[tilespmem:$0x161C0] =	vst v1;
	v1 =	vshrl.u32 v2, $0xF  }
0xc6: {  	[tilespmem:$0x160E0] =	vst v1;
	v1 =	vand.u32 $0x7FFF, v2;
	v2 =	vld [tilespmem:$0x16020]  }
0xc7: {  	[tilespmem:$0x161D0] =	vst v1;
	v1 =	vshrl.u32 v3, $0xF  }
0xc8: {  	[tilespmem:$0x160F0] =	vst v1;
	v1 =	vand.u32 $0x7FFF, v3  }
0xc9: {  	[tilespmem:$0x161E0] =	vst v1;
	v1 =	vshrl.u32 v61, $0xF  }
0xca: {  	[tilespmem:$0x16100] =	vst v1;
	v1 =	vand.u32 $0x7FFF, v61  }
0xcb: {  	[tilespmem:$0x161F0] =	vst v1;
	v1 =	vshrl.u32 v2, $0xF  }
0xcc: {  	[tilespmem:$0x16110] =	vst v1;
	v1 =	vand.u32 $0x7FFF, v2  }
0xcd: {  	[tilespmem:$0x16200] =	vst v1  }
0xce: {  	[tilespmem:s19], [sflag:$0x5] =	stream.indirect.gather [hbm4b:s5+s8], $0x90, s18, s8, $0xb8;
	[tilespmem:$0x1E960] =	vst v63  }
0xcf: {  	_ = 	snop  }
0xd0: {  	[tilespmem:s21], [sflag:$0x5] =	stream.indirect.gather [hbm4b:s5+s8], $0x90, s20, s8, $0xb8;
	[tilespmem:$0x1E960] =	vst v63  }
0xd1: {  	_ =	swait.ge [sflag:s22], $0x2D00  }
0xd2: {  	[sflag:s22] =	ssyncset.done $0x0  }
0xd3: {  	[sflag:s22] =	ssyncadd.s32 $0xFFFFD300  }
0xd4: {  	_ =	swait.ge [sflag:s22], $0x2D00  }
0xd5: {  	[sflag:s22] =	ssyncset.done $0x0  }
0xd6: {  	[sflag:s22] =	ssyncadd.s32 $0xFFFFD300  }
0xd7: {  	_ =	swait.ge [sflag:s22], $0x2D00  }
0xd8: {  	[sflag:s22] =	ssyncset.done $0x0  }
0xd9: {  	[sflag:s22] =	ssyncadd.s32 $0xFFFFD300  }
0xda: {  	_ =	swait.ge [sflag:s22], $0x2D00  }
0xdb: {  	[sflag:s22] =	ssyncset.done $0x0  }
0xdc: {  	[sflag:s22] =	ssyncadd.s32 $0xFFFFD300  }
0xdd: {  	_ =	swait.ge [sflag:s22], $0x2D00  }
0xde: {  	[sflag:s22] =	ssyncset.done $0x0  }
0xdf: {  	[sflag:s22] =	ssyncadd.s32 $0xFFFFD300  }
0xe0: {  	_ =	swait.ge [sflag:s22], $0x2D00  }
0xe1: {  	[sflag:s22] =	ssyncset.done $0x0  }
0xe2: {  	[sflag:s22] =	ssyncadd.s32 $0xFFFFD300  }
0xe3: {  	_ =	swait.ge [sflag:s22], $0x2D00  }
0xe4: {  	[sflag:s22] =	ssyncset.done $0x0  }
0xe5: {  	[sflag:s22] =	ssyncadd.s32 $0xFFFFD300  }
0xe6: {  	_ =	swait.ge [sflag:s22], $0x2490  }
0xe7: {  	[sflag:s22] =	ssyncset.done $0x0  }
0xe8: {  	[sflag:s22] =	ssyncadd.s32 $0xFFFFDB70  }
0xe9: {  	_ =	swait.ge [sflag:s6], $0x50  }
0xea: {  	[sflag:s6] =	ssyncset.done $0x0  }
0xeb: {  	[sflag:s6] =	ssyncadd.s32 $0xFFFFFFB0  }
0xec: {  	v1 =	vld [tilespmem:$0x16030];
	_ =	sdelay $0x1  }
0xed: {  	v2 =	vld [tilespmem:$0x16040];
	_ =	sdelay $0x1  }
0xee: {  	v3 =	vld [tilespmem:$0x16050]  }
0xef: {  	v62 =	vshrl.u32 v1, $0xF  }
0xf0: {  	v63 =	vld [tilespmem:$0x16060];
	v1 =	vand.u32 $0x7FFF, v1;
	[tilespmem:$0x16120] =	vst v62  }
0xf1: {  	[tilespmem:$0x16210] =	vst v1;
	v1 =	vshrl.u32 v2, $0xF  }
0xf2: {  	[tilespmem:$0x16130] =	vst v1;
	v1 =	vand.u32 $0x7FFF, v2;
	v2 =	vld [tilespmem:$0x16070]  }
0xf3: {  	[tilespmem:$0x16220] =	vst v1;
	v1 =	vshrl.u32 v3, $0xF  }
0xf4: {  	[tilespmem:$0x16140] =	vst v1;
	v1 =	vand.u32 $0x7FFF, v3  }
0xf5: {  	[tilespmem:$0x16230] =	vst v1;
	v1 =	vshrl.u32 v63, $0xF  }
0xf6: {  	[tilespmem:$0x16150] =	vst v1;
	v1 =	vand.u32 $0x7FFF, v63  }
0xf7: {  	[tilespmem:$0x16240] =	vst v1;
	v1 =	vshrl.u32 v2, $0xF  }
0xf8: {  	[tilespmem:$0x16160] =	vst v1;
	v1 =	vand.u32 $0x7FFF, v2  }
0xf9: {  	s11 =	simm.s32 $0x16120;
	[tilespmem:$0x16250] =	vst v1  }
0xfa: {  	[tilespmem:s0], [sflag:$0x6] =	stream.indirect.gather [hbm4b:s5+s8], $0x90, s11, s8, $0xb8;
	[tilespmem:$0x1E960] =	vst v63  }
0xfb: {  	s15 =	simm.s32 $0x16148;
	s25 =	simm.s32 $0x1D2E0  }
0xfc: {  	[tilespmem:s25], [sflag:$0x6] =	stream.indirect.gather [hbm4b:s5+s8], $0x90, s15, s8, $0xb8;
	[tilespmem:$0x1E960] =	vst v63  }
0xfd: {  	[bflag:$0x0] =	sbarrier.arrive $0xFFFF  }
0xfe: {  	s25 =	simm.s32 $0x0;
	s10 =	rddreg [dreg:$0x15]  }
.LBB2_4:
0xff: {  	_ =	swait.ge [sflag:s12], $0x1680  }
0x100: {  	[sflag:s12] =	ssyncset.done $0x0  }
0x101: {  	[sflag:s12] =	ssyncadd.s32 $0xFFFFE980  }
0x102: {  	_ =	swait.ge [sflag:s12], $0x1680  }
0x103: {  	[sflag:s12] =	ssyncset.done $0x0  }
0x104: {  	[sflag:s12] =	ssyncadd.s32 $0xFFFFE980  }
0x105: {  	[spmem:s3] =	stream.indirect.scatter.add.f32 [tilespmem:s14], [sflag:$0x7], $0x90, s26, s13, $0xb8;
	[tilespmem:$0x1E960] =	vst v63  }
0x106: {  	s11 =	sshrl.u32 s10, $0x3;
	s9 =	rddreg [dreg:$0x1]  }
0x107: {  	s15 =	simm.s32 $0x15F90;
	s11 =	sadd.s32 s9, s11  }
0x108: {  	[tilespmem:s15], [sflag:$0x1] =	stream.linear.gather [hbm4b:s11+s4], $0x50, $0x38;
	[tilespmem:$0x1E960] =	vst v63  }
0x109: {  	_ =	swait.ge [sflag:s28], $0x1680  }
0x10a: {  	[sflag:s28] =	ssyncset.done $0x0  }
0x10b: {  	[sflag:s28] =	ssyncadd.s32 $0xFFFFE980  }
0x10c: {  	_ =	swait.ge [sflag:s28], $0x1680  }
0x10d: {  	[sflag:s28] =	ssyncset.done $0x0  }
0x10e: {  	[sflag:s28] =	ssyncadd.s32 $0xFFFFE980  }
0x10f: {  	[spmem:s3] =	stream.indirect.scatter.add.f32 [tilespmem:s19], [sflag:$0x8], $0x90, s29, s13, $0xb8;
	[tilespmem:$0x1E960] =	vst v63  }
0x110: {  	s9 =	sadd.s32 s25, s24;
	s15 =	simm.s32 $0x15FE0  }
0x111: {  	[tilespmem:s15], [sflag:$0x2] =	stream.linear.gather [hbm4b:s9+s4], $0x50, $0x38;
	[tilespmem:$0x1E960] =	vst v63  }
0x112: {  	_ =	swait.ge [sflag:s7], $0x1680  }
0x113: {  	[sflag:s7] =	ssyncset.done $0x0  }
0x114: {  	[sflag:s7] =	ssyncadd.s32 $0xFFFFE980  }
0x115: {  	_ =	swait.ge [sflag:s7], $0x1680  }
0x116: {  	[sflag:s7] =	ssyncset.done $0x0  }
0x117: {  	p0 =	seq.s32 s25, $0x4B0;
	[sflag:s7] =	ssyncadd.s32 $0xFFFFE980  }
0x118: {  	[spmem:s3] =	stream.indirect.scatter.add.f32 [tilespmem:s0], [sflag:$0x9], $0x90, s2, s13, $0xb8;
	[tilespmem:$0x1E960] =	vst v63  }
0x119: {  	s11 =	sadd.s32 @!p0 s25, s23;
	s9 =	simm.s32 @!p0 $0x0;
	s15 =	simm.s32 @!p0 $0x16030  }
0x11a: {  	[tilespmem:s15], [sflag:$0x3] =	stream.linear.gather @!p0 [hbm4b:s11+s9], $0x50, $0x38;
	[tilespmem:$0x1E960] =	vst v63  }
0x11b: {  	_ =	swait.ge [sflag:s22], $0x2D00  }
0x11c: {  	[sflag:s22] =	ssyncset.done $0x0  }
0x11d: {  	[sflag:s22] =	ssyncadd.s32 $0xFFFFD300  }
0x11e: {  	_ =	swait.ge [sflag:s1], $0x50  }
0x11f: {  	[sflag:s1] =	ssyncset.done $0x0  }
0x120: {  	[sflag:s1] =	ssyncadd.s32 $0xFFFFFFB0  }
0x121: {  	v1 =	vld [tilespmem:$0x15F90];
	_ =	sdelay $0x1  }
0x122: {  	v2 =	vld [tilespmem:$0x15FA0];
	_ =	sdelay $0x1  }
0x123: {  	v3 =	vld [tilespmem:$0x15FB0]  }
0x124: {  	v4 =	vshrl.u32 v1, $0xF  }
0x125: {  	v61 =	vld [tilespmem:$0x15FC0];
	v1 =	vand.u32 $0x7FFF, v1;
	[tilespmem:$0x16080] =	vst v4  }
0x126: {  	[tilespmem:$0x16170] =	vst v1;
	v1 =	vshrl.u32 v2, $0xF  }
0x127: {  	[tilespmem:$0x16090] =	vst v1;
	v1 =	vand.u32 $0x7FFF, v2;
	v2 =	vld [tilespmem:$0x15FD0]  }
0x128: {  	[tilespmem:$0x16180] =	vst v1;
	v1 =	vshrl.u32 v3, $0xF  }
0x129: {  	[tilespmem:$0x160A0] =	vst v1;
	v1 =	vand.u32 $0x7FFF, v3  }
0x12a: {  	[tilespmem:$0x16190] =	vst v1;
	v1 =	vshrl.u32 v61, $0xF  }
0x12b: {  	[tilespmem:$0x160B0] =	vst v1;
	v1 =	vand.u32 $0x7FFF, v61  }
0x12c: {  	[tilespmem:$0x161A0] =	vst v1;
	v1 =	vshrl.u32 v2, $0xF  }
0x12d: {  	[tilespmem:$0x160C0] =	vst v1;
	v1 =	vand.u32 $0x7FFF, v2  }
0x12e: {  	s11 =	simm.s32 $0x16080;
	[tilespmem:$0x161B0] =	vst v1  }
0x12f: {  	[tilespmem:s14], [sflag:$0x4] =	stream.indirect.gather [hbm4b:s5+s8], $0x90, s11, s8, $0xb8;
	[tilespmem:$0x1E960] =	vst v63  }
0x130: {  	s15 =	simm.s32 $0x160A8  }
0x131: {  	[tilespmem:s16], [sflag:$0x4] =	stream.indirect.gather [hbm4b:s5+s8], $0x90, s15, s8, $0xb8;
	[tilespmem:$0x1E960] =	vst v63  }
0x132: {  	_ =	swait.ge [sflag:s30], $0x2D00  }
0x133: {  	[sflag:s30] =	ssyncset.done $0x0  }
0x134: {  	[sflag:s30] =	ssyncadd.s32 $0xFFFFD300  }
0x135: {  	_ =	swait.ge [sflag:s17], $0x50  }
0x136: {  	[sflag:s17] =	ssyncset.done $0x0  }
0x137: {  	[sflag:s17] =	ssyncadd.s32 $0xFFFFFFB0  }
0x138: {  	v1 =	vld [tilespmem:$0x15FE0];
	_ =	sdelay $0x1  }
0x139: {  	v2 =	vld [tilespmem:$0x15FF0];
	_ =	sdelay $0x1  }
0x13a: {  	v3 =	vld [tilespmem:$0x16000]  }
0x13b: {  	v62 =	vshrl.u32 v1, $0xF  }
0x13c: {  	v63 =	vld [tilespmem:$0x16010];
	v1 =	vand.u32 $0x7FFF, v1;
	[tilespmem:$0x160D0] =	vst v62  }
0x13d: {  	[tilespmem:$0x161C0] =	vst v1;
	v1 =	vshrl.u32 v2, $0xF  }
0x13e: {  	[tilespmem:$0x160E0] =	vst v1;
	v1 =	vand.u32 $0x7FFF, v2;
	v2 =	vld [tilespmem:$0x16020]  }
0x13f: {  	[tilespmem:$0x161D0] =	vst v1;
	v1 =	vshrl.u32 v3, $0xF  }
0x140: {  	[tilespmem:$0x160F0] =	vst v1;
	v1 =	vand.u32 $0x7FFF, v3  }
0x141: {  	[tilespmem:$0x161E0] =	vst v1;
	v1 =	vshrl.u32 v63, $0xF  }
0x142: {  	[tilespmem:$0x16100] =	vst v1;
	v1 =	vand.u32 $0x7FFF, v63  }
0x143: {  	[tilespmem:$0x161F0] =	vst v1;
	v1 =	vshrl.u32 v2, $0xF  }
0x144: {  	[tilespmem:$0x16110] =	vst v1;
	v1 =	vand.u32 $0x7FFF, v2  }
0x145: {  	[tilespmem:$0x16200] =	vst v1  }
0x146: {  	[tilespmem:s19], [sflag:$0x5] =	stream.indirect.gather [hbm4b:s5+s8], $0x90, s18, s8, $0xb8;
	[tilespmem:$0x1E960] =	vst v63  }
.Ltmp3:
0x147: {  	_ = 	snop;
	(pc) =	sbr.rel @p0 .LBB2_6-.Ltmp3, $4  }
0x148: {  	[tilespmem:s21], [sflag:$0x5] =	stream.indirect.gather [hbm4b:s5+s8], $0x90, s20, s8, $0xb8;
	[tilespmem:$0x1E960] =	vst v63  }
0x149: {  	_ =	swait.ge [sflag:s31], $0x2D00  }
0x14a: {  	[sflag:s31] =	ssyncset.done $0x0  }
0x14b: {  	[sflag:s31] =	ssyncadd.s32 $0xFFFFD300  }
0x14c: {  	_ =	swait.ge [sflag:s6], $0x50  }
0x14d: {  	[sflag:s6] =	ssyncset.done $0x0  }
0x14e: {  	[sflag:s6] =	ssyncadd.s32 $0xFFFFFFB0  }
0x14f: {  	v1 =	vld [tilespmem:$0x16030];
	_ =	sdelay $0x1  }
0x150: {  	v2 =	vld [tilespmem:$0x16040];
	_ =	sdelay $0x1  }
0x151: {  	v3 =	vld [tilespmem:$0x16050]  }
0x152: {  	v4 =	vshrl.u32 v1, $0xF  }
0x153: {  	v63 =	vld [tilespmem:$0x16060];
	v1 =	vand.u32 $0x7FFF, v1;
	[tilespmem:$0x16120] =	vst v4  }
0x154: {  	[tilespmem:$0x16210] =	vst v1;
	v1 =	vshrl.u32 v2, $0xF  }
0x155: {  	[tilespmem:$0x16130] =	vst v1;
	v1 =	vand.u32 $0x7FFF, v2;
	v2 =	vld [tilespmem:$0x16070]  }
0x156: {  	[tilespmem:$0x16220] =	vst v1;
	v1 =	vshrl.u32 v3, $0xF  }
0x157: {  	[tilespmem:$0x16140] =	vst v1;
	v1 =	vand.u32 $0x7FFF, v3  }
0x158: {  	[tilespmem:$0x16230] =	vst v1;
	v1 =	vshrl.u32 v63, $0xF  }
0x159: {  	[tilespmem:$0x16150] =	vst v1;
	v1 =	vand.u32 $0x7FFF, v63  }
0x15a: {  	[tilespmem:$0x16240] =	vst v1;
	v1 =	vshrl.u32 v2, $0xF  }
.Ltmp4:
0x15b: {  	[tilespmem:$0x16160] =	vst v1;
	v1 =	vand.u32 $0x7FFF, v2;
	(pc) =	sbr.rel .LBB2_4-.Ltmp4, $4  }
0x15c: {  	s9 =	simm.s32 $0x16120;
	s15 =	simm.s32 $0x16148;
	[tilespmem:$0x16250] =	vst v1  }
0x15d: {  	[tilespmem:s0], [sflag:$0x6] =	stream.indirect.gather [hbm4b:s5+s8], $0x90, s9, s8, $0xb8;
	[tilespmem:$0x1E960] =	vst v63  }
0x15e: {  	s11 =	simm.s32 $0x1D2E0;
	s25 =	sadd.s32 $0x1E, s25;
	s10 =	sadd.s32 $0xF0, s10  }
0x15f: {  	[tilespmem:s11], [sflag:$0x6] =	stream.indirect.gather [hbm4b:s5+s8], $0x90, s15, s8, $0xb8;
	[tilespmem:$0x1E960] =	vst v63  }
.LBB2_7:
0x160: {  	_ =	sfence.sel $0x180000  }
0x161: {  	[bflag:$0x0] =	sbarrier.arrive $0xFFFF  }
0x162: {  	_ =	strace $0x90000047  }
0x163: {  	s0 =	stileid.u32;
	[bflag:$0x2] =	sbarrier.arrive $0xFFFF  }
0x164: {  	p0 =	sne.s32 s0, $0x0;
	s0 =	rddreg [dreg:$0x3]  }
0x165: {  	s0 =	sadd.s32 @!p0 $0x100000, s0  }
0x166: {  	[sflag:s0] =	ssyncadd.tile.s32 @!p0 $0x1;
	_ =	shalt  }
.Lfunc_end2:
_tile_overlayer_lowered:
.L_overlay_start_2:
0x167: {  	(tag) =	ssettag $0x2  }
0x168: {  	s0 =	rddreg [dreg:$0x0];
	s2 =	stileid.u32  }
0x169: {  	s1 =	rddreg [dreg:$0x1];
	p0 =	sne.s32 s2, $0x0  }
0x16a: {  	s3 =	rddreg [dreg:$0x2];
	[bflag:$0x3] =	sbarrier.arrive $0xFFFF;
	s2 =	simm.s32 @!p0 $0x1C0A  }
0x16b: {  	[timem:s3], [sflag:s2] =	dma.local @!p0 [hbm:s0], s1  }
0x16c: {  	s0 =	simm.s32 @!p0 $0xA  }
0x16d: {  	_ =	swait.ge @!p0 [sflag:s0], s1  }
0x16e: {  	s1 =	ssub.s32 @!p0 $0x0, s1;
	[sflag:s0] =	ssyncset.done @!p0 $0x0  }
0x16f: {  	[sflag:s0] =	ssyncadd.s32 @!p0 s1  }
0x170: {  	[bflag:$0x3] =	sbarrier.arrive $0xFFFF  }
0x171: {  	_ =	shalt  }

</sc_bundles>
